<compile_context>
chip_gen: v7x
topology: tpu7x:2x2x1
jax: 0.10.2.dev20260603
libtpu: 0.0.44.dev20260713+nightly
codegen_flags: <defaults>
</compile_context>

<pallas_src>
import functools

import jax
import jax.numpy as jnp
from jax import lax
from jax.experimental import pallas as pl
from jax.experimental.pallas import tpu as pltpu
from jax.experimental.pallas import tpu_sc as plsc

N = 10000
D = 128
E = 320000
NP = 10240
NTILES = 32
CH = 128
NCH = 80
EPT = NCH * CH
EPAD = NTILES * EPT
ROWS_PER_TILE = NP // 16


def _mesh():
    return plsc.VectorSubcoreMesh(core_axis_name="c", subcore_axis_name="s")


def _sc_deg(dst_blk):
    @functools.partial(
        pl.kernel,
        mesh=_mesh(),
        out_type=jax.ShapeDtypeStruct((2, NP), jnp.float32),
        scratch_types=[
            pltpu.VMEM((NCH, CH), jnp.int32),
            pltpu.VMEM((CH,), jnp.float32),
            pltpu.VMEM((ROWS_PER_TILE,), jnp.float32),
            pltpu.VMEM_SHARED((NP,), jnp.float32),
        ],
    )
    def k(dst_hbm, out_hbm, dstv, onesv, zerosv, deg_acc):
        c = lax.axis_index("c")
        s = lax.axis_index("s")
        wid = s * 2 + c
        for i in range(CH // 16):
            onesv[pl.ds(i * 16, 16)] = jnp.ones((16,), jnp.float32)
        for i in range(ROWS_PER_TILE // 16):
            zerosv[pl.ds(i * 16, 16)] = jnp.zeros((16,), jnp.float32)
        base = s * ROWS_PER_TILE
        pltpu.sync_copy(zerosv, deg_acc.at[pl.ds(base, ROWS_PER_TILE)])
        pltpu.sync_copy(dst_hbm.at[wid], dstv)
        plsc.subcore_barrier()

        def step(j, carry):
            pltpu.sync_copy(onesv, deg_acc.at[dstv.at[j]], add=True)
            return carry

        lax.fori_loop(0, NCH, step, 0)
        plsc.subcore_barrier()
        pltpu.sync_copy(deg_acc.at[pl.ds(base, ROWS_PER_TILE)],
                        out_hbm.at[c, pl.ds(base, ROWS_PER_TILE)])

    return k(dst_blk)


def _sc_agg(h, src_blk, dst_blk):
    @functools.partial(
        pl.kernel,
        mesh=_mesh(),
        out_type=jax.ShapeDtypeStruct((2, NP, D), jnp.float32),
        scratch_types=[
            pltpu.VMEM((NCH // 2, CH), jnp.int32),
            pltpu.VMEM((NCH // 2, CH), jnp.int32),
            pltpu.VMEM((2, CH, D), jnp.float32),
            pltpu.VMEM_SHARED((NP, D), jnp.float32),
            pltpu.SemaphoreType.DMA,
            pltpu.SemaphoreType.DMA,
        ],
    )
    def k(h_hbm, src_hbm, dst_hbm, out_hbm, srcv, dstv, rows, acc, sem0, sem1):
        c = lax.axis_index("c")
        s = lax.axis_index("s")
        wid = s * 2 + c
        base = s * ROWS_PER_TILE
        pltpu.sync_copy(h_hbm.at[pl.ds(base, ROWS_PER_TILE)],
                        acc.at[pl.ds(base, ROWS_PER_TILE)])
        plsc.subcore_barrier()

        def step(i, carry):
            j = i * 2
            cp0 = pltpu.async_copy(h_hbm.at[srcv.at[j]], rows.at[0], sem0)
            cp1 = pltpu.async_copy(h_hbm.at[srcv.at[j + 1]], rows.at[1], sem1)
            cp0.wait()
            pltpu.sync_copy(rows.at[0], acc.at[dstv.at[j]], add=True)
            cp1.wait()
            pltpu.sync_copy(rows.at[1], acc.at[dstv.at[j + 1]], add=True)
            return carry

        for half in range(2):
            pltpu.sync_copy(src_hbm.at[wid, pl.ds(half * (NCH // 2), NCH // 2)],
                            srcv)
            pltpu.sync_copy(dst_hbm.at[wid, pl.ds(half * (NCH // 2), NCH // 2)],
                            dstv)
            lax.fori_loop(0, NCH // 4, step, 0)
        plsc.subcore_barrier()
        pltpu.sync_copy(acc.at[pl.ds(base, ROWS_PER_TILE)],
                        out_hbm.at[c, pl.ds(base, ROWS_PER_TILE)])

    return k(h, src_blk, dst_blk)


def _tc_dinv(degp2):
    def body(degp_ref, o_ref):
        o_ref[...] = lax.rsqrt(degp_ref[0] + degp_ref[1] + 1.0)

    return pl.pallas_call(
        body, out_shape=jax.ShapeDtypeStruct((NP // D, D), jnp.float32)
    )(degp2)


def _tc_pre(x_pad, W1, dinvf):
    def body(x_ref, w_ref, dinv_ref, o_ref):
        h = jnp.dot(x_ref[...], w_ref[...], preferred_element_type=jnp.float32)
        o_ref[...] = h * dinv_ref[...]

    return pl.pallas_call(
        body, out_shape=jax.ShapeDtypeStruct((NP, D), jnp.float32)
    )(x_pad, W1, dinvf)


def _tc_mid(p, h_prev, dinvf, b, g, be, W_next):
    def body(p_ref, h_ref, dinv_ref, b_ref, g_ref, be_ref, w_ref, o_ref):
        z = (p_ref[0] + p_ref[1] - h_ref[...]) * dinv_ref[...] + b_ref[...]
        rid = lax.broadcasted_iota(jnp.int32, (NP, D), 0)
        valid = rid < N
        zm = jnp.where(valid, z, 0.0)
        mean = jnp.sum(zm, axis=0, keepdims=True) * (1.0 / N)
        d0 = jnp.where(valid, z - mean, 0.0)
        var = jnp.sum(d0 * d0, axis=0, keepdims=True) * (1.0 / N)
        y = (z - mean) * lax.rsqrt(var + 1e-5) * g_ref[...] + be_ref[...]
        y = jnp.where(valid, jnp.maximum(y, 0.0), 0.0)
        o_ref[...] = jnp.dot(
            y, w_ref[...], preferred_element_type=jnp.float32
        ) * dinv_ref[...]

    return pl.pallas_call(
        body, out_shape=jax.ShapeDtypeStruct((NP, D), jnp.float32)
    )(p, h_prev, dinvf, b, g, be, W_next)


def _tc_final(p, h_prev, dinvf, b):
    def body(p_ref, h_ref, dinv_ref, b_ref, o_ref):
        z = (p_ref[0] + p_ref[1] - h_ref[...]) * dinv_ref[...] + b_ref[...]
        m = jnp.max(z, axis=1, keepdims=True)
        e = jnp.exp(z - m)
        o_ref[...] = e / jnp.sum(e, axis=1, keepdims=True)

    return pl.pallas_call(
        body, out_shape=jax.ShapeDtypeStruct((NP, D), jnp.float32)
    )(p, h_prev, dinvf, b)


def kernel(x, edge_index, W1, b1, g1, be1, W2, b2, g2, be2, W3, b3):
    src = edge_index[0].astype(jnp.int32)
    dst = edge_index[1].astype(jnp.int32)
    pad = jnp.arange(EPAD - E, dtype=jnp.int32)
    src_p = jnp.concatenate([src, pad % N])
    dst_p = jnp.concatenate([dst, N + pad % (NP - N)])
    src_blk = src_p.reshape(NTILES, NCH, CH)
    dst_blk = dst_p.reshape(NTILES, NCH, CH)
    x_pad = jnp.pad(x, ((0, NP - N), (0, 0)))
    b1r, b2r, b3r = b1.reshape(1, D), b2.reshape(1, D), b3.reshape(1, D)
    g1r, g2r = g1.reshape(1, D), g2.reshape(1, D)
    be1r, be2r = be1.reshape(1, D), be2.reshape(1, D)

    degp = _sc_deg(dst_blk)
    dinv = _tc_dinv(degp.reshape(2, NP // D, D))
    dinvf = jnp.broadcast_to(dinv.reshape(NP, 1), (NP, D))

    h1 = _tc_pre(x_pad, W1, dinvf)
    p1 = _sc_agg(h1, src_blk, dst_blk)
    h2 = _tc_mid(p1, h1, dinvf, b1r, g1r, be1r, W2)
    p2 = _sc_agg(h2, src_blk, dst_blk)
    h3 = _tc_mid(p2, h2, dinvf, b2r, g2r, be2r, W3)
    p3 = _sc_agg(h3, src_blk, dst_blk)
    out = _tc_final(p3, h3, dinvf, b3r)
    return out[:N]

# --- scband reference (transcript-rebuilt; emitter-appended) ---
"""Pipeline reference for scband-gcn-29549374997149 (READ-ONLY COPY).

The authoritative reference and input builder live on the scoring server;
editing this copy changes nothing except your own understanding.
"""

import jax, jax.numpy as jnp
import numpy as np

N = 10000
E = 320000
D = 128


def gcn_conv(x, src, dst, W, b):
    n = x.shape[0]
    deg = jnp.zeros((n,), dtype=x.dtype).at[dst].add(1.0)
    dinv = jnp.where(deg > 0, 1.0 / jnp.sqrt(deg), 0.0)
    norm = dinv[src] * dinv[dst]
    h = x @ W
    msg = h[src] * norm[:, None]
    out = jnp.zeros_like(h).at[dst].add(msg)
    return out + b


def batchnorm(x, gamma, beta, eps=1e-5):
    mean = jnp.mean(x, axis=0)
    var = jnp.var(x, axis=0)
    return (x - mean) / jnp.sqrt(var + eps) * gamma + beta


def setup_inputs(seed: int = 0):
    key = jax.random.key(seed)
    ks = jax.random.split(key, 8)
    x = jax.random.normal(ks[0], (N, D), dtype=jnp.float32)
    edge_index = jax.random.randint(ks[1], (2, E), 0, N)
    s = 1.0 / np.sqrt(D)
    W1 = jax.random.normal(ks[2], (D, D), dtype=jnp.float32) * s
    W2 = jax.random.normal(ks[3], (D, D), dtype=jnp.float32) * s
    W3 = jax.random.normal(ks[4], (D, D), dtype=jnp.float32) * s
    b1 = jnp.zeros((D,), dtype=jnp.float32)
    b2 = jnp.zeros((D,), dtype=jnp.float32)
    b3 = jnp.zeros((D,), dtype=jnp.float32)
    g1 = jnp.ones((D,), dtype=jnp.float32)
    be1 = jnp.zeros((D,), dtype=jnp.float32)
    g2 = jnp.ones((D,), dtype=jnp.float32)
    be2 = jnp.zeros((D,), dtype=jnp.float32)
    return {"x": x, "edge_index": edge_index, "W1": W1, "b1": b1, "g1": g1, "be1": be1,
            "W2": W2, "b2": b2, "g2": g2, "be2": be2, "W3": W3, "b3": b3}


def reference(x, edge_index, W1, b1, g1, be1, W2, b2, g2, be2, W3, b3):
    n = x.shape[0]
    loops = jnp.arange(n)
    src = jnp.concatenate([edge_index[0], loops])
    dst = jnp.concatenate([edge_index[1], loops])
    h = gcn_conv(x, src, dst, W1, b1)
    h = jax.nn.relu(batchnorm(h, g1, be1))
    h = gcn_conv(h, src, dst, W2, b2)
    h = jax.nn.relu(batchnorm(h, g2, be2))
    h = gcn_conv(h, src, dst, W3, b3)
    return jax.nn.softmax(h, axis=1)

if __name__ == "__main__":
    import jax
    _d = setup_inputs()
    print(jax.jit(kernel)(*tuple(_d.values())))

</pallas_src>

<mosaic_0001>
#map = affine_map<(d0, d1) -> (0, 0, 0)>
#map1 = affine_map<(d0, d1) -> (0, 0)>
module attributes {stable_mosaic.version = 14 : i64} {
  func.func @k(%arg0: i32, %arg1: i32, %arg2: memref<32x80x128xi32, #tpu.memory_space<hbm>>, %arg3: memref<2x10240xf32, #tpu.memory_space<hbm>>, %arg4: memref<80x128xi32, #tpu.memory_space<vmem>>, %arg5: memref<128xf32, #tpu.memory_space<vmem>>, %arg6: memref<640xf32, #tpu.memory_space<vmem>>, %arg7: memref<10240xf32, #tpu.memory_space<vmem_shared>>) attributes {dimension_semantics = [#tpu.dimension_semantics<core_parallel>, #tpu.dimension_semantics<subcore_parallel>], iteration_bounds = array<i64: 2, 16>, scalar_prefetch = 0 : i64, scratch_operands = 4 : i64, tpu.core_type = #tpu.core_type<sc_vector_subcore>, window_params = [{transform_indices = #map}, {transform_indices = #map1}]} {
    %mul3A = arith.constant 2 : i32
    %mul3A_0 = arith.muli %arg1, %mul3A : i32
    %add3A = arith.addi %mul3A_0, %arg0 : i32
    %broadcast_in_dim3A = arith.constant 1.000000e+00 : f32
    %broadcast_in_dim3A_1 = vector.broadcast %broadcast_in_dim3A : f32 to vector<16xf32>
    %swap3A = arith.constant 0 : index
    %swap3A_2 = tpu.vector_load %arg5[%swap3A] {strides = array<i32>} : memref<128xf32, #tpu.memory_space<vmem>>, vector<16xf32>,
    %swap3A_3 = vector.shape_cast %swap3A_2 : vector<16xf32> to vector<16xf32>
    %swap3A_4 = vector.shape_cast %broadcast_in_dim3A_1 : vector<16xf32> to vector<16xf32>
    tpu.vector_store %arg5[%swap3A], %swap3A_4 {strides = array<i32>} : memref<128xf32, #tpu.memory_space<vmem>>, vector<16xf32>,
    %broadcast_in_dim3A_5 = arith.constant 1.000000e+00 : f32
    %broadcast_in_dim3A_6 = vector.broadcast %broadcast_in_dim3A_5 : f32 to vector<16xf32>
    %swap3A_7 = arith.constant 16 : index
    %swap3A_8 = tpu.vector_load %arg5[%swap3A_7] {strides = array<i32>} : memref<128xf32, #tpu.memory_space<vmem>>, vector<16xf32>,
    %swap3A_9 = vector.shape_cast %swap3A_8 : vector<16xf32> to vector<16xf32>
    %swap3A_10 = vector.shape_cast %broadcast_in_dim3A_6 : vector<16xf32> to vector<16xf32>
    tpu.vector_store %arg5[%swap3A_7], %swap3A_10 {strides = array<i32>} : memref<128xf32, #tpu.memory_space<vmem>>, vector<16xf32>,
    %broadcast_in_dim3A_11 = arith.constant 1.000000e+00 : f32
    %broadcast_in_dim3A_12 = vector.broadcast %broadcast_in_dim3A_11 : f32 to vector<16xf32>
    %swap3A_13 = arith.constant 32 : index
    %swap3A_14 = tpu.vector_load %arg5[%swap3A_13] {strides = array<i32>} : memref<128xf32, #tpu.memory_space<vmem>>, vector<16xf32>,
    %swap3A_15 = vector.shape_cast %swap3A_14 : vector<16xf32> to vector<16xf32>
    %swap3A_16 = vector.shape_cast %broadcast_in_dim3A_12 : vector<16xf32> to vector<16xf32>
    tpu.vector_store %arg5[%swap3A_13], %swap3A_16 {strides = array<i32>} : memref<128xf32, #tpu.memory_space<vmem>>, vector<16xf32>,
    %broadcast_in_dim3A_17 = arith.constant 1.000000e+00 : f32
    %broadcast_in_dim3A_18 = vector.broadcast %broadcast_in_dim3A_17 : f32 to vector<16xf32>
    %swap3A_19 = arith.constant 48 : index
    %swap3A_20 = tpu.vector_load %arg5[%swap3A_19] {strides = array<i32>} : memref<128xf32, #tpu.memory_space<vmem>>, vector<16xf32>,
    %swap3A_21 = vector.shape_cast %swap3A_20 : vector<16xf32> to vector<16xf32>
    %swap3A_22 = vector.shape_cast %broadcast_in_dim3A_18 : vector<16xf32> to vector<16xf32>
    tpu.vector_store %arg5[%swap3A_19], %swap3A_22 {strides = array<i32>} : memref<128xf32, #tpu.memory_space<vmem>>, vector<16xf32>,
    %broadcast_in_dim3A_23 = arith.constant 1.000000e+00 : f32
    %broadcast_in_dim3A_24 = vector.broadcast %broadcast_in_dim3A_23 : f32 to vector<16xf32>
    %swap3A_25 = arith.constant 64 : index
    %swap3A_26 = tpu.vector_load %arg5[%swap3A_25] {strides = array<i32>} : memref<128xf32, #tpu.memory_space<vmem>>, vector<16xf32>,
    %swap3A_27 = vector.shape_cast %swap3A_26 : vector<16xf32> to vector<16xf32>
    %swap3A_28 = vector.shape_cast %broadcast_in_dim3A_24 : vector<16xf32> to vector<16xf32>
    tpu.vector_store %arg5[%swap3A_25], %swap3A_28 {strides = array<i32>} : memref<128xf32, #tpu.memory_space<vmem>>, vector<16xf32>,
    %broadcast_in_dim3A_29 = arith.constant 1.000000e+00 : f32
    %broadcast_in_dim3A_30 = vector.broadcast %broadcast_in_dim3A_29 : f32 to vector<16xf32>
    %swap3A_31 = arith.constant 80 : index
    %swap3A_32 = tpu.vector_load %arg5[%swap3A_31] {strides = array<i32>} : memref<128xf32, #tpu.memory_space<vmem>>, vector<16xf32>,
    %swap3A_33 = vector.shape_cast %swap3A_32 : vector<16xf32> to vector<16xf32>
    %swap3A_34 = vector.shape_cast %broadcast_in_dim3A_30 : vector<16xf32> to vector<16xf32>
    tpu.vector_store %arg5[%swap3A_31], %swap3A_34 {strides = array<i32>} : memref<128xf32, #tpu.memory_space<vmem>>, vector<16xf32>,
    %broadcast_in_dim3A_35 = arith.constant 1.000000e+00 : f32
    %broadcast_in_dim3A_36 = vector.broadcast %broadcast_in_dim3A_35 : f32 to vector<16xf32>
    %swap3A_37 = arith.constant 96 : index
    %swap3A_38 = tpu.vector_load %arg5[%swap3A_37] {strides = array<i32>} : memref<128xf32, #tpu.memory_space<vmem>>, vector<16xf32>,
    %swap3A_39 = vector.shape_cast %swap3A_38 : vector<16xf32> to vector<16xf32>
    %swap3A_40 = vector.shape_cast %broadcast_in_dim3A_36 : vector<16xf32> to vector<16xf32>
    tpu.vector_store %arg5[%swap3A_37], %swap3A_40 {strides = array<i32>} : memref<128xf32, #tpu.memory_space<vmem>>, vector<16xf32>,
    %broadcast_in_dim3A_41 = arith.constant 1.000000e+00 : f32
    %broadcast_in_dim3A_42 = vector.broadcast %broadcast_in_dim3A_41 : f32 to vector<16xf32>
    %swap3A_43 = arith.constant 112 : index
    %swap3A_44 = tpu.vector_load %arg5[%swap3A_43] {strides = array<i32>} : memref<128xf32, #tpu.memory_space<vmem>>, vector<16xf32>,
    %swap3A_45 = vector.shape_cast %swap3A_44 : vector<16xf32> to vector<16xf32>
    %swap3A_46 = vector.shape_cast %broadcast_in_dim3A_42 : vector<16xf32> to vector<16xf32>
    tpu.vector_store %arg5[%swap3A_43], %swap3A_46 {strides = array<i32>} : memref<128xf32, #tpu.memory_space<vmem>>, vector<16xf32>,
    %broadcast_in_dim3A_47 = arith.constant 0.000000e+00 : f32
    %broadcast_in_dim3A_48 = vector.broadcast %broadcast_in_dim3A_47 : f32 to vector<16xf32>
    %swap3A_49 = arith.constant 0 : index
    %swap3A_50 = tpu.vector_load %arg6[%swap3A_49] {strides = array<i32>} : memref<640xf32, #tpu.memory_space<vmem>>, vector<16xf32>,
    %swap3A_51 = vector.shape_cast %swap3A_50 : vector<16xf32> to vector<16xf32>
    %swap3A_52 = vector.shape_cast %broadcast_in_dim3A_48 : vector<16xf32> to vector<16xf32>
    tpu.vector_store %arg6[%swap3A_49], %swap3A_52 {strides = array<i32>} : memref<640xf32, #tpu.memory_space<vmem>>, vector<16xf32>,
    %broadcast_in_dim3A_53 = arith.constant 0.000000e+00 : f32
    %broadcast_in_dim3A_54 = vector.broadcast %broadcast_in_dim3A_53 : f32 to vector<16xf32>
    %swap3A_55 = arith.constant 16 : index
    %swap3A_56 = tpu.vector_load %arg6[%swap3A_55] {strides = array<i32>} : memref<640xf32, #tpu.memory_space<vmem>>, vector<16xf32>,
    %swap3A_57 = vector.shape_cast %swap3A_56 : vector<16xf32> to vector<16xf32>
    %swap3A_58 = vector.shape_cast %broadcast_in_dim3A_54 : vector<16xf32> to vector<16xf32>
    tpu.vector_store %arg6[%swap3A_55], %swap3A_58 {strides = array<i32>} : memref<640xf32, #tpu.memory_space<vmem>>, vector<16xf32>,
    %broadcast_in_dim3A_59 = arith.constant 0.000000e+00 : f32
    %broadcast_in_dim3A_60 = vector.broadcast %broadcast_in_dim3A_59 : f32 to vector<16xf32>
    %swap3A_61 = arith.constant 32 : index
    %swap3A_62 = tpu.vector_load %arg6[%swap3A_61] {strides = array<i32>} : memref<640xf32, #tpu.memory_space<vmem>>, vector<16xf32>,
    %swap3A_63 = vector.shape_cast %swap3A_62 : vector<16xf32> to vector<16xf32>
    %swap3A_64 = vector.shape_cast %broadcast_in_dim3A_60 : vector<16xf32> to vector<16xf32>
    tpu.vector_store %arg6[%swap3A_61], %swap3A_64 {strides = array<i32>} : memref<640xf32, #tpu.memory_space<vmem>>, vector<16xf32>,
    %broadcast_in_dim3A_65 = arith.constant 0.000000e+00 : f32
    %broadcast_in_dim3A_66 = vector.broadcast %broadcast_in_dim3A_65 : f32 to vector<16xf32>
    %swap3A_67 = arith.constant 48 : index
    %swap3A_68 = tpu.vector_load %arg6[%swap3A_67] {strides = array<i32>} : memref<640xf32, #tpu.memory_space<vmem>>, vector<16xf32>,
    %swap3A_69 = vector.shape_cast %swap3A_68 : vector<16xf32> to vector<16xf32>
    %swap3A_70 = vector.shape_cast %broadcast_in_dim3A_66 : vector<16xf32> to vector<16xf32>
    tpu.vector_store %arg6[%swap3A_67], %swap3A_70 {strides = array<i32>} : memref<640xf32, #tpu.memory_space<vmem>>, vector<16xf32>,
    %broadcast_in_dim3A_71 = arith.constant 0.000000e+00 : f32
    %broadcast_in_dim3A_72 = vector.broadcast %broadcast_in_dim3A_71 : f32 to vector<16xf32>
    %swap3A_73 = arith.constant 64 : index
    %swap3A_74 = tpu.vector_load %arg6[%swap3A_73] {strides = array<i32>} : memref<640xf32, #tpu.memory_space<vmem>>, vector<16xf32>,
    %swap3A_75 = vector.shape_cast %swap3A_74 : vector<16xf32> to vector<16xf32>
    %swap3A_76 = vector.shape_cast %broadcast_in_dim3A_72 : vector<16xf32> to vector<16xf32>
    tpu.vector_store %arg6[%swap3A_73], %swap3A_76 {strides = array<i32>} : memref<640xf32, #tpu.memory_space<vmem>>, vector<16xf32>,
    %broadcast_in_dim3A_77 = arith.constant 0.000000e+00 : f32
    %broadcast_in_dim3A_78 = vector.broadcast %broadcast_in_dim3A_77 : f32 to vector<16xf32>
    %swap3A_79 = arith.constant 80 : index
    %swap3A_80 = tpu.vector_load %arg6[%swap3A_79] {strides = array<i32>} : memref<640xf32, #tpu.memory_space<vmem>>, vector<16xf32>,
    %swap3A_81 = vector.shape_cast %swap3A_80 : vector<16xf32> to vector<16xf32>
    %swap3A_82 = vector.shape_cast %broadcast_in_dim3A_78 : vector<16xf32> to vector<16xf32>
    tpu.vector_store %arg6[%swap3A_79], %swap3A_82 {strides = array<i32>} : memref<640xf32, #tpu.memory_space<vmem>>, vector<16xf32>,
    %broadcast_in_dim3A_83 = arith.constant 0.000000e+00 : f32
    %broadcast_in_dim3A_84 = vector.broadcast %broadcast_in_dim3A_83 : f32 to vector<16xf32>
    %swap3A_85 = arith.constant 96 : index
    %swap3A_86 = tpu.vector_load %arg6[%swap3A_85] {strides = array<i32>} : memref<640xf32, #tpu.memory_space<vmem>>, vector<16xf32>,
    %swap3A_87 = vector.shape_cast %swap3A_86 : vector<16xf32> to vector<16xf32>
    %swap3A_88 = vector.shape_cast %broadcast_in_dim3A_84 : vector<16xf32> to vector<16xf32>
    tpu.vector_store %arg6[%swap3A_85], %swap3A_88 {strides = array<i32>} : memref<640xf32, #tpu.memory_space<vmem>>, vector<16xf32>,
    %broadcast_in_dim3A_89 = arith.constant 0.000000e+00 : f32
    %broadcast_in_dim3A_90 = vector.broadcast %broadcast_in_dim3A_89 : f32 to vector<16xf32>
    %swap3A_91 = arith.constant 112 : index
    %swap3A_92 = tpu.vector_load %arg6[%swap3A_91] {strides = array<i32>} : memref<640xf32, #tpu.memory_space<vmem>>, vector<16xf32>,
    %swap3A_93 = vector.shape_cast %swap3A_92 : vector<16xf32> to vector<16xf32>
    %swap3A_94 = vector.shape_cast %broadcast_in_dim3A_90 : vector<16xf32> to vector<16xf32>
    tpu.vector_store %arg6[%swap3A_91], %swap3A_94 {strides = array<i32>} : memref<640xf32, #tpu.memory_space<vmem>>, vector<16xf32>,
    %broadcast_in_dim3A_95 = arith.constant 0.000000e+00 : f32
    %broadcast_in_dim3A_96 = vector.broadcast %broadcast_in_dim3A_95 : f32 to vector<16xf32>
    %swap3A_97 = arith.constant 128 : index
    %swap3A_98 = tpu.vector_load %arg6[%swap3A_97] {strides = array<i32>} : memref<640xf32, #tpu.memory_space<vmem>>, vector<16xf32>,
    %swap3A_99 = vector.shape_cast %swap3A_98 : vector<16xf32> to vector<16xf32>
    %swap3A_100 = vector.shape_cast %broadcast_in_dim3A_96 : vector<16xf32> to vector<16xf32>
    tpu.vector_store %arg6[%swap3A_97], %swap3A_100 {strides = array<i32>} : memref<640xf32, #tpu.memory_space<vmem>>, vector<16xf32>,
    %broadcast_in_dim3A_101 = arith.constant 0.000000e+00 : f32
    %broadcast_in_dim3A_102 = vector.broadcast %broadcast_in_dim3A_101 : f32 to vector<16xf32>
    %swap3A_103 = arith.constant 144 : index
    %swap3A_104 = tpu.vector_load %arg6[%swap3A_103] {strides = array<i32>} : memref<640xf32, #tpu.memory_space<vmem>>, vector<16xf32>,
    %swap3A_105 = vector.shape_cast %swap3A_104 : vector<16xf32> to vector<16xf32>
    %swap3A_106 = vector.shape_cast %broadcast_in_dim3A_102 : vector<16xf32> to vector<16xf32>
    tpu.vector_store %arg6[%swap3A_103], %swap3A_106 {strides = array<i32>} : memref<640xf32, #tpu.memory_space<vmem>>, vector<16xf32>,
    %broadcast_in_dim3A_107 = arith.constant 0.000000e+00 : f32
    %broadcast_in_dim3A_108 = vector.broadcast %broadcast_in_dim3A_107 : f32 to vector<16xf32>
    %swap3A_109 = arith.constant 160 : index
    %swap3A_110 = tpu.vector_load %arg6[%swap3A_109] {strides = array<i32>} : memref<640xf32, #tpu.memory_space<vmem>>, vector<16xf32>,
    %swap3A_111 = vector.shape_cast %swap3A_110 : vector<16xf32> to vector<16xf32>
    %swap3A_112 = vector.shape_cast %broadcast_in_dim3A_108 : vector<16xf32> to vector<16xf32>
    tpu.vector_store %arg6[%swap3A_109], %swap3A_112 {strides = array<i32>} : memref<640xf32, #tpu.memory_space<vmem>>, vector<16xf32>,
    %broadcast_in_dim3A_113 = arith.constant 0.000000e+00 : f32
    %broadcast_in_dim3A_114 = vector.broadcast %broadcast_in_dim3A_113 : f32 to vector<16xf32>
    %swap3A_115 = arith.constant 176 : index
    %swap3A_116 = tpu.vector_load %arg6[%swap3A_115] {strides = array<i32>} : memref<640xf32, #tpu.memory_space<vmem>>, vector<16xf32>,
    %swap3A_117 = vector.shape_cast %swap3A_116 : vector<16xf32> to vector<16xf32>
    %swap3A_118 = vector.shape_cast %broadcast_in_dim3A_114 : vector<16xf32> to vector<16xf32>
    tpu.vector_store %arg6[%swap3A_115], %swap3A_118 {strides = array<i32>} : memref<640xf32, #tpu.memory_space<vmem>>, vector<16xf32>,
    %broadcast_in_dim3A_119 = arith.constant 0.000000e+00 : f32
    %broadcast_in_dim3A_120 = vector.broadcast %broadcast_in_dim3A_119 : f32 to vector<16xf32>
    %swap3A_121 = arith.constant 192 : index
    %swap3A_122 = tpu.vector_load %arg6[%swap3A_121] {strides = array<i32>} : memref<640xf32, #tpu.memory_space<vmem>>, vector<16xf32>,
    %swap3A_123 = vector.shape_cast %swap3A_122 : vector<16xf32> to vector<16xf32>
    %swap3A_124 = vector.shape_cast %broadcast_in_dim3A_120 : vector<16xf32> to vector<16xf32>
    tpu.vector_store %arg6[%swap3A_121], %swap3A_124 {strides = array<i32>} : memref<640xf32, #tpu.memory_space<vmem>>, vector<16xf32>,
    %broadcast_in_dim3A_125 = arith.constant 0.000000e+00 : f32
    %broadcast_in_dim3A_126 = vector.broadcast %broadcast_in_dim3A_125 : f32 to vector<16xf32>
    %swap3A_127 = arith.constant 208 : index
    %swap3A_128 = tpu.vector_load %arg6[%swap3A_127] {strides = array<i32>} : memref<640xf32, #tpu.memory_space<vmem>>, vector<16xf32>,
    %swap3A_129 = vector.shape_cast %swap3A_128 : vector<16xf32> to vector<16xf32>
    %swap3A_130 = vector.shape_cast %broadcast_in_dim3A_126 : vector<16xf32> to vector<16xf32>
    tpu.vector_store %arg6[%swap3A_127], %swap3A_130 {strides = array<i32>} : memref<640xf32, #tpu.memory_space<vmem>>, vector<16xf32>,
    %broadcast_in_dim3A_131 = arith.constant 0.000000e+00 : f32
    %broadcast_in_dim3A_132 = vector.broadcast %broadcast_in_dim3A_131 : f32 to vector<16xf32>
    %swap3A_133 = arith.constant 224 : index
    %swap3A_134 = tpu.vector_load %arg6[%swap3A_133] {strides = array<i32>} : memref<640xf32, #tpu.memory_space<vmem>>, vector<16xf32>,
    %swap3A_135 = vector.shape_cast %swap3A_134 : vector<16xf32> to vector<16xf32>
    %swap3A_136 = vector.shape_cast %broadcast_in_dim3A_132 : vector<16xf32> to vector<16xf32>
    tpu.vector_store %arg6[%swap3A_133], %swap3A_136 {strides = array<i32>} : memref<640xf32, #tpu.memory_space<vmem>>, vector<16xf32>,
    %broadcast_in_dim3A_137 = arith.constant 0.000000e+00 : f32
    %broadcast_in_dim3A_138 = vector.broadcast %broadcast_in_dim3A_137 : f32 to vector<16xf32>
    %swap3A_139 = arith.constant 240 : index
    %swap3A_140 = tpu.vector_load %arg6[%swap3A_139] {strides = array<i32>} : memref<640xf32, #tpu.memory_space<vmem>>, vector<16xf32>,
    %swap3A_141 = vector.shape_cast %swap3A_140 : vector<16xf32> to vector<16xf32>
    %swap3A_142 = vector.shape_cast %broadcast_in_dim3A_138 : vector<16xf32> to vector<16xf32>
    tpu.vector_store %arg6[%swap3A_139], %swap3A_142 {strides = array<i32>} : memref<640xf32, #tpu.memory_space<vmem>>, vector<16xf32>,
    %broadcast_in_dim3A_143 = arith.constant 0.000000e+00 : f32
    %broadcast_in_dim3A_144 = vector.broadcast %broadcast_in_dim3A_143 : f32 to vector<16xf32>
    %swap3A_145 = arith.constant 256 : index
    %swap3A_146 = tpu.vector_load %arg6[%swap3A_145] {strides = array<i32>} : memref<640xf32, #tpu.memory_space<vmem>>, vector<16xf32>,
    %swap3A_147 = vector.shape_cast %swap3A_146 : vector<16xf32> to vector<16xf32>
    %swap3A_148 = vector.shape_cast %broadcast_in_dim3A_144 : vector<16xf32> to vector<16xf32>
    tpu.vector_store %arg6[%swap3A_145], %swap3A_148 {strides = array<i32>} : memref<640xf32, #tpu.memory_space<vmem>>, vector<16xf32>,
    %broadcast_in_dim3A_149 = arith.constant 0.000000e+00 : f32
    %broadcast_in_dim3A_150 = vector.broadcast %broadcast_in_dim3A_149 : f32 to vector<16xf32>
    %swap3A_151 = arith.constant 272 : index
    %swap3A_152 = tpu.vector_load %arg6[%swap3A_151] {strides = array<i32>} : memref<640xf32, #tpu.memory_space<vmem>>, vector<16xf32>,
    %swap3A_153 = vector.shape_cast %swap3A_152 : vector<16xf32> to vector<16xf32>
    %swap3A_154 = vector.shape_cast %broadcast_in_dim3A_150 : vector<16xf32> to vector<16xf32>
    tpu.vector_store %arg6[%swap3A_151], %swap3A_154 {strides = array<i32>} : memref<640xf32, #tpu.memory_space<vmem>>, vector<16xf32>,
    %broadcast_in_dim3A_155 = arith.constant 0.000000e+00 : f32
    %broadcast_in_dim3A_156 = vector.broadcast %broadcast_in_dim3A_155 : f32 to vector<16xf32>
    %swap3A_157 = arith.constant 288 : index
    %swap3A_158 = tpu.vector_load %arg6[%swap3A_157] {strides = array<i32>} : memref<640xf32, #tpu.memory_space<vmem>>, vector<16xf32>,
    %swap3A_159 = vector.shape_cast %swap3A_158 : vector<16xf32> to vector<16xf32>
    %swap3A_160 = vector.shape_cast %broadcast_in_dim3A_156 : vector<16xf32> to vector<16xf32>
    tpu.vector_store %arg6[%swap3A_157], %swap3A_160 {strides = array<i32>} : memref<640xf32, #tpu.memory_space<vmem>>, vector<16xf32>,
    %broadcast_in_dim3A_161 = arith.constant 0.000000e+00 : f32
    %broadcast_in_dim3A_162 = vector.broadcast %broadcast_in_dim3A_161 : f32 to vector<16xf32>
    %swap3A_163 = arith.constant 304 : index
    %swap3A_164 = tpu.vector_load %arg6[%swap3A_163] {strides = array<i32>} : memref<640xf32, #tpu.memory_space<vmem>>, vector<16xf32>,
    %swap3A_165 = vector.shape_cast %swap3A_164 : vector<16xf32> to vector<16xf32>
    %swap3A_166 = vector.shape_cast %broadcast_in_dim3A_162 : vector<16xf32> to vector<16xf32>
    tpu.vector_store %arg6[%swap3A_163], %swap3A_166 {strides = array<i32>} : memref<640xf32, #tpu.memory_space<vmem>>, vector<16xf32>,
    %broadcast_in_dim3A_167 = arith.constant 0.000000e+00 : f32
    %broadcast_in_dim3A_168 = vector.broadcast %broadcast_in_dim3A_167 : f32 to vector<16xf32>
    %swap3A_169 = arith.constant 320 : index
    %swap3A_170 = tpu.vector_load %arg6[%swap3A_169] {strides = array<i32>} : memref<640xf32, #tpu.memory_space<vmem>>, vector<16xf32>,
    %swap3A_171 = vector.shape_cast %swap3A_170 : vector<16xf32> to vector<16xf32>
    %swap3A_172 = vector.shape_cast %broadcast_in_dim3A_168 : vector<16xf32> to vector<16xf32>
    tpu.vector_store %arg6[%swap3A_169], %swap3A_172 {strides = array<i32>} : memref<640xf32, #tpu.memory_space<vmem>>, vector<16xf32>,
    %broadcast_in_dim3A_173 = arith.constant 0.000000e+00 : f32
    %broadcast_in_dim3A_174 = vector.broadcast %broadcast_in_dim3A_173 : f32 to vector<16xf32>
    %swap3A_175 = arith.constant 336 : index
    %swap3A_176 = tpu.vector_load %arg6[%swap3A_175] {strides = array<i32>} : memref<640xf32, #tpu.memory_space<vmem>>, vector<16xf32>,
    %swap3A_177 = vector.shape_cast %swap3A_176 : vector<16xf32> to vector<16xf32>
    %swap3A_178 = vector.shape_cast %broadcast_in_dim3A_174 : vector<16xf32> to vector<16xf32>
    tpu.vector_store %arg6[%swap3A_175], %swap3A_178 {strides = array<i32>} : memref<640xf32, #tpu.memory_space<vmem>>, vector<16xf32>,
    %broadcast_in_dim3A_179 = arith.constant 0.000000e+00 : f32
    %broadcast_in_dim3A_180 = vector.broadcast %broadcast_in_dim3A_179 : f32 to vector<16xf32>
    %swap3A_181 = arith.constant 352 : index
    %swap3A_182 = tpu.vector_load %arg6[%swap3A_181] {strides = array<i32>} : memref<640xf32, #tpu.memory_space<vmem>>, vector<16xf32>,
    %swap3A_183 = vector.shape_cast %swap3A_182 : vector<16xf32> to vector<16xf32>
    %swap3A_184 = vector.shape_cast %broadcast_in_dim3A_180 : vector<16xf32> to vector<16xf32>
    tpu.vector_store %arg6[%swap3A_181], %swap3A_184 {strides = array<i32>} : memref<640xf32, #tpu.memory_space<vmem>>, vector<16xf32>,
    %broadcast_in_dim3A_185 = arith.constant 0.000000e+00 : f32
    %broadcast_in_dim3A_186 = vector.broadcast %broadcast_in_dim3A_185 : f32 to vector<16xf32>
    %swap3A_187 = arith.constant 368 : index
    %swap3A_188 = tpu.vector_load %arg6[%swap3A_187] {strides = array<i32>} : memref<640xf32, #tpu.memory_space<vmem>>, vector<16xf32>,
    %swap3A_189 = vector.shape_cast %swap3A_188 : vector<16xf32> to vector<16xf32>
    %swap3A_190 = vector.shape_cast %broadcast_in_dim3A_186 : vector<16xf32> to vector<16xf32>
    tpu.vector_store %arg6[%swap3A_187], %swap3A_190 {strides = array<i32>} : memref<640xf32, #tpu.memory_space<vmem>>, vector<16xf32>,
    %broadcast_in_dim3A_191 = arith.constant 0.000000e+00 : f32
    %broadcast_in_dim3A_192 = vector.broadcast %broadcast_in_dim3A_191 : f32 to vector<16xf32>
    %swap3A_193 = arith.constant 384 : index
    %swap3A_194 = tpu.vector_load %arg6[%swap3A_193] {strides = array<i32>} : memref<640xf32, #tpu.memory_space<vmem>>, vector<16xf32>,
    %swap3A_195 = vector.shape_cast %swap3A_194 : vector<16xf32> to vector<16xf32>
    %swap3A_196 = vector.shape_cast %broadcast_in_dim3A_192 : vector<16xf32> to vector<16xf32>
    tpu.vector_store %arg6[%swap3A_193], %swap3A_196 {strides = array<i32>} : memref<640xf32, #tpu.memory_space<vmem>>, vector<16xf32>,
    %broadcast_in_dim3A_197 = arith.constant 0.000000e+00 : f32
    %broadcast_in_dim3A_198 = vector.broadcast %broadcast_in_dim3A_197 : f32 to vector<16xf32>
    %swap3A_199 = arith.constant 400 : index
    %swap3A_200 = tpu.vector_load %arg6[%swap3A_199] {strides = array<i32>} : memref<640xf32, #tpu.memory_space<vmem>>, vector<16xf32>,
    %swap3A_201 = vector.shape_cast %swap3A_200 : vector<16xf32> to vector<16xf32>
    %swap3A_202 = vector.shape_cast %broadcast_in_dim3A_198 : vector<16xf32> to vector<16xf32>
    tpu.vector_store %arg6[%swap3A_199], %swap3A_202 {strides = array<i32>} : memref<640xf32, #tpu.memory_space<vmem>>, vector<16xf32>,
    %broadcast_in_dim3A_203 = arith.constant 0.000000e+00 : f32
    %broadcast_in_dim3A_204 = vector.broadcast %broadcast_in_dim3A_203 : f32 to vector<16xf32>
    %swap3A_205 = arith.constant 416 : index
    %swap3A_206 = tpu.vector_load %arg6[%swap3A_205] {strides = array<i32>} : memref<640xf32, #tpu.memory_space<vmem>>, vector<16xf32>,
    %swap3A_207 = vector.shape_cast %swap3A_206 : vector<16xf32> to vector<16xf32>
    %swap3A_208 = vector.shape_cast %broadcast_in_dim3A_204 : vector<16xf32> to vector<16xf32>
    tpu.vector_store %arg6[%swap3A_205], %swap3A_208 {strides = array<i32>} : memref<640xf32, #tpu.memory_space<vmem>>, vector<16xf32>,
    %broadcast_in_dim3A_209 = arith.constant 0.000000e+00 : f32
    %broadcast_in_dim3A_210 = vector.broadcast %broadcast_in_dim3A_209 : f32 to vector<16xf32>
    %swap3A_211 = arith.constant 432 : index
    %swap3A_212 = tpu.vector_load %arg6[%swap3A_211] {strides = array<i32>} : memref<640xf32, #tpu.memory_space<vmem>>, vector<16xf32>,
    %swap3A_213 = vector.shape_cast %swap3A_212 : vector<16xf32> to vector<16xf32>
    %swap3A_214 = vector.shape_cast %broadcast_in_dim3A_210 : vector<16xf32> to vector<16xf32>
    tpu.vector_store %arg6[%swap3A_211], %swap3A_214 {strides = array<i32>} : memref<640xf32, #tpu.memory_space<vmem>>, vector<16xf32>,
    %broadcast_in_dim3A_215 = arith.constant 0.000000e+00 : f32
    %broadcast_in_dim3A_216 = vector.broadcast %broadcast_in_dim3A_215 : f32 to vector<16xf32>
    %swap3A_217 = arith.constant 448 : index
    %swap3A_218 = tpu.vector_load %arg6[%swap3A_217] {strides = array<i32>} : memref<640xf32, #tpu.memory_space<vmem>>, vector<16xf32>,
    %swap3A_219 = vector.shape_cast %swap3A_218 : vector<16xf32> to vector<16xf32>
    %swap3A_220 = vector.shape_cast %broadcast_in_dim3A_216 : vector<16xf32> to vector<16xf32>
    tpu.vector_store %arg6[%swap3A_217], %swap3A_220 {strides = array<i32>} : memref<640xf32, #tpu.memory_space<vmem>>, vector<16xf32>,
    %broadcast_in_dim3A_221 = arith.constant 0.000000e+00 : f32
    %broadcast_in_dim3A_222 = vector.broadcast %broadcast_in_dim3A_221 : f32 to vector<16xf32>
    %swap3A_223 = arith.constant 464 : index
    %swap3A_224 = tpu.vector_load %arg6[%swap3A_223] {strides = array<i32>} : memref<640xf32, #tpu.memory_space<vmem>>, vector<16xf32>,
    %swap3A_225 = vector.shape_cast %swap3A_224 : vector<16xf32> to vector<16xf32>
    %swap3A_226 = vector.shape_cast %broadcast_in_dim3A_222 : vector<16xf32> to vector<16xf32>
    tpu.vector_store %arg6[%swap3A_223], %swap3A_226 {strides = array<i32>} : memref<640xf32, #tpu.memory_space<vmem>>, vector<16xf32>,
    %broadcast_in_dim3A_227 = arith.constant 0.000000e+00 : f32
    %broadcast_in_dim3A_228 = vector.broadcast %broadcast_in_dim3A_227 : f32 to vector<16xf32>
    %swap3A_229 = arith.constant 480 : index
    %swap3A_230 = tpu.vector_load %arg6[%swap3A_229] {strides = array<i32>} : memref<640xf32, #tpu.memory_space<vmem>>, vector<16xf32>,
    %swap3A_231 = vector.shape_cast %swap3A_230 : vector<16xf32> to vector<16xf32>
    %swap3A_232 = vector.shape_cast %broadcast_in_dim3A_228 : vector<16xf32> to vector<16xf32>
    tpu.vector_store %arg6[%swap3A_229], %swap3A_232 {strides = array<i32>} : memref<640xf32, #tpu.memory_space<vmem>>, vector<16xf32>,
    %broadcast_in_dim3A_233 = arith.constant 0.000000e+00 : f32
    %broadcast_in_dim3A_234 = vector.broadcast %broadcast_in_dim3A_233 : f32 to vector<16xf32>
    %swap3A_235 = arith.constant 496 : index
    %swap3A_236 = tpu.vector_load %arg6[%swap3A_235] {strides = array<i32>} : memref<640xf32, #tpu.memory_space<vmem>>, vector<16xf32>,
    %swap3A_237 = vector.shape_cast %swap3A_236 : vector<16xf32> to vector<16xf32>
    %swap3A_238 = vector.shape_cast %broadcast_in_dim3A_234 : vector<16xf32> to vector<16xf32>
    tpu.vector_store %arg6[%swap3A_235], %swap3A_238 {strides = array<i32>} : memref<640xf32, #tpu.memory_space<vmem>>, vector<16xf32>,
    %broadcast_in_dim3A_239 = arith.constant 0.000000e+00 : f32
    %broadcast_in_dim3A_240 = vector.broadcast %broadcast_in_dim3A_239 : f32 to vector<16xf32>
    %swap3A_241 = arith.constant 512 : index
    %swap3A_242 = tpu.vector_load %arg6[%swap3A_241] {strides = array<i32>} : memref<640xf32, #tpu.memory_space<vmem>>, vector<16xf32>,
    %swap3A_243 = vector.shape_cast %swap3A_242 : vector<16xf32> to vector<16xf32>
    %swap3A_244 = vector.shape_cast %broadcast_in_dim3A_240 : vector<16xf32> to vector<16xf32>
    tpu.vector_store %arg6[%swap3A_241], %swap3A_244 {strides = array<i32>} : memref<640xf32, #tpu.memory_space<vmem>>, vector<16xf32>,
    %broadcast_in_dim3A_245 = arith.constant 0.000000e+00 : f32
    %broadcast_in_dim3A_246 = vector.broadcast %broadcast_in_dim3A_245 : f32 to vector<16xf32>
    %swap3A_247 = arith.constant 528 : index
    %swap3A_248 = tpu.vector_load %arg6[%swap3A_247] {strides = array<i32>} : memref<640xf32, #tpu.memory_space<vmem>>, vector<16xf32>,
    %swap3A_249 = vector.shape_cast %swap3A_248 : vector<16xf32> to vector<16xf32>
    %swap3A_250 = vector.shape_cast %broadcast_in_dim3A_246 : vector<16xf32> to vector<16xf32>
    tpu.vector_store %arg6[%swap3A_247], %swap3A_250 {strides = array<i32>} : memref<640xf32, #tpu.memory_space<vmem>>, vector<16xf32>,
    %broadcast_in_dim3A_251 = arith.constant 0.000000e+00 : f32
    %broadcast_in_dim3A_252 = vector.broadcast %broadcast_in_dim3A_251 : f32 to vector<16xf32>
    %swap3A_253 = arith.constant 544 : index
    %swap3A_254 = tpu.vector_load %arg6[%swap3A_253] {strides = array<i32>} : memref<640xf32, #tpu.memory_space<vmem>>, vector<16xf32>,
    %swap3A_255 = vector.shape_cast %swap3A_254 : vector<16xf32> to vector<16xf32>
    %swap3A_256 = vector.shape_cast %broadcast_in_dim3A_252 : vector<16xf32> to vector<16xf32>
    tpu.vector_store %arg6[%swap3A_253], %swap3A_256 {strides = array<i32>} : memref<640xf32, #tpu.memory_space<vmem>>, vector<16xf32>,
    %broadcast_in_dim3A_257 = arith.constant 0.000000e+00 : f32
    %broadcast_in_dim3A_258 = vector.broadcast %broadcast_in_dim3A_257 : f32 to vector<16xf32>
    %swap3A_259 = arith.constant 560 : index
    %swap3A_260 = tpu.vector_load %arg6[%swap3A_259] {strides = array<i32>} : memref<640xf32, #tpu.memory_space<vmem>>, vector<16xf32>,
    %swap3A_261 = vector.shape_cast %swap3A_260 : vector<16xf32> to vector<16xf32>
    %swap3A_262 = vector.shape_cast %broadcast_in_dim3A_258 : vector<16xf32> to vector<16xf32>
    tpu.vector_store %arg6[%swap3A_259], %swap3A_262 {strides = array<i32>} : memref<640xf32, #tpu.memory_space<vmem>>, vector<16xf32>,
    %broadcast_in_dim3A_263 = arith.constant 0.000000e+00 : f32
    %broadcast_in_dim3A_264 = vector.broadcast %broadcast_in_dim3A_263 : f32 to vector<16xf32>
    %swap3A_265 = arith.constant 576 : index
    %swap3A_266 = tpu.vector_load %arg6[%swap3A_265] {strides = array<i32>} : memref<640xf32, #tpu.memory_space<vmem>>, vector<16xf32>,
    %swap3A_267 = vector.shape_cast %swap3A_266 : vector<16xf32> to vector<16xf32>
    %swap3A_268 = vector.shape_cast %broadcast_in_dim3A_264 : vector<16xf32> to vector<16xf32>
    tpu.vector_store %arg6[%swap3A_265], %swap3A_268 {strides = array<i32>} : memref<640xf32, #tpu.memory_space<vmem>>, vector<16xf32>,
    %broadcast_in_dim3A_269 = arith.constant 0.000000e+00 : f32
    %broadcast_in_dim3A_270 = vector.broadcast %broadcast_in_dim3A_269 : f32 to vector<16xf32>
    %swap3A_271 = arith.constant 592 : index
    %swap3A_272 = tpu.vector_load %arg6[%swap3A_271] {strides = array<i32>} : memref<640xf32, #tpu.memory_space<vmem>>, vector<16xf32>,
    %swap3A_273 = vector.shape_cast %swap3A_272 : vector<16xf32> to vector<16xf32>
    %swap3A_274 = vector.shape_cast %broadcast_in_dim3A_270 : vector<16xf32> to vector<16xf32>
    tpu.vector_store %arg6[%swap3A_271], %swap3A_274 {strides = array<i32>} : memref<640xf32, #tpu.memory_space<vmem>>, vector<16xf32>,
    %broadcast_in_dim3A_275 = arith.constant 0.000000e+00 : f32
    %broadcast_in_dim3A_276 = vector.broadcast %broadcast_in_dim3A_275 : f32 to vector<16xf32>
    %swap3A_277 = arith.constant 608 : index
    %swap3A_278 = tpu.vector_load %arg6[%swap3A_277] {strides = array<i32>} : memref<640xf32, #tpu.memory_space<vmem>>, vector<16xf32>,
    %swap3A_279 = vector.shape_cast %swap3A_278 : vector<16xf32> to vector<16xf32>
    %swap3A_280 = vector.shape_cast %broadcast_in_dim3A_276 : vector<16xf32> to vector<16xf32>
    tpu.vector_store %arg6[%swap3A_277], %swap3A_280 {strides = array<i32>} : memref<640xf32, #tpu.memory_space<vmem>>, vector<16xf32>,
    %broadcast_in_dim3A_281 = arith.constant 0.000000e+00 : f32
    %broadcast_in_dim3A_282 = vector.broadcast %broadcast_in_dim3A_281 : f32 to vector<16xf32>
    %swap3A_283 = arith.constant 624 : index
    %swap3A_284 = tpu.vector_load %arg6[%swap3A_283] {strides = array<i32>} : memref<640xf32, #tpu.memory_space<vmem>>, vector<16xf32>,
    %swap3A_285 = vector.shape_cast %swap3A_284 : vector<16xf32> to vector<16xf32>
    %swap3A_286 = vector.shape_cast %broadcast_in_dim3A_282 : vector<16xf32> to vector<16xf32>
    tpu.vector_store %arg6[%swap3A_283], %swap3A_286 {strides = array<i32>} : memref<640xf32, #tpu.memory_space<vmem>>, vector<16xf32>,
    %mul3A_287 = arith.constant 640 : i32
    %mul3A_288 = arith.muli %arg1, %mul3A_287 : i32
    "tpu.region"() ({
      %run_scoped3A = tpu.sem_alloc : memref<!tpu.dma_semaphore, #tpu.memory_space<semaphore_mem>>
      %dma_start3A = tpu.memref_slice %arg7[%mul3A_288] : memref<10240xf32, #tpu.memory_space<vmem_shared>> -> memref<640xf32, #tpu.memory_space<vmem_shared>>
      %dma_start3A_295 = tpu.memref_slice %arg7[%mul3A_288] : memref<10240xf32, #tpu.memory_space<vmem_shared>> -> memref<640xf32, #tpu.memory_space<vmem_shared>>
      tpu.enqueue_dma source(%arg6 : memref<640xf32, #tpu.memory_space<vmem>>) target(%dma_start3A_295 : memref<640xf32, #tpu.memory_space<vmem_shared>>) target_semaphore(%run_scoped3A : memref<!tpu.dma_semaphore, #tpu.memory_space<semaphore_mem>>)
      %dma_wait3A = tpu.memref_slice %arg7[%mul3A_288] : memref<10240xf32, #tpu.memory_space<vmem_shared>> -> memref<640xf32, #tpu.memory_space<vmem_shared>>
      %dma_wait3A_296 = tpu.memref_slice %arg7[%mul3A_288] : memref<10240xf32, #tpu.memory_space<vmem_shared>> -> memref<640xf32, #tpu.memory_space<vmem_shared>>
      tpu.wait_dma2 semaphore(%run_scoped3A : memref<!tpu.dma_semaphore, #tpu.memory_space<semaphore_mem>>) src(%arg6 : memref<640xf32, #tpu.memory_space<vmem>>) dst(%dma_wait3A_296 : memref<640xf32, #tpu.memory_space<vmem_shared>>)
      tpu.yield
    }) : () -> ()
    "tpu.region"() ({
      %run_scoped3A = tpu.sem_alloc : memref<!tpu.dma_semaphore, #tpu.memory_space<semaphore_mem>>
      %dma_start3A = arith.constant 0 : i32
      %dma_start3A_295 = arith.constant 0 : i32
      %dma_start3A_296 = tpu.memref_slice %arg2[%add3A, %dma_start3A, %dma_start3A_295] : memref<32x80x128xi32, #tpu.memory_space<hbm>> -> memref<1x80x128xi32, #tpu.memory_space<hbm>>
      %dma_start3A_297 = tpu.memref_squeeze %dma_start3A_296 : memref<1x80x128xi32, #tpu.memory_space<hbm>> -> memref<80x128xi32, #tpu.memory_space<hbm>>
      %dma_start3A_298 = arith.constant 0 : i32
      %dma_start3A_299 = arith.constant 0 : i32
      %dma_start3A_300 = tpu.memref_slice %arg2[%add3A, %dma_start3A_298, %dma_start3A_299] : memref<32x80x128xi32, #tpu.memory_space<hbm>> -> memref<1x80x128xi32, #tpu.memory_space<hbm>>
      %dma_start3A_301 = tpu.memref_squeeze %dma_start3A_300 : memref<1x80x128xi32, #tpu.memory_space<hbm>> -> memref<80x128xi32, #tpu.memory_space<hbm>>
      tpu.enqueue_dma source(%dma_start3A_301 : memref<80x128xi32, #tpu.memory_space<hbm>>) target(%arg4 : memref<80x128xi32, #tpu.memory_space<vmem>>) target_semaphore(%run_scoped3A : memref<!tpu.dma_semaphore, #tpu.memory_space<semaphore_mem>>)
      %dma_wait3A = arith.constant 0 : i32
      %dma_wait3A_302 = arith.constant 0 : i32
      %dma_wait3A_303 = tpu.memref_slice %arg2[%add3A, %dma_wait3A, %dma_wait3A_302] : memref<32x80x128xi32, #tpu.memory_space<hbm>> -> memref<1x80x128xi32, #tpu.memory_space<hbm>>
      %dma_wait3A_304 = tpu.memref_squeeze %dma_wait3A_303 : memref<1x80x128xi32, #tpu.memory_space<hbm>> -> memref<80x128xi32, #tpu.memory_space<hbm>>
      %dma_wait3A_305 = arith.constant 0 : i32
      %dma_wait3A_306 = arith.constant 0 : i32
      %dma_wait3A_307 = tpu.memref_slice %arg2[%add3A, %dma_wait3A_305, %dma_wait3A_306] : memref<32x80x128xi32, #tpu.memory_space<hbm>> -> memref<1x80x128xi32, #tpu.memory_space<hbm>>
      %dma_wait3A_308 = tpu.memref_squeeze %dma_wait3A_307 : memref<1x80x128xi32, #tpu.memory_space<hbm>> -> memref<80x128xi32, #tpu.memory_space<hbm>>
      tpu.wait_dma2 semaphore(%run_scoped3A : memref<!tpu.dma_semaphore, #tpu.memory_space<semaphore_mem>>) src(%dma_wait3A_308 : memref<80x128xi32, #tpu.memory_space<hbm>>) dst(%arg4 : memref<80x128xi32, #tpu.memory_space<vmem>>)
      tpu.yield
    }) : () -> ()
    %barrier3A = arith.constant 0 : index
    tpu.barrier barrier_id(%barrier3A)
    %scan3A = arith.constant 0 : i32
    %scan3A_289 = arith.constant 0 : i32
    %scan3A_290 = arith.constant 80 : i32
    %scan3A_291 = arith.addi %scan3A_289, %scan3A_290 : i32
    %scan3A_292 = arith.constant 1 : i32
    scf.for %scan3A_295 = %scan3A_289 to %scan3A_291 step %scan3A_292  : i32 {
      "tpu.region"() ({
        %run_scoped3A = tpu.sem_alloc : memref<!tpu.dma_semaphore, #tpu.memory_space<semaphore_mem>>
        %dma_start3A = arith.constant 0 : i32
        %dma_start3A_296 = tpu.memref_slice %arg4[%scan3A_295, %dma_start3A] : memref<80x128xi32, #tpu.memory_space<vmem>> -> memref<1x128xi32, #tpu.memory_space<vmem>>
        %dma_start3A_297 = tpu.memref_squeeze %dma_start3A_296 : memref<1x128xi32, #tpu.memory_space<vmem>> -> memref<128xi32, #tpu.memory_space<vmem>>
        %dma_start3A_298 = arith.constant 0 : i32
        %dma_start3A_299 = tpu.memref_slice %arg7[%dma_start3A_298] : memref<10240xf32, #tpu.memory_space<vmem_shared>> -> memref<10240xf32, #tpu.memory_space<vmem_shared>>
        tpu.enqueue_indirect_dma source(%arg5 : memref<128xf32, #tpu.memory_space<vmem>>) target(%dma_start3A_299 : memref<10240xf32, #tpu.memory_space<vmem_shared>>) offsets(%dma_start3A_297 : memref<128xi32, #tpu.memory_space<vmem>>) semaphore(%run_scoped3A : memref<!tpu.dma_semaphore, #tpu.memory_space<semaphore_mem>>) {add = true}
        %dma_wait3A = arith.constant 0 : i32
        %dma_wait3A_300 = tpu.memref_slice %arg4[%scan3A_295, %dma_wait3A] : memref<80x128xi32, #tpu.memory_space<vmem>> -> memref<1x128xi32, #tpu.memory_space<vmem>>
        %dma_wait3A_301 = tpu.memref_squeeze %dma_wait3A_300 : memref<1x128xi32, #tpu.memory_space<vmem>> -> memref<128xi32, #tpu.memory_space<vmem>>
        %dma_wait3A_302 = arith.constant 0 : i32
        %dma_wait3A_303 = tpu.memref_slice %arg7[%dma_wait3A_302] : memref<10240xf32, #tpu.memory_space<vmem_shared>> -> memref<10240xf32, #tpu.memory_space<vmem_shared>>
        tpu.wait_indirect_dma semaphore(%run_scoped3A : memref<!tpu.dma_semaphore, #tpu.memory_space<semaphore_mem>>) src(%arg5 : memref<128xf32, #tpu.memory_space<vmem>>) dst(%dma_wait3A_303 : memref<10240xf32, #tpu.memory_space<vmem_shared>>)
        tpu.yield
      }) : () -> ()
    }
    %scan3A_293 = arith.constant 80 : i32
    %barrier3A_294 = arith.constant 0 : index
    tpu.barrier barrier_id(%barrier3A_294)
    "tpu.region"() ({
      %run_scoped3A = tpu.sem_alloc : memref<!tpu.dma_semaphore, #tpu.memory_space<semaphore_mem>>
      %dma_start3A = tpu.memref_slice %arg3[%arg0, %mul3A_288] : memref<2x10240xf32, #tpu.memory_space<hbm>> -> memref<1x640xf32, #tpu.memory_space<hbm>>
      %dma_start3A_295 = tpu.memref_squeeze %dma_start3A : memref<1x640xf32, #tpu.memory_space<hbm>> -> memref<640xf32, #tpu.memory_space<hbm>>
      %dma_start3A_296 = tpu.memref_slice %arg7[%mul3A_288] : memref<10240xf32, #tpu.memory_space<vmem_shared>> -> memref<640xf32, #tpu.memory_space<vmem_shared>>
      tpu.enqueue_dma source(%dma_start3A_296 : memref<640xf32, #tpu.memory_space<vmem_shared>>) target(%dma_start3A_295 : memref<640xf32, #tpu.memory_space<hbm>>) target_semaphore(%run_scoped3A : memref<!tpu.dma_semaphore, #tpu.memory_space<semaphore_mem>>)
      %dma_wait3A = tpu.memref_slice %arg3[%arg0, %mul3A_288] : memref<2x10240xf32, #tpu.memory_space<hbm>> -> memref<1x640xf32, #tpu.memory_space<hbm>>
      %dma_wait3A_297 = tpu.memref_squeeze %dma_wait3A : memref<1x640xf32, #tpu.memory_space<hbm>> -> memref<640xf32, #tpu.memory_space<hbm>>
      %dma_wait3A_298 = tpu.memref_slice %arg7[%mul3A_288] : memref<10240xf32, #tpu.memory_space<vmem_shared>> -> memref<640xf32, #tpu.memory_space<vmem_shared>>
      tpu.wait_dma2 semaphore(%run_scoped3A : memref<!tpu.dma_semaphore, #tpu.memory_space<semaphore_mem>>) src(%dma_wait3A_298 : memref<640xf32, #tpu.memory_space<vmem_shared>>) dst(%dma_wait3A_297 : memref<640xf32, #tpu.memory_space<hbm>>)
      tpu.yield
    }) : () -> ()
    return
  }
}

#map = affine_map<(d0, d1) -> (0, 0)>
#map1 = affine_map<(d0, d1) -> (0, 0, 0)>
module attributes {stable_mosaic.version = 14 : i64} {
  func.func @k(%arg0: i32, %arg1: i32, %arg2: memref<10240x128xf32, #tpu.memory_space<hbm>>, %arg3: memref<32x80x128xi32, #tpu.memory_space<hbm>>, %arg4: memref<32x80x128xi32, #tpu.memory_space<hbm>>, %arg5: memref<2x10240x128xf32, #tpu.memory_space<hbm>>, %arg6: memref<40x128xi32, #tpu.memory_space<vmem>>, %arg7: memref<40x128xi32, #tpu.memory_space<vmem>>, %arg8: memref<2x128x128xf32, #tpu.memory_space<vmem>>, %arg9: memref<10240x128xf32, #tpu.memory_space<vmem_shared>>, %arg10: memref<!tpu.dma_semaphore, #tpu.memory_space<semaphore_mem>>, %arg11: memref<!tpu.dma_semaphore, #tpu.memory_space<semaphore_mem>>) attributes {dimension_semantics = [#tpu.dimension_semantics<core_parallel>, #tpu.dimension_semantics<subcore_parallel>], iteration_bounds = array<i64: 2, 16>, scalar_prefetch = 0 : i64, scratch_operands = 6 : i64, tpu.core_type = #tpu.core_type<sc_vector_subcore>, window_params = [{transform_indices = #map}, {transform_indices = #map1}, {transform_indices = #map1}, {transform_indices = #map1}]} {
    %mul3A = arith.constant 2 : i32
    %mul3A_0 = arith.muli %arg1, %mul3A : i32
    %add3A = arith.addi %mul3A_0, %arg0 : i32
    %mul3A_1 = arith.constant 640 : i32
    %mul3A_2 = arith.muli %arg1, %mul3A_1 : i32
    "tpu.region"() ({
      %run_scoped3A = tpu.sem_alloc : memref<!tpu.dma_semaphore, #tpu.memory_space<semaphore_mem>>
      %dma_start3A = arith.constant 0 : i32
      %dma_start3A_15 = tpu.memref_slice %arg9[%mul3A_2, %dma_start3A] : memref<10240x128xf32, #tpu.memory_space<vmem_shared>> -> memref<640x128xf32, #tpu.memory_space<vmem_shared>>
      %dma_start3A_16 = arith.constant 0 : i32
      %dma_start3A_17 = tpu.memref_slice %arg2[%mul3A_2, %dma_start3A_16] : memref<10240x128xf32, #tpu.memory_space<hbm>> -> memref<640x128xf32, #tpu.memory_space<hbm>>
      tpu.enqueue_dma source(%dma_start3A_17 : memref<640x128xf32, #tpu.memory_space<hbm>>) target(%dma_start3A_15 : memref<640x128xf32, #tpu.memory_space<vmem_shared>>) target_semaphore(%run_scoped3A : memref<!tpu.dma_semaphore, #tpu.memory_space<semaphore_mem>>)
      %dma_wait3A = arith.constant 0 : i32
      %dma_wait3A_18 = tpu.memref_slice %arg9[%mul3A_2, %dma_wait3A] : memref<10240x128xf32, #tpu.memory_space<vmem_shared>> -> memref<640x128xf32, #tpu.memory_space<vmem_shared>>
      %dma_wait3A_19 = arith.constant 0 : i32
      %dma_wait3A_20 = tpu.memref_slice %arg2[%mul3A_2, %dma_wait3A_19] : memref<10240x128xf32, #tpu.memory_space<hbm>> -> memref<640x128xf32, #tpu.memory_space<hbm>>
      tpu.wait_dma2 semaphore(%run_scoped3A : memref<!tpu.dma_semaphore, #tpu.memory_space<semaphore_mem>>) src(%dma_wait3A_20 : memref<640x128xf32, #tpu.memory_space<hbm>>) dst(%dma_wait3A_18 : memref<640x128xf32, #tpu.memory_space<vmem_shared>>)
      tpu.yield
    }) : () -> ()
    %barrier3A = arith.constant 0 : index
    tpu.barrier barrier_id(%barrier3A)
    "tpu.region"() ({
      %run_scoped3A = tpu.sem_alloc : memref<!tpu.dma_semaphore, #tpu.memory_space<semaphore_mem>>
      %dma_start3A = arith.constant 0 : i32
      %dma_start3A_15 = arith.constant 0 : i32
      %dma_start3A_16 = tpu.memref_slice %arg3[%add3A, %dma_start3A, %dma_start3A_15] : memref<32x80x128xi32, #tpu.memory_space<hbm>> -> memref<1x40x128xi32, #tpu.memory_space<hbm>>
      %dma_start3A_17 = tpu.memref_squeeze %dma_start3A_16 : memref<1x40x128xi32, #tpu.memory_space<hbm>> -> memref<40x128xi32, #tpu.memory_space<hbm>>
      %dma_start3A_18 = arith.constant 0 : i32
      %dma_start3A_19 = arith.constant 0 : i32
      %dma_start3A_20 = tpu.memref_slice %arg3[%add3A, %dma_start3A_18, %dma_start3A_19] : memref<32x80x128xi32, #tpu.memory_space<hbm>> -> memref<1x40x128xi32, #tpu.memory_space<hbm>>
      %dma_start3A_21 = tpu.memref_squeeze %dma_start3A_20 : memref<1x40x128xi32, #tpu.memory_space<hbm>> -> memref<40x128xi32, #tpu.memory_space<hbm>>
      tpu.enqueue_dma source(%dma_start3A_21 : memref<40x128xi32, #tpu.memory_space<hbm>>) target(%arg6 : memref<40x128xi32, #tpu.memory_space<vmem>>) target_semaphore(%run_scoped3A : memref<!tpu.dma_semaphore, #tpu.memory_space<semaphore_mem>>)
      %dma_wait3A = arith.constant 0 : i32
      %dma_wait3A_22 = arith.constant 0 : i32
      %dma_wait3A_23 = tpu.memref_slice %arg3[%add3A, %dma_wait3A, %dma_wait3A_22] : memref<32x80x128xi32, #tpu.memory_space<hbm>> -> memref<1x40x128xi32, #tpu.memory_space<hbm>>
      %dma_wait3A_24 = tpu.memref_squeeze %dma_wait3A_23 : memref<1x40x128xi32, #tpu.memory_space<hbm>> -> memref<40x128xi32, #tpu.memory_space<hbm>>
      %dma_wait3A_25 = arith.constant 0 : i32
      %dma_wait3A_26 = arith.constant 0 : i32
      %dma_wait3A_27 = tpu.memref_slice %arg3[%add3A, %dma_wait3A_25, %dma_wait3A_26] : memref<32x80x128xi32, #tpu.memory_space<hbm>> -> memref<1x40x128xi32, #tpu.memory_space<hbm>>
      %dma_wait3A_28 = tpu.memref_squeeze %dma_wait3A_27 : memref<1x40x128xi32, #tpu.memory_space<hbm>> -> memref<40x128xi32, #tpu.memory_space<hbm>>
      tpu.wait_dma2 semaphore(%run_scoped3A : memref<!tpu.dma_semaphore, #tpu.memory_space<semaphore_mem>>) src(%dma_wait3A_28 : memref<40x128xi32, #tpu.memory_space<hbm>>) dst(%arg6 : memref<40x128xi32, #tpu.memory_space<vmem>>)
      tpu.yield
    }) : () -> ()
    "tpu.region"() ({
      %run_scoped3A = tpu.sem_alloc : memref<!tpu.dma_semaphore, #tpu.memory_space<semaphore_mem>>
      %dma_start3A = arith.constant 0 : i32
      %dma_start3A_15 = arith.constant 0 : i32
      %dma_start3A_16 = tpu.memref_slice %arg4[%add3A, %dma_start3A, %dma_start3A_15] : memref<32x80x128xi32, #tpu.memory_space<hbm>> -> memref<1x40x128xi32, #tpu.memory_space<hbm>>
      %dma_start3A_17 = tpu.memref_squeeze %dma_start3A_16 : memref<1x40x128xi32, #tpu.memory_space<hbm>> -> memref<40x128xi32, #tpu.memory_space<hbm>>
      %dma_start3A_18 = arith.constant 0 : i32
      %dma_start3A_19 = arith.constant 0 : i32
      %dma_start3A_20 = tpu.memref_slice %arg4[%add3A, %dma_start3A_18, %dma_start3A_19] : memref<32x80x128xi32, #tpu.memory_space<hbm>> -> memref<1x40x128xi32, #tpu.memory_space<hbm>>
      %dma_start3A_21 = tpu.memref_squeeze %dma_start3A_20 : memref<1x40x128xi32, #tpu.memory_space<hbm>> -> memref<40x128xi32, #tpu.memory_space<hbm>>
      tpu.enqueue_dma source(%dma_start3A_21 : memref<40x128xi32, #tpu.memory_space<hbm>>) target(%arg7 : memref<40x128xi32, #tpu.memory_space<vmem>>) target_semaphore(%run_scoped3A : memref<!tpu.dma_semaphore, #tpu.memory_space<semaphore_mem>>)
      %dma_wait3A = arith.constant 0 : i32
      %dma_wait3A_22 = arith.constant 0 : i32
      %dma_wait3A_23 = tpu.memref_slice %arg4[%add3A, %dma_wait3A, %dma_wait3A_22] : memref<32x80x128xi32, #tpu.memory_space<hbm>> -> memref<1x40x128xi32, #tpu.memory_space<hbm>>
      %dma_wait3A_24 = tpu.memref_squeeze %dma_wait3A_23 : memref<1x40x128xi32, #tpu.memory_space<hbm>> -> memref<40x128xi32, #tpu.memory_space<hbm>>
      %dma_wait3A_25 = arith.constant 0 : i32
      %dma_wait3A_26 = arith.constant 0 : i32
      %dma_wait3A_27 = tpu.memref_slice %arg4[%add3A, %dma_wait3A_25, %dma_wait3A_26] : memref<32x80x128xi32, #tpu.memory_space<hbm>> -> memref<1x40x128xi32, #tpu.memory_space<hbm>>
      %dma_wait3A_28 = tpu.memref_squeeze %dma_wait3A_27 : memref<1x40x128xi32, #tpu.memory_space<hbm>> -> memref<40x128xi32, #tpu.memory_space<hbm>>
      tpu.wait_dma2 semaphore(%run_scoped3A : memref<!tpu.dma_semaphore, #tpu.memory_space<semaphore_mem>>) src(%dma_wait3A_28 : memref<40x128xi32, #tpu.memory_space<hbm>>) dst(%arg7 : memref<40x128xi32, #tpu.memory_space<vmem>>)
      tpu.yield
    }) : () -> ()
    %scan3A = arith.constant 0 : i32
    %scan3A_3 = arith.constant 0 : i32
    %scan3A_4 = arith.constant 20 : i32
    %scan3A_5 = arith.addi %scan3A_3, %scan3A_4 : i32
    %scan3A_6 = arith.constant 1 : i32
    scf.for %scan3A_15 = %scan3A_3 to %scan3A_5 step %scan3A_6  : i32 {
      %mul3A_16 = arith.constant 2 : i32
      %mul3A_17 = arith.muli %scan3A_15, %mul3A_16 : i32
      %dma_start3A = arith.constant 0 : i32
      %dma_start3A_18 = arith.constant 0 : i32
      %dma_start3A_19 = arith.constant 0 : i32
      %dma_start3A_20 = tpu.memref_slice %arg8[%dma_start3A, %dma_start3A_18, %dma_start3A_19] : memref<2x128x128xf32, #tpu.memory_space<vmem>> -> memref<1x128x128xf32, #tpu.memory_space<vmem>>
      %dma_start3A_21 = tpu.memref_squeeze %dma_start3A_20 : memref<1x128x128xf32, #tpu.memory_space<vmem>> -> memref<128x128xf32, #tpu.memory_space<vmem>>
      %dma_start3A_22 = arith.constant 0 : i32
      %dma_start3A_23 = tpu.memref_slice %arg6[%mul3A_17, %dma_start3A_22] : memref<40x128xi32, #tpu.memory_space<vmem>> -> memref<1x128xi32, #tpu.memory_space<vmem>>
      %dma_start3A_24 = tpu.memref_squeeze %dma_start3A_23 : memref<1x128xi32, #tpu.memory_space<vmem>> -> memref<128xi32, #tpu.memory_space<vmem>>
      %dma_start3A_25 = arith.constant 0 : i32
      %dma_start3A_26 = arith.constant 0 : i32
      %dma_start3A_27 = tpu.memref_slice %arg2[%dma_start3A_25, %dma_start3A_26] : memref<10240x128xf32, #tpu.memory_space<hbm>> -> memref<10240x128xf32, #tpu.memory_space<hbm>>
      tpu.enqueue_indirect_dma source(%dma_start3A_27 : memref<10240x128xf32, #tpu.memory_space<hbm>>) target(%dma_start3A_21 : memref<128x128xf32, #tpu.memory_space<vmem>>) offsets(%dma_start3A_24 : memref<128xi32, #tpu.memory_space<vmem>>) semaphore(%arg10 : memref<!tpu.dma_semaphore, #tpu.memory_space<semaphore_mem>>)
      %add3A_28 = arith.constant 1 : i32
      %add3A_29 = arith.addi %mul3A_17, %add3A_28 : i32
      %dma_start3A_30 = arith.constant 1 : i32
      %dma_start3A_31 = arith.constant 0 : i32
      %dma_start3A_32 = arith.constant 0 : i32
      %dma_start3A_33 = tpu.memref_slice %arg8[%dma_start3A_30, %dma_start3A_31, %dma_start3A_32] : memref<2x128x128xf32, #tpu.memory_space<vmem>> -> memref<1x128x128xf32, #tpu.memory_space<vmem>>
      %dma_start3A_34 = tpu.memref_squeeze %dma_start3A_33 : memref<1x128x128xf32, #tpu.memory_space<vmem>> -> memref<128x128xf32, #tpu.memory_space<vmem>>
      %dma_start3A_35 = arith.constant 0 : i32
      %dma_start3A_36 = tpu.memref_slice %arg6[%add3A_29, %dma_start3A_35] : memref<40x128xi32, #tpu.memory_space<vmem>> -> memref<1x128xi32, #tpu.memory_space<vmem>>
      %dma_start3A_37 = tpu.memref_squeeze %dma_start3A_36 : memref<1x128xi32, #tpu.memory_space<vmem>> -> memref<128xi32, #tpu.memory_space<vmem>>
      %dma_start3A_38 = arith.constant 0 : i32
      %dma_start3A_39 = arith.constant 0 : i32
      %dma_start3A_40 = tpu.memref_slice %arg2[%dma_start3A_38, %dma_start3A_39] : memref<10240x128xf32, #tpu.memory_space<hbm>> -> memref<10240x128xf32, #tpu.memory_space<hbm>>
      tpu.enqueue_indirect_dma source(%dma_start3A_40 : memref<10240x128xf32, #tpu.memory_space<hbm>>) target(%dma_start3A_34 : memref<128x128xf32, #tpu.memory_space<vmem>>) offsets(%dma_start3A_37 : memref<128xi32, #tpu.memory_space<vmem>>) semaphore(%arg11 : memref<!tpu.dma_semaphore, #tpu.memory_space<semaphore_mem>>)
      %dma_wait3A = arith.constant 0 : i32
      %dma_wait3A_41 = arith.constant 0 : i32
      %dma_wait3A_42 = arith.constant 0 : i32
      %dma_wait3A_43 = tpu.memref_slice %arg8[%dma_wait3A, %dma_wait3A_41, %dma_wait3A_42] : memref<2x128x128xf32, #tpu.memory_space<vmem>> -> memref<1x128x128xf32, #tpu.memory_space<vmem>>
      %dma_wait3A_44 = tpu.memref_squeeze %dma_wait3A_43 : memref<1x128x128xf32, #tpu.memory_space<vmem>> -> memref<128x128xf32, #tpu.memory_space<vmem>>
      %dma_wait3A_45 = arith.constant 0 : i32
      %dma_wait3A_46 = tpu.memref_slice %arg6[%mul3A_17, %dma_wait3A_45] : memref<40x128xi32, #tpu.memory_space<vmem>> -> memref<1x128xi32, #tpu.memory_space<vmem>>
      %dma_wait3A_47 = tpu.memref_squeeze %dma_wait3A_46 : memref<1x128xi32, #tpu.memory_space<vmem>> -> memref<128xi32, #tpu.memory_space<vmem>>
      %dma_wait3A_48 = arith.constant 0 : i32
      %dma_wait3A_49 = arith.constant 0 : i32
      %dma_wait3A_50 = tpu.memref_slice %arg2[%dma_wait3A_48, %dma_wait3A_49] : memref<10240x128xf32, #tpu.memory_space<hbm>> -> memref<10240x128xf32, #tpu.memory_space<hbm>>
      tpu.wait_indirect_dma semaphore(%arg10 : memref<!tpu.dma_semaphore, #tpu.memory_space<semaphore_mem>>) src(%dma_wait3A_50 : memref<10240x128xf32, #tpu.memory_space<hbm>>) dst(%dma_wait3A_44 : memref<128x128xf32, #tpu.memory_space<vmem>>)
      %run_scoped3A = arith.constant 0 : i32
      "tpu.region"() ({
        %run_scoped3A_65 = tpu.sem_alloc : memref<!tpu.dma_semaphore, #tpu.memory_space<semaphore_mem>>
        %dma_start3A_66 = arith.constant 0 : i32
        %dma_start3A_67 = arith.constant 0 : i32
        %dma_start3A_68 = tpu.memref_slice %arg8[%run_scoped3A, %dma_start3A_66, %dma_start3A_67] : memref<2x128x128xf32, #tpu.memory_space<vmem>> -> memref<1x128x128xf32, #tpu.memory_space<vmem>>
        %dma_start3A_69 = tpu.memref_squeeze %dma_start3A_68 : memref<1x128x128xf32, #tpu.memory_space<vmem>> -> memref<128x128xf32, #tpu.memory_space<vmem>>
        %dma_start3A_70 = arith.constant 0 : i32
        %dma_start3A_71 = tpu.memref_slice %arg7[%mul3A_17, %dma_start3A_70] : memref<40x128xi32, #tpu.memory_space<vmem>> -> memref<1x128xi32, #tpu.memory_space<vmem>>
        %dma_start3A_72 = tpu.memref_squeeze %dma_start3A_71 : memref<1x128xi32, #tpu.memory_space<vmem>> -> memref<128xi32, #tpu.memory_space<vmem>>
        %dma_start3A_73 = arith.constant 0 : i32
        %dma_start3A_74 = arith.constant 0 : i32
        %dma_start3A_75 = tpu.memref_slice %arg9[%dma_start3A_73, %dma_start3A_74] : memref<10240x128xf32, #tpu.memory_space<vmem_shared>> -> memref<10240x128xf32, #tpu.memory_space<vmem_shared>>
        tpu.enqueue_indirect_dma source(%dma_start3A_69 : memref<128x128xf32, #tpu.memory_space<vmem>>) target(%dma_start3A_75 : memref<10240x128xf32, #tpu.memory_space<vmem_shared>>) offsets(%dma_start3A_72 : memref<128xi32, #tpu.memory_space<vmem>>) semaphore(%run_scoped3A_65 : memref<!tpu.dma_semaphore, #tpu.memory_space<semaphore_mem>>) {add = true}
        %dma_wait3A_76 = arith.constant 0 : i32
        %dma_wait3A_77 = arith.constant 0 : i32
        %dma_wait3A_78 = tpu.memref_slice %arg8[%run_scoped3A, %dma_wait3A_76, %dma_wait3A_77] : memref<2x128x128xf32, #tpu.memory_space<vmem>> -> memref<1x128x128xf32, #tpu.memory_space<vmem>>
        %dma_wait3A_79 = tpu.memref_squeeze %dma_wait3A_78 : memref<1x128x128xf32, #tpu.memory_space<vmem>> -> memref<128x128xf32, #tpu.memory_space<vmem>>
        %dma_wait3A_80 = arith.constant 0 : i32
        %dma_wait3A_81 = tpu.memref_slice %arg7[%mul3A_17, %dma_wait3A_80] : memref<40x128xi32, #tpu.memory_space<vmem>> -> memref<1x128xi32, #tpu.memory_space<vmem>>
        %dma_wait3A_82 = tpu.memref_squeeze %dma_wait3A_81 : memref<1x128xi32, #tpu.memory_space<vmem>> -> memref<128xi32, #tpu.memory_space<vmem>>
        %dma_wait3A_83 = arith.constant 0 : i32
        %dma_wait3A_84 = arith.constant 0 : i32
        %dma_wait3A_85 = tpu.memref_slice %arg9[%dma_wait3A_83, %dma_wait3A_84] : memref<10240x128xf32, #tpu.memory_space<vmem_shared>> -> memref<10240x128xf32, #tpu.memory_space<vmem_shared>>
        tpu.wait_indirect_dma semaphore(%run_scoped3A_65 : memref<!tpu.dma_semaphore, #tpu.memory_space<semaphore_mem>>) src(%dma_wait3A_79 : memref<128x128xf32, #tpu.memory_space<vmem>>) dst(%dma_wait3A_85 : memref<10240x128xf32, #tpu.memory_space<vmem_shared>>)
        tpu.yield
      }) : () -> ()
      %dma_wait3A_51 = arith.constant 1 : i32
      %dma_wait3A_52 = arith.constant 0 : i32
      %dma_wait3A_53 = arith.constant 0 : i32
      %dma_wait3A_54 = tpu.memref_slice %arg8[%dma_wait3A_51, %dma_wait3A_52, %dma_wait3A_53] : memref<2x128x128xf32, #tpu.memory_space<vmem>> -> memref<1x128x128xf32, #tpu.memory_space<vmem>>
      %dma_wait3A_55 = tpu.memref_squeeze %dma_wait3A_54 : memref<1x128x128xf32, #tpu.memory_space<vmem>> -> memref<128x128xf32, #tpu.memory_space<vmem>>
      %dma_wait3A_56 = arith.constant 0 : i32
      %dma_wait3A_57 = tpu.memref_slice %arg6[%add3A_29, %dma_wait3A_56] : memref<40x128xi32, #tpu.memory_space<vmem>> -> memref<1x128xi32, #tpu.memory_space<vmem>>
      %dma_wait3A_58 = tpu.memref_squeeze %dma_wait3A_57 : memref<1x128xi32, #tpu.memory_space<vmem>> -> memref<128xi32, #tpu.memory_space<vmem>>
      %dma_wait3A_59 = arith.constant 0 : i32
      %dma_wait3A_60 = arith.constant 0 : i32
      %dma_wait3A_61 = tpu.memref_slice %arg2[%dma_wait3A_59, %dma_wait3A_60] : memref<10240x128xf32, #tpu.memory_space<hbm>> -> memref<10240x128xf32, #tpu.memory_space<hbm>>
      tpu.wait_indirect_dma semaphore(%arg11 : memref<!tpu.dma_semaphore, #tpu.memory_space<semaphore_mem>>) src(%dma_wait3A_61 : memref<10240x128xf32, #tpu.memory_space<hbm>>) dst(%dma_wait3A_55 : memref<128x128xf32, #tpu.memory_space<vmem>>)
      %add3A_62 = arith.constant 1 : i32
      %add3A_63 = arith.addi %mul3A_17, %add3A_62 : i32
      %run_scoped3A_64 = arith.constant 1 : i32
      "tpu.region"() ({
        %run_scoped3A_65 = tpu.sem_alloc : memref<!tpu.dma_semaphore, #tpu.memory_space<semaphore_mem>>
        %dma_start3A_66 = arith.constant 0 : i32
        %dma_start3A_67 = arith.constant 0 : i32
        %dma_start3A_68 = tpu.memref_slice %arg8[%run_scoped3A_64, %dma_start3A_66, %dma_start3A_67] : memref<2x128x128xf32, #tpu.memory_space<vmem>> -> memref<1x128x128xf32, #tpu.memory_space<vmem>>
        %dma_start3A_69 = tpu.memref_squeeze %dma_start3A_68 : memref<1x128x128xf32, #tpu.memory_space<vmem>> -> memref<128x128xf32, #tpu.memory_space<vmem>>
        %dma_start3A_70 = arith.constant 0 : i32
        %dma_start3A_71 = tpu.memref_slice %arg7[%add3A_63, %dma_start3A_70] : memref<40x128xi32, #tpu.memory_space<vmem>> -> memref<1x128xi32, #tpu.memory_space<vmem>>
        %dma_start3A_72 = tpu.memref_squeeze %dma_start3A_71 : memref<1x128xi32, #tpu.memory_space<vmem>> -> memref<128xi32, #tpu.memory_space<vmem>>
        %dma_start3A_73 = arith.constant 0 : i32
        %dma_start3A_74 = arith.constant 0 : i32
        %dma_start3A_75 = tpu.memref_slice %arg9[%dma_start3A_73, %dma_start3A_74] : memref<10240x128xf32, #tpu.memory_space<vmem_shared>> -> memref<10240x128xf32, #tpu.memory_space<vmem_shared>>
        tpu.enqueue_indirect_dma source(%dma_start3A_69 : memref<128x128xf32, #tpu.memory_space<vmem>>) target(%dma_start3A_75 : memref<10240x128xf32, #tpu.memory_space<vmem_shared>>) offsets(%dma_start3A_72 : memref<128xi32, #tpu.memory_space<vmem>>) semaphore(%run_scoped3A_65 : memref<!tpu.dma_semaphore, #tpu.memory_space<semaphore_mem>>) {add = true}
        %dma_wait3A_76 = arith.constant 0 : i32
        %dma_wait3A_77 = arith.constant 0 : i32
        %dma_wait3A_78 = tpu.memref_slice %arg8[%run_scoped3A_64, %dma_wait3A_76, %dma_wait3A_77] : memref<2x128x128xf32, #tpu.memory_space<vmem>> -> memref<1x128x128xf32, #tpu.memory_space<vmem>>
        %dma_wait3A_79 = tpu.memref_squeeze %dma_wait3A_78 : memref<1x128x128xf32, #tpu.memory_space<vmem>> -> memref<128x128xf32, #tpu.memory_space<vmem>>
        %dma_wait3A_80 = arith.constant 0 : i32
        %dma_wait3A_81 = tpu.memref_slice %arg7[%add3A_63, %dma_wait3A_80] : memref<40x128xi32, #tpu.memory_space<vmem>> -> memref<1x128xi32, #tpu.memory_space<vmem>>
        %dma_wait3A_82 = tpu.memref_squeeze %dma_wait3A_81 : memref<1x128xi32, #tpu.memory_space<vmem>> -> memref<128xi32, #tpu.memory_space<vmem>>
        %dma_wait3A_83 = arith.constant 0 : i32
        %dma_wait3A_84 = arith.constant 0 : i32
        %dma_wait3A_85 = tpu.memref_slice %arg9[%dma_wait3A_83, %dma_wait3A_84] : memref<10240x128xf32, #tpu.memory_space<vmem_shared>> -> memref<10240x128xf32, #tpu.memory_space<vmem_shared>>
        tpu.wait_indirect_dma semaphore(%run_scoped3A_65 : memref<!tpu.dma_semaphore, #tpu.memory_space<semaphore_mem>>) src(%dma_wait3A_79 : memref<128x128xf32, #tpu.memory_space<vmem>>) dst(%dma_wait3A_85 : memref<10240x128xf32, #tpu.memory_space<vmem_shared>>)
        tpu.yield
      }) : () -> ()
    }
    %scan3A_7 = arith.constant 20 : i32
    "tpu.region"() ({
      %run_scoped3A = tpu.sem_alloc : memref<!tpu.dma_semaphore, #tpu.memory_space<semaphore_mem>>
      %dma_start3A = arith.constant 40 : i32
      %dma_start3A_15 = arith.constant 0 : i32
      %dma_start3A_16 = tpu.memref_slice %arg3[%add3A, %dma_start3A, %dma_start3A_15] : memref<32x80x128xi32, #tpu.memory_space<hbm>> -> memref<1x40x128xi32, #tpu.memory_space<hbm>>
      %dma_start3A_17 = tpu.memref_squeeze %dma_start3A_16 : memref<1x40x128xi32, #tpu.memory_space<hbm>> -> memref<40x128xi32, #tpu.memory_space<hbm>>
      %dma_start3A_18 = arith.constant 40 : i32
      %dma_start3A_19 = arith.constant 0 : i32
      %dma_start3A_20 = tpu.memref_slice %arg3[%add3A, %dma_start3A_18, %dma_start3A_19] : memref<32x80x128xi32, #tpu.memory_space<hbm>> -> memref<1x40x128xi32, #tpu.memory_space<hbm>>
      %dma_start3A_21 = tpu.memref_squeeze %dma_start3A_20 : memref<1x40x128xi32, #tpu.memory_space<hbm>> -> memref<40x128xi32, #tpu.memory_space<hbm>>
      tpu.enqueue_dma source(%dma_start3A_21 : memref<40x128xi32, #tpu.memory_space<hbm>>) target(%arg6 : memref<40x128xi32, #tpu.memory_space<vmem>>) target_semaphore(%run_scoped3A : memref<!tpu.dma_semaphore, #tpu.memory_space<semaphore_mem>>)
      %dma_wait3A = arith.constant 40 : i32
      %dma_wait3A_22 = arith.constant 0 : i32
      %dma_wait3A_23 = tpu.memref_slice %arg3[%add3A, %dma_wait3A, %dma_wait3A_22] : memref<32x80x128xi32, #tpu.memory_space<hbm>> -> memref<1x40x128xi32, #tpu.memory_space<hbm>>
      %dma_wait3A_24 = tpu.memref_squeeze %dma_wait3A_23 : memref<1x40x128xi32, #tpu.memory_space<hbm>> -> memref<40x128xi32, #tpu.memory_space<hbm>>
      %dma_wait3A_25 = arith.constant 40 : i32
      %dma_wait3A_26 = arith.constant 0 : i32
      %dma_wait3A_27 = tpu.memref_slice %arg3[%add3A, %dma_wait3A_25, %dma_wait3A_26] : memref<32x80x128xi32, #tpu.memory_space<hbm>> -> memref<1x40x128xi32, #tpu.memory_space<hbm>>
      %dma_wait3A_28 = tpu.memref_squeeze %dma_wait3A_27 : memref<1x40x128xi32, #tpu.memory_space<hbm>> -> memref<40x128xi32, #tpu.memory_space<hbm>>
      tpu.wait_dma2 semaphore(%run_scoped3A : memref<!tpu.dma_semaphore, #tpu.memory_space<semaphore_mem>>) src(%dma_wait3A_28 : memref<40x128xi32, #tpu.memory_space<hbm>>) dst(%arg6 : memref<40x128xi32, #tpu.memory_space<vmem>>)
      tpu.yield
    }) : () -> ()
    "tpu.region"() ({
      %run_scoped3A = tpu.sem_alloc : memref<!tpu.dma_semaphore, #tpu.memory_space<semaphore_mem>>
      %dma_start3A = arith.constant 40 : i32
      %dma_start3A_15 = arith.constant 0 : i32
      %dma_start3A_16 = tpu.memref_slice %arg4[%add3A, %dma_start3A, %dma_start3A_15] : memref<32x80x128xi32, #tpu.memory_space<hbm>> -> memref<1x40x128xi32, #tpu.memory_space<hbm>>
      %dma_start3A_17 = tpu.memref_squeeze %dma_start3A_16 : memref<1x40x128xi32, #tpu.memory_space<hbm>> -> memref<40x128xi32, #tpu.memory_space<hbm>>
      %dma_start3A_18 = arith.constant 40 : i32
      %dma_start3A_19 = arith.constant 0 : i32
      %dma_start3A_20 = tpu.memref_slice %arg4[%add3A, %dma_start3A_18, %dma_start3A_19] : memref<32x80x128xi32, #tpu.memory_space<hbm>> -> memref<1x40x128xi32, #tpu.memory_space<hbm>>
      %dma_start3A_21 = tpu.memref_squeeze %dma_start3A_20 : memref<1x40x128xi32, #tpu.memory_space<hbm>> -> memref<40x128xi32, #tpu.memory_space<hbm>>
      tpu.enqueue_dma source(%dma_start3A_21 : memref<40x128xi32, #tpu.memory_space<hbm>>) target(%arg7 : memref<40x128xi32, #tpu.memory_space<vmem>>) target_semaphore(%run_scoped3A : memref<!tpu.dma_semaphore, #tpu.memory_space<semaphore_mem>>)
      %dma_wait3A = arith.constant 40 : i32
      %dma_wait3A_22 = arith.constant 0 : i32
      %dma_wait3A_23 = tpu.memref_slice %arg4[%add3A, %dma_wait3A, %dma_wait3A_22] : memref<32x80x128xi32, #tpu.memory_space<hbm>> -> memref<1x40x128xi32, #tpu.memory_space<hbm>>
      %dma_wait3A_24 = tpu.memref_squeeze %dma_wait3A_23 : memref<1x40x128xi32, #tpu.memory_space<hbm>> -> memref<40x128xi32, #tpu.memory_space<hbm>>
      %dma_wait3A_25 = arith.constant 40 : i32
      %dma_wait3A_26 = arith.constant 0 : i32
      %dma_wait3A_27 = tpu.memref_slice %arg4[%add3A, %dma_wait3A_25, %dma_wait3A_26] : memref<32x80x128xi32, #tpu.memory_space<hbm>> -> memref<1x40x128xi32, #tpu.memory_space<hbm>>
      %dma_wait3A_28 = tpu.memref_squeeze %dma_wait3A_27 : memref<1x40x128xi32, #tpu.memory_space<hbm>> -> memref<40x128xi32, #tpu.memory_space<hbm>>
      tpu.wait_dma2 semaphore(%run_scoped3A : memref<!tpu.dma_semaphore, #tpu.memory_space<semaphore_mem>>) src(%dma_wait3A_28 : memref<40x128xi32, #tpu.memory_space<hbm>>) dst(%arg7 : memref<40x128xi32, #tpu.memory_space<vmem>>)
      tpu.yield
    }) : () -> ()
    %scan3A_8 = arith.constant 0 : i32
    %scan3A_9 = arith.constant 0 : i32
    %scan3A_10 = arith.constant 20 : i32
    %scan3A_11 = arith.addi %scan3A_9, %scan3A_10 : i32
    %scan3A_12 = arith.constant 1 : i32
    scf.for %scan3A_15 = %scan3A_9 to %scan3A_11 step %scan3A_12  : i32 {
      %mul3A_16 = arith.constant 2 : i32
      %mul3A_17 = arith.muli %scan3A_15, %mul3A_16 : i32
      %dma_start3A = arith.constant 0 : i32
      %dma_start3A_18 = arith.constant 0 : i32
      %dma_start3A_19 = arith.constant 0 : i32
      %dma_start3A_20 = tpu.memref_slice %arg8[%dma_start3A, %dma_start3A_18, %dma_start3A_19] : memref<2x128x128xf32, #tpu.memory_space<vmem>> -> memref<1x128x128xf32, #tpu.memory_space<vmem>>
      %dma_start3A_21 = tpu.memref_squeeze %dma_start3A_20 : memref<1x128x128xf32, #tpu.memory_space<vmem>> -> memref<128x128xf32, #tpu.memory_space<vmem>>
      %dma_start3A_22 = arith.constant 0 : i32
      %dma_start3A_23 = tpu.memref_slice %arg6[%mul3A_17, %dma_start3A_22] : memref<40x128xi32, #tpu.memory_space<vmem>> -> memref<1x128xi32, #tpu.memory_space<vmem>>
      %dma_start3A_24 = tpu.memref_squeeze %dma_start3A_23 : memref<1x128xi32, #tpu.memory_space<vmem>> -> memref<128xi32, #tpu.memory_space<vmem>>
      %dma_start3A_25 = arith.constant 0 : i32
      %dma_start3A_26 = arith.constant 0 : i32
      %dma_start3A_27 = tpu.memref_slice %arg2[%dma_start3A_25, %dma_start3A_26] : memref<10240x128xf32, #tpu.memory_space<hbm>> -> memref<10240x128xf32, #tpu.memory_space<hbm>>
      tpu.enqueue_indirect_dma source(%dma_start3A_27 : memref<10240x128xf32, #tpu.memory_space<hbm>>) target(%dma_start3A_21 : memref<128x128xf32, #tpu.memory_space<vmem>>) offsets(%dma_start3A_24 : memref<128xi32, #tpu.memory_space<vmem>>) semaphore(%arg10 : memref<!tpu.dma_semaphore, #tpu.memory_space<semaphore_mem>>)
      %add3A_28 = arith.constant 1 : i32
      %add3A_29 = arith.addi %mul3A_17, %add3A_28 : i32
      %dma_start3A_30 = arith.constant 1 : i32
      %dma_start3A_31 = arith.constant 0 : i32
      %dma_start3A_32 = arith.constant 0 : i32
      %dma_start3A_33 = tpu.memref_slice %arg8[%dma_start3A_30, %dma_start3A_31, %dma_start3A_32] : memref<2x128x128xf32, #tpu.memory_space<vmem>> -> memref<1x128x128xf32, #tpu.memory_space<vmem>>
      %dma_start3A_34 = tpu.memref_squeeze %dma_start3A_33 : memref<1x128x128xf32, #tpu.memory_space<vmem>> -> memref<128x128xf32, #tpu.memory_space<vmem>>
      %dma_start3A_35 = arith.constant 0 : i32
      %dma_start3A_36 = tpu.memref_slice %arg6[%add3A_29, %dma_start3A_35] : memref<40x128xi32, #tpu.memory_space<vmem>> -> memref<1x128xi32, #tpu.memory_space<vmem>>
      %dma_start3A_37 = tpu.memref_squeeze %dma_start3A_36 : memref<1x128xi32, #tpu.memory_space<vmem>> -> memref<128xi32, #tpu.memory_space<vmem>>
      %dma_start3A_38 = arith.constant 0 : i32
      %dma_start3A_39 = arith.constant 0 : i32
      %dma_start3A_40 = tpu.memref_slice %arg2[%dma_start3A_38, %dma_start3A_39] : memref<10240x128xf32, #tpu.memory_space<hbm>> -> memref<10240x128xf32, #tpu.memory_space<hbm>>
      tpu.enqueue_indirect_dma source(%dma_start3A_40 : memref<10240x128xf32, #tpu.memory_space<hbm>>) target(%dma_start3A_34 : memref<128x128xf32, #tpu.memory_space<vmem>>) offsets(%dma_start3A_37 : memref<128xi32, #tpu.memory_space<vmem>>) semaphore(%arg11 : memref<!tpu.dma_semaphore, #tpu.memory_space<semaphore_mem>>)
      %dma_wait3A = arith.constant 0 : i32
      %dma_wait3A_41 = arith.constant 0 : i32
      %dma_wait3A_42 = arith.constant 0 : i32
      %dma_wait3A_43 = tpu.memref_slice %arg8[%dma_wait3A, %dma_wait3A_41, %dma_wait3A_42] : memref<2x128x128xf32, #tpu.memory_space<vmem>> -> memref<1x128x128xf32, #tpu.memory_space<vmem>>
      %dma_wait3A_44 = tpu.memref_squeeze %dma_wait3A_43 : memref<1x128x128xf32, #tpu.memory_space<vmem>> -> memref<128x128xf32, #tpu.memory_space<vmem>>
      %dma_wait3A_45 = arith.constant 0 : i32
      %dma_wait3A_46 = tpu.memref_slice %arg6[%mul3A_17, %dma_wait3A_45] : memref<40x128xi32, #tpu.memory_space<vmem>> -> memref<1x128xi32, #tpu.memory_space<vmem>>
      %dma_wait3A_47 = tpu.memref_squeeze %dma_wait3A_46 : memref<1x128xi32, #tpu.memory_space<vmem>> -> memref<128xi32, #tpu.memory_space<vmem>>
      %dma_wait3A_48 = arith.constant 0 : i32
      %dma_wait3A_49 = arith.constant 0 : i32
      %dma_wait3A_50 = tpu.memref_slice %arg2[%dma_wait3A_48, %dma_wait3A_49] : memref<10240x128xf32, #tpu.memory_space<hbm>> -> memref<10240x128xf32, #tpu.memory_space<hbm>>
      tpu.wait_indirect_dma semaphore(%arg10 : memref<!tpu.dma_semaphore, #tpu.memory_space<semaphore_mem>>) src(%dma_wait3A_50 : memref<10240x128xf32, #tpu.memory_space<hbm>>) dst(%dma_wait3A_44 : memref<128x128xf32, #tpu.memory_space<vmem>>)
      %run_scoped3A = arith.constant 0 : i32
      "tpu.region"() ({
        %run_scoped3A_65 = tpu.sem_alloc : memref<!tpu.dma_semaphore, #tpu.memory_space<semaphore_mem>>
        %dma_start3A_66 = arith.constant 0 : i32
        %dma_start3A_67 = arith.constant 0 : i32
        %dma_start3A_68 = tpu.memref_slice %arg8[%run_scoped3A, %dma_start3A_66, %dma_start3A_67] : memref<2x128x128xf32, #tpu.memory_space<vmem>> -> memref<1x128x128xf32, #tpu.memory_space<vmem>>
        %dma_start3A_69 = tpu.memref_squeeze %dma_start3A_68 : memref<1x128x128xf32, #tpu.memory_space<vmem>> -> memref<128x128xf32, #tpu.memory_space<vmem>>
        %dma_start3A_70 = arith.constant 0 : i32
        %dma_start3A_71 = tpu.memref_slice %arg7[%mul3A_17, %dma_start3A_70] : memref<40x128xi32, #tpu.memory_space<vmem>> -> memref<1x128xi32, #tpu.memory_space<vmem>>
        %dma_start3A_72 = tpu.memref_squeeze %dma_start3A_71 : memref<1x128xi32, #tpu.memory_space<vmem>> -> memref<128xi32, #tpu.memory_space<vmem>>
        %dma_start3A_73 = arith.constant 0 : i32
        %dma_start3A_74 = arith.constant 0 : i32
        %dma_start3A_75 = tpu.memref_slice %arg9[%dma_start3A_73, %dma_start3A_74] : memref<10240x128xf32, #tpu.memory_space<vmem_shared>> -> memref<10240x128xf32, #tpu.memory_space<vmem_shared>>
        tpu.enqueue_indirect_dma source(%dma_start3A_69 : memref<128x128xf32, #tpu.memory_space<vmem>>) target(%dma_start3A_75 : memref<10240x128xf32, #tpu.memory_space<vmem_shared>>) offsets(%dma_start3A_72 : memref<128xi32, #tpu.memory_space<vmem>>) semaphore(%run_scoped3A_65 : memref<!tpu.dma_semaphore, #tpu.memory_space<semaphore_mem>>) {add = true}
        %dma_wait3A_76 = arith.constant 0 : i32
        %dma_wait3A_77 = arith.constant 0 : i32
        %dma_wait3A_78 = tpu.memref_slice %arg8[%run_scoped3A, %dma_wait3A_76, %dma_wait3A_77] : memref<2x128x128xf32, #tpu.memory_space<vmem>> -> memref<1x128x128xf32, #tpu.memory_space<vmem>>
        %dma_wait3A_79 = tpu.memref_squeeze %dma_wait3A_78 : memref<1x128x128xf32, #tpu.memory_space<vmem>> -> memref<128x128xf32, #tpu.memory_space<vmem>>
        %dma_wait3A_80 = arith.constant 0 : i32
        %dma_wait3A_81 = tpu.memref_slice %arg7[%mul3A_17, %dma_wait3A_80] : memref<40x128xi32, #tpu.memory_space<vmem>> -> memref<1x128xi32, #tpu.memory_space<vmem>>
        %dma_wait3A_82 = tpu.memref_squeeze %dma_wait3A_81 : memref<1x128xi32, #tpu.memory_space<vmem>> -> memref<128xi32, #tpu.memory_space<vmem>>
        %dma_wait3A_83 = arith.constant 0 : i32
        %dma_wait3A_84 = arith.constant 0 : i32
        %dma_wait3A_85 = tpu.memref_slice %arg9[%dma_wait3A_83, %dma_wait3A_84] : memref<10240x128xf32, #tpu.memory_space<vmem_shared>> -> memref<10240x128xf32, #tpu.memory_space<vmem_shared>>
        tpu.wait_indirect_dma semaphore(%run_scoped3A_65 : memref<!tpu.dma_semaphore, #tpu.memory_space<semaphore_mem>>) src(%dma_wait3A_79 : memref<128x128xf32, #tpu.memory_space<vmem>>) dst(%dma_wait3A_85 : memref<10240x128xf32, #tpu.memory_space<vmem_shared>>)
        tpu.yield
      }) : () -> ()
      %dma_wait3A_51 = arith.constant 1 : i32
      %dma_wait3A_52 = arith.constant 0 : i32
      %dma_wait3A_53 = arith.constant 0 : i32
      %dma_wait3A_54 = tpu.memref_slice %arg8[%dma_wait3A_51, %dma_wait3A_52, %dma_wait3A_53] : memref<2x128x128xf32, #tpu.memory_space<vmem>> -> memref<1x128x128xf32, #tpu.memory_space<vmem>>
      %dma_wait3A_55 = tpu.memref_squeeze %dma_wait3A_54 : memref<1x128x128xf32, #tpu.memory_space<vmem>> -> memref<128x128xf32, #tpu.memory_space<vmem>>
      %dma_wait3A_56 = arith.constant 0 : i32
      %dma_wait3A_57 = tpu.memref_slice %arg6[%add3A_29, %dma_wait3A_56] : memref<40x128xi32, #tpu.memory_space<vmem>> -> memref<1x128xi32, #tpu.memory_space<vmem>>
      %dma_wait3A_58 = tpu.memref_squeeze %dma_wait3A_57 : memref<1x128xi32, #tpu.memory_space<vmem>> -> memref<128xi32, #tpu.memory_space<vmem>>
      %dma_wait3A_59 = arith.constant 0 : i32
      %dma_wait3A_60 = arith.constant 0 : i32
      %dma_wait3A_61 = tpu.memref_slice %arg2[%dma_wait3A_59, %dma_wait3A_60] : memref<10240x128xf32, #tpu.memory_space<hbm>> -> memref<10240x128xf32, #tpu.memory_space<hbm>>
      tpu.wait_indirect_dma semaphore(%arg11 : memref<!tpu.dma_semaphore, #tpu.memory_space<semaphore_mem>>) src(%dma_wait3A_61 : memref<10240x128xf32, #tpu.memory_space<hbm>>) dst(%dma_wait3A_55 : memref<128x128xf32, #tpu.memory_space<vmem>>)
      %add3A_62 = arith.constant 1 : i32
      %add3A_63 = arith.addi %mul3A_17, %add3A_62 : i32
      %run_scoped3A_64 = arith.constant 1 : i32
      "tpu.region"() ({
        %run_scoped3A_65 = tpu.sem_alloc : memref<!tpu.dma_semaphore, #tpu.memory_space<semaphore_mem>>
        %dma_start3A_66 = arith.constant 0 : i32
        %dma_start3A_67 = arith.constant 0 : i32
        %dma_start3A_68 = tpu.memref_slice %arg8[%run_scoped3A_64, %dma_start3A_66, %dma_start3A_67] : memref<2x128x128xf32, #tpu.memory_space<vmem>> -> memref<1x128x128xf32, #tpu.memory_space<vmem>>
        %dma_start3A_69 = tpu.memref_squeeze %dma_start3A_68 : memref<1x128x128xf32, #tpu.memory_space<vmem>> -> memref<128x128xf32, #tpu.memory_space<vmem>>
        %dma_start3A_70 = arith.constant 0 : i32
        %dma_start3A_71 = tpu.memref_slice %arg7[%add3A_63, %dma_start3A_70] : memref<40x128xi32, #tpu.memory_space<vmem>> -> memref<1x128xi32, #tpu.memory_space<vmem>>
        %dma_start3A_72 = tpu.memref_squeeze %dma_start3A_71 : memref<1x128xi32, #tpu.memory_space<vmem>> -> memref<128xi32, #tpu.memory_space<vmem>>
        %dma_start3A_73 = arith.constant 0 : i32
        %dma_start3A_74 = arith.constant 0 : i32
        %dma_start3A_75 = tpu.memref_slice %arg9[%dma_start3A_73, %dma_start3A_74] : memref<10240x128xf32, #tpu.memory_space<vmem_shared>> -> memref<10240x128xf32, #tpu.memory_space<vmem_shared>>
        tpu.enqueue_indirect_dma source(%dma_start3A_69 : memref<128x128xf32, #tpu.memory_space<vmem>>) target(%dma_start3A_75 : memref<10240x128xf32, #tpu.memory_space<vmem_shared>>) offsets(%dma_start3A_72 : memref<128xi32, #tpu.memory_space<vmem>>) semaphore(%run_scoped3A_65 : memref<!tpu.dma_semaphore, #tpu.memory_space<semaphore_mem>>) {add = true}
        %dma_wait3A_76 = arith.constant 0 : i32
        %dma_wait3A_77 = arith.constant 0 : i32
        %dma_wait3A_78 = tpu.memref_slice %arg8[%run_scoped3A_64, %dma_wait3A_76, %dma_wait3A_77] : memref<2x128x128xf32, #tpu.memory_space<vmem>> -> memref<1x128x128xf32, #tpu.memory_space<vmem>>
        %dma_wait3A_79 = tpu.memref_squeeze %dma_wait3A_78 : memref<1x128x128xf32, #tpu.memory_space<vmem>> -> memref<128x128xf32, #tpu.memory_space<vmem>>
        %dma_wait3A_80 = arith.constant 0 : i32
        %dma_wait3A_81 = tpu.memref_slice %arg7[%add3A_63, %dma_wait3A_80] : memref<40x128xi32, #tpu.memory_space<vmem>> -> memref<1x128xi32, #tpu.memory_space<vmem>>
        %dma_wait3A_82 = tpu.memref_squeeze %dma_wait3A_81 : memref<1x128xi32, #tpu.memory_space<vmem>> -> memref<128xi32, #tpu.memory_space<vmem>>
        %dma_wait3A_83 = arith.constant 0 : i32
        %dma_wait3A_84 = arith.constant 0 : i32
        %dma_wait3A_85 = tpu.memref_slice %arg9[%dma_wait3A_83, %dma_wait3A_84] : memref<10240x128xf32, #tpu.memory_space<vmem_shared>> -> memref<10240x128xf32, #tpu.memory_space<vmem_shared>>
        tpu.wait_indirect_dma semaphore(%run_scoped3A_65 : memref<!tpu.dma_semaphore, #tpu.memory_space<semaphore_mem>>) src(%dma_wait3A_79 : memref<128x128xf32, #tpu.memory_space<vmem>>) dst(%dma_wait3A_85 : memref<10240x128xf32, #tpu.memory_space<vmem_shared>>)
        tpu.yield
      }) : () -> ()
    }
    %scan3A_13 = arith.constant 20 : i32
    %barrier3A_14 = arith.constant 0 : index
    tpu.barrier barrier_id(%barrier3A_14)
    "tpu.region"() ({
      %run_scoped3A = tpu.sem_alloc : memref<!tpu.dma_semaphore, #tpu.memory_space<semaphore_mem>>
      %dma_start3A = arith.constant 0 : i32
      %dma_start3A_15 = tpu.memref_slice %arg5[%arg0, %mul3A_2, %dma_start3A] : memref<2x10240x128xf32, #tpu.memory_space<hbm>> -> memref<1x640x128xf32, #tpu.memory_space<hbm>>
      %dma_start3A_16 = tpu.memref_squeeze %dma_start3A_15 : memref<1x640x128xf32, #tpu.memory_space<hbm>> -> memref<640x128xf32, #tpu.memory_space<hbm>>
      %dma_start3A_17 = arith.constant 0 : i32
      %dma_start3A_18 = tpu.memref_slice %arg9[%mul3A_2, %dma_start3A_17] : memref<10240x128xf32, #tpu.memory_space<vmem_shared>> -> memref<640x128xf32, #tpu.memory_space<vmem_shared>>
      tpu.enqueue_dma source(%dma_start3A_18 : memref<640x128xf32, #tpu.memory_space<vmem_shared>>) target(%dma_start3A_16 : memref<640x128xf32, #tpu.memory_space<hbm>>) target_semaphore(%run_scoped3A : memref<!tpu.dma_semaphore, #tpu.memory_space<semaphore_mem>>)
      %dma_wait3A = arith.constant 0 : i32
      %dma_wait3A_19 = tpu.memref_slice %arg5[%arg0, %mul3A_2, %dma_wait3A] : memref<2x10240x128xf32, #tpu.memory_space<hbm>> -> memref<1x640x128xf32, #tpu.memory_space<hbm>>
      %dma_wait3A_20 = tpu.memref_squeeze %dma_wait3A_19 : memref<1x640x128xf32, #tpu.memory_space<hbm>> -> memref<640x128xf32, #tpu.memory_space<hbm>>
      %dma_wait3A_21 = arith.constant 0 : i32
      %dma_wait3A_22 = tpu.memref_slice %arg9[%mul3A_2, %dma_wait3A_21] : memref<10240x128xf32, #tpu.memory_space<vmem_shared>> -> memref<640x128xf32, #tpu.memory_space<vmem_shared>>
      tpu.wait_dma2 semaphore(%run_scoped3A : memref<!tpu.dma_semaphore, #tpu.memory_space<semaphore_mem>>) src(%dma_wait3A_22 : memref<640x128xf32, #tpu.memory_space<vmem_shared>>) dst(%dma_wait3A_20 : memref<640x128xf32, #tpu.memory_space<hbm>>)
      tpu.yield
    }) : () -> ()
    return
  }
}

#map = affine_map<(d0, d1) -> (0, 0)>
#map1 = affine_map<(d0, d1) -> (0, 0, 0)>
module attributes {stable_mosaic.version = 14 : i64} {
  func.func @k(%arg0: i32, %arg1: i32, %arg2: memref<10240x128xf32, #tpu.memory_space<hbm>>, %arg3: memref<32x80x128xi32, #tpu.memory_space<hbm>>, %arg4: memref<32x80x128xi32, #tpu.memory_space<hbm>>, %arg5: memref<2x10240x128xf32, #tpu.memory_space<hbm>>, %arg6: memref<40x128xi32, #tpu.memory_space<vmem>>, %arg7: memref<40x128xi32, #tpu.memory_space<vmem>>, %arg8: memref<2x128x128xf32, #tpu.memory_space<vmem>>, %arg9: memref<10240x128xf32, #tpu.memory_space<vmem_shared>>, %arg10: memref<!tpu.dma_semaphore, #tpu.memory_space<semaphore_mem>>, %arg11: memref<!tpu.dma_semaphore, #tpu.memory_space<semaphore_mem>>) attributes {dimension_semantics = [#tpu.dimension_semantics<core_parallel>, #tpu.dimension_semantics<subcore_parallel>], iteration_bounds = array<i64: 2, 16>, scalar_prefetch = 0 : i64, scratch_operands = 6 : i64, tpu.core_type = #tpu.core_type<sc_vector_subcore>, window_params = [{transform_indices = #map}, {transform_indices = #map1}, {transform_indices = #map1}, {transform_indices = #map1}]} {
    %mul3A = arith.constant 2 : i32
    %mul3A_0 = arith.muli %arg1, %mul3A : i32
    %add3A = arith.addi %mul3A_0, %arg0 : i32
    %mul3A_1 = arith.constant 640 : i32
    %mul3A_2 = arith.muli %arg1, %mul3A_1 : i32
    "tpu.region"() ({
      %run_scoped3A = tpu.sem_alloc : memref<!tpu.dma_semaphore, #tpu.memory_space<semaphore_mem>>
      %dma_start3A = arith.constant 0 : i32
      %dma_start3A_15 = tpu.memref_slice %arg9[%mul3A_2, %dma_start3A] : memref<10240x128xf32, #tpu.memory_space<vmem_shared>> -> memref<640x128xf32, #tpu.memory_space<vmem_shared>>
      %dma_start3A_16 = arith.constant 0 : i32
      %dma_start3A_17 = tpu.memref_slice %arg2[%mul3A_2, %dma_start3A_16] : memref<10240x128xf32, #tpu.memory_space<hbm>> -> memref<640x128xf32, #tpu.memory_space<hbm>>
      tpu.enqueue_dma source(%dma_start3A_17 : memref<640x128xf32, #tpu.memory_space<hbm>>) target(%dma_start3A_15 : memref<640x128xf32, #tpu.memory_space<vmem_shared>>) target_semaphore(%run_scoped3A : memref<!tpu.dma_semaphore, #tpu.memory_space<semaphore_mem>>)
      %dma_wait3A = arith.constant 0 : i32
      %dma_wait3A_18 = tpu.memref_slice %arg9[%mul3A_2, %dma_wait3A] : memref<10240x128xf32, #tpu.memory_space<vmem_shared>> -> memref<640x128xf32, #tpu.memory_space<vmem_shared>>
      %dma_wait3A_19 = arith.constant 0 : i32
      %dma_wait3A_20 = tpu.memref_slice %arg2[%mul3A_2, %dma_wait3A_19] : memref<10240x128xf32, #tpu.memory_space<hbm>> -> memref<640x128xf32, #tpu.memory_space<hbm>>
      tpu.wait_dma2 semaphore(%run_scoped3A : memref<!tpu.dma_semaphore, #tpu.memory_space<semaphore_mem>>) src(%dma_wait3A_20 : memref<640x128xf32, #tpu.memory_space<hbm>>) dst(%dma_wait3A_18 : memref<640x128xf32, #tpu.memory_space<vmem_shared>>)
      tpu.yield
    }) : () -> ()
    %barrier3A = arith.constant 0 : index
    tpu.barrier barrier_id(%barrier3A)
    "tpu.region"() ({
      %run_scoped3A = tpu.sem_alloc : memref<!tpu.dma_semaphore, #tpu.memory_space<semaphore_mem>>
      %dma_start3A = arith.constant 0 : i32
      %dma_start3A_15 = arith.constant 0 : i32
      %dma_start3A_16 = tpu.memref_slice %arg3[%add3A, %dma_start3A, %dma_start3A_15] : memref<32x80x128xi32, #tpu.memory_space<hbm>> -> memref<1x40x128xi32, #tpu.memory_space<hbm>>
      %dma_start3A_17 = tpu.memref_squeeze %dma_start3A_16 : memref<1x40x128xi32, #tpu.memory_space<hbm>> -> memref<40x128xi32, #tpu.memory_space<hbm>>
      %dma_start3A_18 = arith.constant 0 : i32
      %dma_start3A_19 = arith.constant 0 : i32
      %dma_start3A_20 = tpu.memref_slice %arg3[%add3A, %dma_start3A_18, %dma_start3A_19] : memref<32x80x128xi32, #tpu.memory_space<hbm>> -> memref<1x40x128xi32, #tpu.memory_space<hbm>>
      %dma_start3A_21 = tpu.memref_squeeze %dma_start3A_20 : memref<1x40x128xi32, #tpu.memory_space<hbm>> -> memref<40x128xi32, #tpu.memory_space<hbm>>
      tpu.enqueue_dma source(%dma_start3A_21 : memref<40x128xi32, #tpu.memory_space<hbm>>) target(%arg6 : memref<40x128xi32, #tpu.memory_space<vmem>>) target_semaphore(%run_scoped3A : memref<!tpu.dma_semaphore, #tpu.memory_space<semaphore_mem>>)
      %dma_wait3A = arith.constant 0 : i32
      %dma_wait3A_22 = arith.constant 0 : i32
      %dma_wait3A_23 = tpu.memref_slice %arg3[%add3A, %dma_wait3A, %dma_wait3A_22] : memref<32x80x128xi32, #tpu.memory_space<hbm>> -> memref<1x40x128xi32, #tpu.memory_space<hbm>>
      %dma_wait3A_24 = tpu.memref_squeeze %dma_wait3A_23 : memref<1x40x128xi32, #tpu.memory_space<hbm>> -> memref<40x128xi32, #tpu.memory_space<hbm>>
      %dma_wait3A_25 = arith.constant 0 : i32
      %dma_wait3A_26 = arith.constant 0 : i32
      %dma_wait3A_27 = tpu.memref_slice %arg3[%add3A, %dma_wait3A_25, %dma_wait3A_26] : memref<32x80x128xi32, #tpu.memory_space<hbm>> -> memref<1x40x128xi32, #tpu.memory_space<hbm>>
      %dma_wait3A_28 = tpu.memref_squeeze %dma_wait3A_27 : memref<1x40x128xi32, #tpu.memory_space<hbm>> -> memref<40x128xi32, #tpu.memory_space<hbm>>
      tpu.wait_dma2 semaphore(%run_scoped3A : memref<!tpu.dma_semaphore, #tpu.memory_space<semaphore_mem>>) src(%dma_wait3A_28 : memref<40x128xi32, #tpu.memory_space<hbm>>) dst(%arg6 : memref<40x128xi32, #tpu.memory_space<vmem>>)
      tpu.yield
    }) : () -> ()
    "tpu.region"() ({
      %run_scoped3A = tpu.sem_alloc : memref<!tpu.dma_semaphore, #tpu.memory_space<semaphore_mem>>
      %dma_start3A = arith.constant 0 : i32
      %dma_start3A_15 = arith.constant 0 : i32
      %dma_start3A_16 = tpu.memref_slice %arg4[%add3A, %dma_start3A, %dma_start3A_15] : memref<32x80x128xi32, #tpu.memory_space<hbm>> -> memref<1x40x128xi32, #tpu.memory_space<hbm>>
      %dma_start3A_17 = tpu.memref_squeeze %dma_start3A_16 : memref<1x40x128xi32, #tpu.memory_space<hbm>> -> memref<40x128xi32, #tpu.memory_space<hbm>>
      %dma_start3A_18 = arith.constant 0 : i32
      %dma_start3A_19 = arith.constant 0 : i32
      %dma_start3A_20 = tpu.memref_slice %arg4[%add3A, %dma_start3A_18, %dma_start3A_19] : memref<32x80x128xi32, #tpu.memory_space<hbm>> -> memref<1x40x128xi32, #tpu.memory_space<hbm>>
      %dma_start3A_21 = tpu.memref_squeeze %dma_start3A_20 : memref<1x40x128xi32, #tpu.memory_space<hbm>> -> memref<40x128xi32, #tpu.memory_space<hbm>>
      tpu.enqueue_dma source(%dma_start3A_21 : memref<40x128xi32, #tpu.memory_space<hbm>>) target(%arg7 : memref<40x128xi32, #tpu.memory_space<vmem>>) target_semaphore(%run_scoped3A : memref<!tpu.dma_semaphore, #tpu.memory_space<semaphore_mem>>)
      %dma_wait3A = arith.constant 0 : i32
      %dma_wait3A_22 = arith.constant 0 : i32
      %dma_wait3A_23 = tpu.memref_slice %arg4[%add3A, %dma_wait3A, %dma_wait3A_22] : memref<32x80x128xi32, #tpu.memory_space<hbm>> -> memref<1x40x128xi32, #tpu.memory_space<hbm>>
      %dma_wait3A_24 = tpu.memref_squeeze %dma_wait3A_23 : memref<1x40x128xi32, #tpu.memory_space<hbm>> -> memref<40x128xi32, #tpu.memory_space<hbm>>
      %dma_wait3A_25 = arith.constant 0 : i32
      %dma_wait3A_26 = arith.constant 0 : i32
      %dma_wait3A_27 = tpu.memref_slice %arg4[%add3A, %dma_wait3A_25, %dma_wait3A_26] : memref<32x80x128xi32, #tpu.memory_space<hbm>> -> memref<1x40x128xi32, #tpu.memory_space<hbm>>
      %dma_wait3A_28 = tpu.memref_squeeze %dma_wait3A_27 : memref<1x40x128xi32, #tpu.memory_space<hbm>> -> memref<40x128xi32, #tpu.memory_space<hbm>>
      tpu.wait_dma2 semaphore(%run_scoped3A : memref<!tpu.dma_semaphore, #tpu.memory_space<semaphore_mem>>) src(%dma_wait3A_28 : memref<40x128xi32, #tpu.memory_space<hbm>>) dst(%arg7 : memref<40x128xi32, #tpu.memory_space<vmem>>)
      tpu.yield
    }) : () -> ()
    %scan3A = arith.constant 0 : i32
    %scan3A_3 = arith.constant 0 : i32
    %scan3A_4 = arith.constant 20 : i32
    %scan3A_5 = arith.addi %scan3A_3, %scan3A_4 : i32
    %scan3A_6 = arith.constant 1 : i32
    scf.for %scan3A_15 = %scan3A_3 to %scan3A_5 step %scan3A_6  : i32 {
      %mul3A_16 = arith.constant 2 : i32
      %mul3A_17 = arith.muli %scan3A_15, %mul3A_16 : i32
      %dma_start3A = arith.constant 0 : i32
      %dma_start3A_18 = arith.constant 0 : i32
      %dma_start3A_19 = arith.constant 0 : i32
      %dma_start3A_20 = tpu.memref_slice %arg8[%dma_start3A, %dma_start3A_18, %dma_start3A_19] : memref<2x128x128xf32, #tpu.memory_space<vmem>> -> memref<1x128x128xf32, #tpu.memory_space<vmem>>
      %dma_start3A_21 = tpu.memref_squeeze %dma_start3A_20 : memref<1x128x128xf32, #tpu.memory_space<vmem>> -> memref<128x128xf32, #tpu.memory_space<vmem>>
      %dma_start3A_22 = arith.constant 0 : i32
      %dma_start3A_23 = tpu.memref_slice %arg6[%mul3A_17, %dma_start3A_22] : memref<40x128xi32, #tpu.memory_space<vmem>> -> memref<1x128xi32, #tpu.memory_space<vmem>>
      %dma_start3A_24 = tpu.memref_squeeze %dma_start3A_23 : memref<1x128xi32, #tpu.memory_space<vmem>> -> memref<128xi32, #tpu.memory_space<vmem>>
      %dma_start3A_25 = arith.constant 0 : i32
      %dma_start3A_26 = arith.constant 0 : i32
      %dma_start3A_27 = tpu.memref_slice %arg2[%dma_start3A_25, %dma_start3A_26] : memref<10240x128xf32, #tpu.memory_space<hbm>> -> memref<10240x128xf32, #tpu.memory_space<hbm>>
      tpu.enqueue_indirect_dma source(%dma_start3A_27 : memref<10240x128xf32, #tpu.memory_space<hbm>>) target(%dma_start3A_21 : memref<128x128xf32, #tpu.memory_space<vmem>>) offsets(%dma_start3A_24 : memref<128xi32, #tpu.memory_space<vmem>>) semaphore(%arg10 : memref<!tpu.dma_semaphore, #tpu.memory_space<semaphore_mem>>)
      %add3A_28 = arith.constant 1 : i32
      %add3A_29 = arith.addi %mul3A_17, %add3A_28 : i32
      %dma_start3A_30 = arith.constant 1 : i32
      %dma_start3A_31 = arith.constant 0 : i32
      %dma_start3A_32 = arith.constant 0 : i32
      %dma_start3A_33 = tpu.memref_slice %arg8[%dma_start3A_30, %dma_start3A_31, %dma_start3A_32] : memref<2x128x128xf32, #tpu.memory_space<vmem>> -> memref<1x128x128xf32, #tpu.memory_space<vmem>>
      %dma_start3A_34 = tpu.memref_squeeze %dma_start3A_33 : memref<1x128x128xf32, #tpu.memory_space<vmem>> -> memref<128x128xf32, #tpu.memory_space<vmem>>
      %dma_start3A_35 = arith.constant 0 : i32
      %dma_start3A_36 = tpu.memref_slice %arg6[%add3A_29, %dma_start3A_35] : memref<40x128xi32, #tpu.memory_space<vmem>> -> memref<1x128xi32, #tpu.memory_space<vmem>>
      %dma_start3A_37 = tpu.memref_squeeze %dma_start3A_36 : memref<1x128xi32, #tpu.memory_space<vmem>> -> memref<128xi32, #tpu.memory_space<vmem>>
      %dma_start3A_38 = arith.constant 0 : i32
      %dma_start3A_39 = arith.constant 0 : i32
      %dma_start3A_40 = tpu.memref_slice %arg2[%dma_start3A_38, %dma_start3A_39] : memref<10240x128xf32, #tpu.memory_space<hbm>> -> memref<10240x128xf32, #tpu.memory_space<hbm>>
      tpu.enqueue_indirect_dma source(%dma_start3A_40 : memref<10240x128xf32, #tpu.memory_space<hbm>>) target(%dma_start3A_34 : memref<128x128xf32, #tpu.memory_space<vmem>>) offsets(%dma_start3A_37 : memref<128xi32, #tpu.memory_space<vmem>>) semaphore(%arg11 : memref<!tpu.dma_semaphore, #tpu.memory_space<semaphore_mem>>)
      %dma_wait3A = arith.constant 0 : i32
      %dma_wait3A_41 = arith.constant 0 : i32
      %dma_wait3A_42 = arith.constant 0 : i32
      %dma_wait3A_43 = tpu.memref_slice %arg8[%dma_wait3A, %dma_wait3A_41, %dma_wait3A_42] : memref<2x128x128xf32, #tpu.memory_space<vmem>> -> memref<1x128x128xf32, #tpu.memory_space<vmem>>
      %dma_wait3A_44 = tpu.memref_squeeze %dma_wait3A_43 : memref<1x128x128xf32, #tpu.memory_space<vmem>> -> memref<128x128xf32, #tpu.memory_space<vmem>>
      %dma_wait3A_45 = arith.constant 0 : i32
      %dma_wait3A_46 = tpu.memref_slice %arg6[%mul3A_17, %dma_wait3A_45] : memref<40x128xi32, #tpu.memory_space<vmem>> -> memref<1x128xi32, #tpu.memory_space<vmem>>
      %dma_wait3A_47 = tpu.memref_squeeze %dma_wait3A_46 : memref<1x128xi32, #tpu.memory_space<vmem>> -> memref<128xi32, #tpu.memory_space<vmem>>
      %dma_wait3A_48 = arith.constant 0 : i32
      %dma_wait3A_49 = arith.constant 0 : i32
      %dma_wait3A_50 = tpu.memref_slice %arg2[%dma_wait3A_48, %dma_wait3A_49] : memref<10240x128xf32, #tpu.memory_space<hbm>> -> memref<10240x128xf32, #tpu.memory_space<hbm>>
      tpu.wait_indirect_dma semaphore(%arg10 : memref<!tpu.dma_semaphore, #tpu.memory_space<semaphore_mem>>) src(%dma_wait3A_50 : memref<10240x128xf32, #tpu.memory_space<hbm>>) dst(%dma_wait3A_44 : memref<128x128xf32, #tpu.memory_space<vmem>>)
      %run_scoped3A = arith.constant 0 : i32
      "tpu.region"() ({
        %run_scoped3A_65 = tpu.sem_alloc : memref<!tpu.dma_semaphore, #tpu.memory_space<semaphore_mem>>
        %dma_start3A_66 = arith.constant 0 : i32
        %dma_start3A_67 = arith.constant 0 : i32
        %dma_start3A_68 = tpu.memref_slice %arg8[%run_scoped3A, %dma_start3A_66, %dma_start3A_67] : memref<2x128x128xf32, #tpu.memory_space<vmem>> -> memref<1x128x128xf32, #tpu.memory_space<vmem>>
        %dma_start3A_69 = tpu.memref_squeeze %dma_start3A_68 : memref<1x128x128xf32, #tpu.memory_space<vmem>> -> memref<128x128xf32, #tpu.memory_space<vmem>>
        %dma_start3A_70 = arith.constant 0 : i32
        %dma_start3A_71 = tpu.memref_slice %arg7[%mul3A_17, %dma_start3A_70] : memref<40x128xi32, #tpu.memory_space<vmem>> -> memref<1x128xi32, #tpu.memory_space<vmem>>
        %dma_start3A_72 = tpu.memref_squeeze %dma_start3A_71 : memref<1x128xi32, #tpu.memory_space<vmem>> -> memref<128xi32, #tpu.memory_space<vmem>>
        %dma_start3A_73 = arith.constant 0 : i32
        %dma_start3A_74 = arith.constant 0 : i32
        %dma_start3A_75 = tpu.memref_slice %arg9[%dma_start3A_73, %dma_start3A_74] : memref<10240x128xf32, #tpu.memory_space<vmem_shared>> -> memref<10240x128xf32, #tpu.memory_space<vmem_shared>>
        tpu.enqueue_indirect_dma source(%dma_start3A_69 : memref<128x128xf32, #tpu.memory_space<vmem>>) target(%dma_start3A_75 : memref<10240x128xf32, #tpu.memory_space<vmem_shared>>) offsets(%dma_start3A_72 : memref<128xi32, #tpu.memory_space<vmem>>) semaphore(%run_scoped3A_65 : memref<!tpu.dma_semaphore, #tpu.memory_space<semaphore_mem>>) {add = true}
        %dma_wait3A_76 = arith.constant 0 : i32
        %dma_wait3A_77 = arith.constant 0 : i32
        %dma_wait3A_78 = tpu.memref_slice %arg8[%run_scoped3A, %dma_wait3A_76, %dma_wait3A_77] : memref<2x128x128xf32, #tpu.memory_space<vmem>> -> memref<1x128x128xf32, #tpu.memory_space<vmem>>
        %dma_wait3A_79 = tpu.memref_squeeze %dma_wait3A_78 : memref<1x128x128xf32, #tpu.memory_space<vmem>> -> memref<128x128xf32, #tpu.memory_space<vmem>>
        %dma_wait3A_80 = arith.constant 0 : i32
        %dma_wait3A_81 = tpu.memref_slice %arg7[%mul3A_17, %dma_wait3A_80] : memref<40x128xi32, #tpu.memory_space<vmem>> -> memref<1x128xi32, #tpu.memory_space<vmem>>
        %dma_wait3A_82 = tpu.memref_squeeze %dma_wait3A_81 : memref<1x128xi32, #tpu.memory_space<vmem>> -> memref<128xi32, #tpu.memory_space<vmem>>
        %dma_wait3A_83 = arith.constant 0 : i32
        %dma_wait3A_84 = arith.constant 0 : i32
        %dma_wait3A_85 = tpu.memref_slice %arg9[%dma_wait3A_83, %dma_wait3A_84] : memref<10240x128xf32, #tpu.memory_space<vmem_shared>> -> memref<10240x128xf32, #tpu.memory_space<vmem_shared>>
        tpu.wait_indirect_dma semaphore(%run_scoped3A_65 : memref<!tpu.dma_semaphore, #tpu.memory_space<semaphore_mem>>) src(%dma_wait3A_79 : memref<128x128xf32, #tpu.memory_space<vmem>>) dst(%dma_wait3A_85 : memref<10240x128xf32, #tpu.memory_space<vmem_shared>>)
        tpu.yield
      }) : () -> ()
      %dma_wait3A_51 = arith.constant 1 : i32
      %dma_wait3A_52 = arith.constant 0 : i32
      %dma_wait3A_53 = arith.constant 0 : i32
      %dma_wait3A_54 = tpu.memref_slice %arg8[%dma_wait3A_51, %dma_wait3A_52, %dma_wait3A_53] : memref<2x128x128xf32, #tpu.memory_space<vmem>> -> memref<1x128x128xf32, #tpu.memory_space<vmem>>
      %dma_wait3A_55 = tpu.memref_squeeze %dma_wait3A_54 : memref<1x128x128xf32, #tpu.memory_space<vmem>> -> memref<128x128xf32, #tpu.memory_space<vmem>>
      %dma_wait3A_56 = arith.constant 0 : i32
      %dma_wait3A_57 = tpu.memref_slice %arg6[%add3A_29, %dma_wait3A_56] : memref<40x128xi32, #tpu.memory_space<vmem>> -> memref<1x128xi32, #tpu.memory_space<vmem>>
      %dma_wait3A_58 = tpu.memref_squeeze %dma_wait3A_57 : memref<1x128xi32, #tpu.memory_space<vmem>> -> memref<128xi32, #tpu.memory_space<vmem>>
      %dma_wait3A_59 = arith.constant 0 : i32
      %dma_wait3A_60 = arith.constant 0 : i32
      %dma_wait3A_61 = tpu.memref_slice %arg2[%dma_wait3A_59, %dma_wait3A_60] : memref<10240x128xf32, #tpu.memory_space<hbm>> -> memref<10240x128xf32, #tpu.memory_space<hbm>>
      tpu.wait_indirect_dma semaphore(%arg11 : memref<!tpu.dma_semaphore, #tpu.memory_space<semaphore_mem>>) src(%dma_wait3A_61 : memref<10240x128xf32, #tpu.memory_space<hbm>>) dst(%dma_wait3A_55 : memref<128x128xf32, #tpu.memory_space<vmem>>)
      %add3A_62 = arith.constant 1 : i32
      %add3A_63 = arith.addi %mul3A_17, %add3A_62 : i32
      %run_scoped3A_64 = arith.constant 1 : i32
      "tpu.region"() ({
        %run_scoped3A_65 = tpu.sem_alloc : memref<!tpu.dma_semaphore, #tpu.memory_space<semaphore_mem>>
        %dma_start3A_66 = arith.constant 0 : i32
        %dma_start3A_67 = arith.constant 0 : i32
        %dma_start3A_68 = tpu.memref_slice %arg8[%run_scoped3A_64, %dma_start3A_66, %dma_start3A_67] : memref<2x128x128xf32, #tpu.memory_space<vmem>> -> memref<1x128x128xf32, #tpu.memory_space<vmem>>
        %dma_start3A_69 = tpu.memref_squeeze %dma_start3A_68 : memref<1x128x128xf32, #tpu.memory_space<vmem>> -> memref<128x128xf32, #tpu.memory_space<vmem>>
        %dma_start3A_70 = arith.constant 0 : i32
        %dma_start3A_71 = tpu.memref_slice %arg7[%add3A_63, %dma_start3A_70] : memref<40x128xi32, #tpu.memory_space<vmem>> -> memref<1x128xi32, #tpu.memory_space<vmem>>
        %dma_start3A_72 = tpu.memref_squeeze %dma_start3A_71 : memref<1x128xi32, #tpu.memory_space<vmem>> -> memref<128xi32, #tpu.memory_space<vmem>>
        %dma_start3A_73 = arith.constant 0 : i32
        %dma_start3A_74 = arith.constant 0 : i32
        %dma_start3A_75 = tpu.memref_slice %arg9[%dma_start3A_73, %dma_start3A_74] : memref<10240x128xf32, #tpu.memory_space<vmem_shared>> -> memref<10240x128xf32, #tpu.memory_space<vmem_shared>>
        tpu.enqueue_indirect_dma source(%dma_start3A_69 : memref<128x128xf32, #tpu.memory_space<vmem>>) target(%dma_start3A_75 : memref<10240x128xf32, #tpu.memory_space<vmem_shared>>) offsets(%dma_start3A_72 : memref<128xi32, #tpu.memory_space<vmem>>) semaphore(%run_scoped3A_65 : memref<!tpu.dma_semaphore, #tpu.memory_space<semaphore_mem>>) {add = true}
        %dma_wait3A_76 = arith.constant 0 : i32
        %dma_wait3A_77 = arith.constant 0 : i32
        %dma_wait3A_78 = tpu.memref_slice %arg8[%run_scoped3A_64, %dma_wait3A_76, %dma_wait3A_77] : memref<2x128x128xf32, #tpu.memory_space<vmem>> -> memref<1x128x128xf32, #tpu.memory_space<vmem>>
        %dma_wait3A_79 = tpu.memref_squeeze %dma_wait3A_78 : memref<1x128x128xf32, #tpu.memory_space<vmem>> -> memref<128x128xf32, #tpu.memory_space<vmem>>
        %dma_wait3A_80 = arith.constant 0 : i32
        %dma_wait3A_81 = tpu.memref_slice %arg7[%add3A_63, %dma_wait3A_80] : memref<40x128xi32, #tpu.memory_space<vmem>> -> memref<1x128xi32, #tpu.memory_space<vmem>>
        %dma_wait3A_82 = tpu.memref_squeeze %dma_wait3A_81 : memref<1x128xi32, #tpu.memory_space<vmem>> -> memref<128xi32, #tpu.memory_space<vmem>>
        %dma_wait3A_83 = arith.constant 0 : i32
        %dma_wait3A_84 = arith.constant 0 : i32
        %dma_wait3A_85 = tpu.memref_slice %arg9[%dma_wait3A_83, %dma_wait3A_84] : memref<10240x128xf32, #tpu.memory_space<vmem_shared>> -> memref<10240x128xf32, #tpu.memory_space<vmem_shared>>
        tpu.wait_indirect_dma semaphore(%run_scoped3A_65 : memref<!tpu.dma_semaphore, #tpu.memory_space<semaphore_mem>>) src(%dma_wait3A_79 : memref<128x128xf32, #tpu.memory_space<vmem>>) dst(%dma_wait3A_85 : memref<10240x128xf32, #tpu.memory_space<vmem_shared>>)
        tpu.yield
      }) : () -> ()
    }
    %scan3A_7 = arith.constant 20 : i32
    "tpu.region"() ({
      %run_scoped3A = tpu.sem_alloc : memref<!tpu.dma_semaphore, #tpu.memory_space<semaphore_mem>>
      %dma_start3A = arith.constant 40 : i32
      %dma_start3A_15 = arith.constant 0 : i32
      %dma_start3A_16 = tpu.memref_slice %arg3[%add3A, %dma_start3A, %dma_start3A_15] : memref<32x80x128xi32, #tpu.memory_space<hbm>> -> memref<1x40x128xi32, #tpu.memory_space<hbm>>
      %dma_start3A_17 = tpu.memref_squeeze %dma_start3A_16 : memref<1x40x128xi32, #tpu.memory_space<hbm>> -> memref<40x128xi32, #tpu.memory_space<hbm>>
      %dma_start3A_18 = arith.constant 40 : i32
      %dma_start3A_19 = arith.constant 0 : i32
      %dma_start3A_20 = tpu.memref_slice %arg3[%add3A, %dma_start3A_18, %dma_start3A_19] : memref<32x80x128xi32, #tpu.memory_space<hbm>> -> memref<1x40x128xi32, #tpu.memory_space<hbm>>
      %dma_start3A_21 = tpu.memref_squeeze %dma_start3A_20 : memref<1x40x128xi32, #tpu.memory_space<hbm>> -> memref<40x128xi32, #tpu.memory_space<hbm>>
      tpu.enqueue_dma source(%dma_start3A_21 : memref<40x128xi32, #tpu.memory_space<hbm>>) target(%arg6 : memref<40x128xi32, #tpu.memory_space<vmem>>) target_semaphore(%run_scoped3A : memref<!tpu.dma_semaphore, #tpu.memory_space<semaphore_mem>>)
      %dma_wait3A = arith.constant 40 : i32
      %dma_wait3A_22 = arith.constant 0 : i32
      %dma_wait3A_23 = tpu.memref_slice %arg3[%add3A, %dma_wait3A, %dma_wait3A_22] : memref<32x80x128xi32, #tpu.memory_space<hbm>> -> memref<1x40x128xi32, #tpu.memory_space<hbm>>
      %dma_wait3A_24 = tpu.memref_squeeze %dma_wait3A_23 : memref<1x40x128xi32, #tpu.memory_space<hbm>> -> memref<40x128xi32, #tpu.memory_space<hbm>>
      %dma_wait3A_25 = arith.constant 40 : i32
      %dma_wait3A_26 = arith.constant 0 : i32
      %dma_wait3A_27 = tpu.memref_slice %arg3[%add3A, %dma_wait3A_25, %dma_wait3A_26] : memref<32x80x128xi32, #tpu.memory_space<hbm>> -> memref<1x40x128xi32, #tpu.memory_space<hbm>>
      %dma_wait3A_28 = tpu.memref_squeeze %dma_wait3A_27 : memref<1x40x128xi32, #tpu.memory_space<hbm>> -> memref<40x128xi32, #tpu.memory_space<hbm>>
      tpu.wait_dma2 semaphore(%run_scoped3A : memref<!tpu.dma_semaphore, #tpu.memory_space<semaphore_mem>>) src(%dma_wait3A_28 : memref<40x128xi32, #tpu.memory_space<hbm>>) dst(%arg6 : memref<40x128xi32, #tpu.memory_space<vmem>>)
      tpu.yield
    }) : () -> ()
    "tpu.region"() ({
      %run_scoped3A = tpu.sem_alloc : memref<!tpu.dma_semaphore, #tpu.memory_space<semaphore_mem>>
      %dma_start3A = arith.constant 40 : i32
      %dma_start3A_15 = arith.constant 0 : i32
      %dma_start3A_16 = tpu.memref_slice %arg4[%add3A, %dma_start3A, %dma_start3A_15] : memref<32x80x128xi32, #tpu.memory_space<hbm>> -> memref<1x40x128xi32, #tpu.memory_space<hbm>>
      %dma_start3A_17 = tpu.memref_squeeze %dma_start3A_16 : memref<1x40x128xi32, #tpu.memory_space<hbm>> -> memref<40x128xi32, #tpu.memory_space<hbm>>
      %dma_start3A_18 = arith.constant 40 : i32
      %dma_start3A_19 = arith.constant 0 : i32
      %dma_start3A_20 = tpu.memref_slice %arg4[%add3A, %dma_start3A_18, %dma_start3A_19] : memref<32x80x128xi32, #tpu.memory_space<hbm>> -> memref<1x40x128xi32, #tpu.memory_space<hbm>>
      %dma_start3A_21 = tpu.memref_squeeze %dma_start3A_20 : memref<1x40x128xi32, #tpu.memory_space<hbm>> -> memref<40x128xi32, #tpu.memory_space<hbm>>
      tpu.enqueue_dma source(%dma_start3A_21 : memref<40x128xi32, #tpu.memory_space<hbm>>) target(%arg7 : memref<40x128xi32, #tpu.memory_space<vmem>>) target_semaphore(%run_scoped3A : memref<!tpu.dma_semaphore, #tpu.memory_space<semaphore_mem>>)
      %dma_wait3A = arith.constant 40 : i32
      %dma_wait3A_22 = arith.constant 0 : i32
      %dma_wait3A_23 = tpu.memref_slice %arg4[%add3A, %dma_wait3A, %dma_wait3A_22] : memref<32x80x128xi32, #tpu.memory_space<hbm>> -> memref<1x40x128xi32, #tpu.memory_space<hbm>>
      %dma_wait3A_24 = tpu.memref_squeeze %dma_wait3A_23 : memref<1x40x128xi32, #tpu.memory_space<hbm>> -> memref<40x128xi32, #tpu.memory_space<hbm>>
      %dma_wait3A_25 = arith.constant 40 : i32
      %dma_wait3A_26 = arith.constant 0 : i32
      %dma_wait3A_27 = tpu.memref_slice %arg4[%add3A, %dma_wait3A_25, %dma_wait3A_26] : memref<32x80x128xi32, #tpu.memory_space<hbm>> -> memref<1x40x128xi32, #tpu.memory_space<hbm>>
      %dma_wait3A_28 = tpu.memref_squeeze %dma_wait3A_27 : memref<1x40x128xi32, #tpu.memory_space<hbm>> -> memref<40x128xi32, #tpu.memory_space<hbm>>
      tpu.wait_dma2 semaphore(%run_scoped3A : memref<!tpu.dma_semaphore, #tpu.memory_space<semaphore_mem>>) src(%dma_wait3A_28 : memref<40x128xi32, #tpu.memory_space<hbm>>) dst(%arg7 : memref<40x128xi32, #tpu.memory_space<vmem>>)
      tpu.yield
    }) : () -> ()
    %scan3A_8 = arith.constant 0 : i32
    %scan3A_9 = arith.constant 0 : i32
    %scan3A_10 = arith.constant 20 : i32
    %scan3A_11 = arith.addi %scan3A_9, %scan3A_10 : i32
    %scan3A_12 = arith.constant 1 : i32
    scf.for %scan3A_15 = %scan3A_9 to %scan3A_11 step %scan3A_12  : i32 {
      %mul3A_16 = arith.constant 2 : i32
      %mul3A_17 = arith.muli %scan3A_15, %mul3A_16 : i32
      %dma_start3A = arith.constant 0 : i32
      %dma_start3A_18 = arith.constant 0 : i32
      %dma_start3A_19 = arith.constant 0 : i32
      %dma_start3A_20 = tpu.memref_slice %arg8[%dma_start3A, %dma_start3A_18, %dma_start3A_19] : memref<2x128x128xf32, #tpu.memory_space<vmem>> -> memref<1x128x128xf32, #tpu.memory_space<vmem>>
      %dma_start3A_21 = tpu.memref_squeeze %dma_start3A_20 : memref<1x128x128xf32, #tpu.memory_space<vmem>> -> memref<128x128xf32, #tpu.memory_space<vmem>>
      %dma_start3A_22 = arith.constant 0 : i32
      %dma_start3A_23 = tpu.memref_slice %arg6[%mul3A_17, %dma_start3A_22] : memref<40x128xi32, #tpu.memory_space<vmem>> -> memref<1x128xi32, #tpu.memory_space<vmem>>
      %dma_start3A_24 = tpu.memref_squeeze %dma_start3A_23 : memref<1x128xi32, #tpu.memory_space<vmem>> -> memref<128xi32, #tpu.memory_space<vmem>>
      %dma_start3A_25 = arith.constant 0 : i32
      %dma_start3A_26 = arith.constant 0 : i32
      %dma_start3A_27 = tpu.memref_slice %arg2[%dma_start3A_25, %dma_start3A_26] : memref<10240x128xf32, #tpu.memory_space<hbm>> -> memref<10240x128xf32, #tpu.memory_space<hbm>>
      tpu.enqueue_indirect_dma source(%dma_start3A_27 : memref<10240x128xf32, #tpu.memory_space<hbm>>) target(%dma_start3A_21 : memref<128x128xf32, #tpu.memory_space<vmem>>) offsets(%dma_start3A_24 : memref<128xi32, #tpu.memory_space<vmem>>) semaphore(%arg10 : memref<!tpu.dma_semaphore, #tpu.memory_space<semaphore_mem>>)
      %add3A_28 = arith.constant 1 : i32
      %add3A_29 = arith.addi %mul3A_17, %add3A_28 : i32
      %dma_start3A_30 = arith.constant 1 : i32
      %dma_start3A_31 = arith.constant 0 : i32
      %dma_start3A_32 = arith.constant 0 : i32
      %dma_start3A_33 = tpu.memref_slice %arg8[%dma_start3A_30, %dma_start3A_31, %dma_start3A_32] : memref<2x128x128xf32, #tpu.memory_space<vmem>> -> memref<1x128x128xf32, #tpu.memory_space<vmem>>
      %dma_start3A_34 = tpu.memref_squeeze %dma_start3A_33 : memref<1x128x128xf32, #tpu.memory_space<vmem>> -> memref<128x128xf32, #tpu.memory_space<vmem>>
      %dma_start3A_35 = arith.constant 0 : i32
      %dma_start3A_36 = tpu.memref_slice %arg6[%add3A_29, %dma_start3A_35] : memref<40x128xi32, #tpu.memory_space<vmem>> -> memref<1x128xi32, #tpu.memory_space<vmem>>
      %dma_start3A_37 = tpu.memref_squeeze %dma_start3A_36 : memref<1x128xi32, #tpu.memory_space<vmem>> -> memref<128xi32, #tpu.memory_space<vmem>>
      %dma_start3A_38 = arith.constant 0 : i32
      %dma_start3A_39 = arith.constant 0 : i32
      %dma_start3A_40 = tpu.memref_slice %arg2[%dma_start3A_38, %dma_start3A_39] : memref<10240x128xf32, #tpu.memory_space<hbm>> -> memref<10240x128xf32, #tpu.memory_space<hbm>>
      tpu.enqueue_indirect_dma source(%dma_start3A_40 : memref<10240x128xf32, #tpu.memory_space<hbm>>) target(%dma_start3A_34 : memref<128x128xf32, #tpu.memory_space<vmem>>) offsets(%dma_start3A_37 : memref<128xi32, #tpu.memory_space<vmem>>) semaphore(%arg11 : memref<!tpu.dma_semaphore, #tpu.memory_space<semaphore_mem>>)
      %dma_wait3A = arith.constant 0 : i32
      %dma_wait3A_41 = arith.constant 0 : i32
      %dma_wait3A_42 = arith.constant 0 : i32
      %dma_wait3A_43 = tpu.memref_slice %arg8[%dma_wait3A, %dma_wait3A_41, %dma_wait3A_42] : memref<2x128x128xf32, #tpu.memory_space<vmem>> -> memref<1x128x128xf32, #tpu.memory_space<vmem>>
      %dma_wait3A_44 = tpu.memref_squeeze %dma_wait3A_43 : memref<1x128x128xf32, #tpu.memory_space<vmem>> -> memref<128x128xf32, #tpu.memory_space<vmem>>
      %dma_wait3A_45 = arith.constant 0 : i32
      %dma_wait3A_46 = tpu.memref_slice %arg6[%mul3A_17, %dma_wait3A_45] : memref<40x128xi32, #tpu.memory_space<vmem>> -> memref<1x128xi32, #tpu.memory_space<vmem>>
      %dma_wait3A_47 = tpu.memref_squeeze %dma_wait3A_46 : memref<1x128xi32, #tpu.memory_space<vmem>> -> memref<128xi32, #tpu.memory_space<vmem>>
      %dma_wait3A_48 = arith.constant 0 : i32
      %dma_wait3A_49 = arith.constant 0 : i32
      %dma_wait3A_50 = tpu.memref_slice %arg2[%dma_wait3A_48, %dma_wait3A_49] : memref<10240x128xf32, #tpu.memory_space<hbm>> -> memref<10240x128xf32, #tpu.memory_space<hbm>>
      tpu.wait_indirect_dma semaphore(%arg10 : memref<!tpu.dma_semaphore, #tpu.memory_space<semaphore_mem>>) src(%dma_wait3A_50 : memref<10240x128xf32, #tpu.memory_space<hbm>>) dst(%dma_wait3A_44 : memref<128x128xf32, #tpu.memory_space<vmem>>)
      %run_scoped3A = arith.constant 0 : i32
      "tpu.region"() ({
        %run_scoped3A_65 = tpu.sem_alloc : memref<!tpu.dma_semaphore, #tpu.memory_space<semaphore_mem>>
        %dma_start3A_66 = arith.constant 0 : i32
        %dma_start3A_67 = arith.constant 0 : i32
        %dma_start3A_68 = tpu.memref_slice %arg8[%run_scoped3A, %dma_start3A_66, %dma_start3A_67] : memref<2x128x128xf32, #tpu.memory_space<vmem>> -> memref<1x128x128xf32, #tpu.memory_space<vmem>>
        %dma_start3A_69 = tpu.memref_squeeze %dma_start3A_68 : memref<1x128x128xf32, #tpu.memory_space<vmem>> -> memref<128x128xf32, #tpu.memory_space<vmem>>
        %dma_start3A_70 = arith.constant 0 : i32
        %dma_start3A_71 = tpu.memref_slice %arg7[%mul3A_17, %dma_start3A_70] : memref<40x128xi32, #tpu.memory_space<vmem>> -> memref<1x128xi32, #tpu.memory_space<vmem>>
        %dma_start3A_72 = tpu.memref_squeeze %dma_start3A_71 : memref<1x128xi32, #tpu.memory_space<vmem>> -> memref<128xi32, #tpu.memory_space<vmem>>
        %dma_start3A_73 = arith.constant 0 : i32
        %dma_start3A_74 = arith.constant 0 : i32
        %dma_start3A_75 = tpu.memref_slice %arg9[%dma_start3A_73, %dma_start3A_74] : memref<10240x128xf32, #tpu.memory_space<vmem_shared>> -> memref<10240x128xf32, #tpu.memory_space<vmem_shared>>
        tpu.enqueue_indirect_dma source(%dma_start3A_69 : memref<128x128xf32, #tpu.memory_space<vmem>>) target(%dma_start3A_75 : memref<10240x128xf32, #tpu.memory_space<vmem_shared>>) offsets(%dma_start3A_72 : memref<128xi32, #tpu.memory_space<vmem>>) semaphore(%run_scoped3A_65 : memref<!tpu.dma_semaphore, #tpu.memory_space<semaphore_mem>>) {add = true}
        %dma_wait3A_76 = arith.constant 0 : i32
        %dma_wait3A_77 = arith.constant 0 : i32
        %dma_wait3A_78 = tpu.memref_slice %arg8[%run_scoped3A, %dma_wait3A_76, %dma_wait3A_77] : memref<2x128x128xf32, #tpu.memory_space<vmem>> -> memref<1x128x128xf32, #tpu.memory_space<vmem>>
        %dma_wait3A_79 = tpu.memref_squeeze %dma_wait3A_78 : memref<1x128x128xf32, #tpu.memory_space<vmem>> -> memref<128x128xf32, #tpu.memory_space<vmem>>
        %dma_wait3A_80 = arith.constant 0 : i32
        %dma_wait3A_81 = tpu.memref_slice %arg7[%mul3A_17, %dma_wait3A_80] : memref<40x128xi32, #tpu.memory_space<vmem>> -> memref<1x128xi32, #tpu.memory_space<vmem>>
        %dma_wait3A_82 = tpu.memref_squeeze %dma_wait3A_81 : memref<1x128xi32, #tpu.memory_space<vmem>> -> memref<128xi32, #tpu.memory_space<vmem>>
        %dma_wait3A_83 = arith.constant 0 : i32
        %dma_wait3A_84 = arith.constant 0 : i32
        %dma_wait3A_85 = tpu.memref_slice %arg9[%dma_wait3A_83, %dma_wait3A_84] : memref<10240x128xf32, #tpu.memory_space<vmem_shared>> -> memref<10240x128xf32, #tpu.memory_space<vmem_shared>>
        tpu.wait_indirect_dma semaphore(%run_scoped3A_65 : memref<!tpu.dma_semaphore, #tpu.memory_space<semaphore_mem>>) src(%dma_wait3A_79 : memref<128x128xf32, #tpu.memory_space<vmem>>) dst(%dma_wait3A_85 : memref<10240x128xf32, #tpu.memory_space<vmem_shared>>)
        tpu.yield
      }) : () -> ()
      %dma_wait3A_51 = arith.constant 1 : i32
      %dma_wait3A_52 = arith.constant 0 : i32
      %dma_wait3A_53 = arith.constant 0 : i32
      %dma_wait3A_54 = tpu.memref_slice %arg8[%dma_wait3A_51, %dma_wait3A_52, %dma_wait3A_53] : memref<2x128x128xf32, #tpu.memory_space<vmem>> -> memref<1x128x128xf32, #tpu.memory_space<vmem>>
      %dma_wait3A_55 = tpu.memref_squeeze %dma_wait3A_54 : memref<1x128x128xf32, #tpu.memory_space<vmem>> -> memref<128x128xf32, #tpu.memory_space<vmem>>
      %dma_wait3A_56 = arith.constant 0 : i32
      %dma_wait3A_57 = tpu.memref_slice %arg6[%add3A_29, %dma_wait3A_56] : memref<40x128xi32, #tpu.memory_space<vmem>> -> memref<1x128xi32, #tpu.memory_space<vmem>>
      %dma_wait3A_58 = tpu.memref_squeeze %dma_wait3A_57 : memref<1x128xi32, #tpu.memory_space<vmem>> -> memref<128xi32, #tpu.memory_space<vmem>>
      %dma_wait3A_59 = arith.constant 0 : i32
      %dma_wait3A_60 = arith.constant 0 : i32
      %dma_wait3A_61 = tpu.memref_slice %arg2[%dma_wait3A_59, %dma_wait3A_60] : memref<10240x128xf32, #tpu.memory_space<hbm>> -> memref<10240x128xf32, #tpu.memory_space<hbm>>
      tpu.wait_indirect_dma semaphore(%arg11 : memref<!tpu.dma_semaphore, #tpu.memory_space<semaphore_mem>>) src(%dma_wait3A_61 : memref<10240x128xf32, #tpu.memory_space<hbm>>) dst(%dma_wait3A_55 : memref<128x128xf32, #tpu.memory_space<vmem>>)
      %add3A_62 = arith.constant 1 : i32
      %add3A_63 = arith.addi %mul3A_17, %add3A_62 : i32
      %run_scoped3A_64 = arith.constant 1 : i32
      "tpu.region"() ({
        %run_scoped3A_65 = tpu.sem_alloc : memref<!tpu.dma_semaphore, #tpu.memory_space<semaphore_mem>>
        %dma_start3A_66 = arith.constant 0 : i32
        %dma_start3A_67 = arith.constant 0 : i32
        %dma_start3A_68 = tpu.memref_slice %arg8[%run_scoped3A_64, %dma_start3A_66, %dma_start3A_67] : memref<2x128x128xf32, #tpu.memory_space<vmem>> -> memref<1x128x128xf32, #tpu.memory_space<vmem>>
        %dma_start3A_69 = tpu.memref_squeeze %dma_start3A_68 : memref<1x128x128xf32, #tpu.memory_space<vmem>> -> memref<128x128xf32, #tpu.memory_space<vmem>>
        %dma_start3A_70 = arith.constant 0 : i32
        %dma_start3A_71 = tpu.memref_slice %arg7[%add3A_63, %dma_start3A_70] : memref<40x128xi32, #tpu.memory_space<vmem>> -> memref<1x128xi32, #tpu.memory_space<vmem>>
        %dma_start3A_72 = tpu.memref_squeeze %dma_start3A_71 : memref<1x128xi32, #tpu.memory_space<vmem>> -> memref<128xi32, #tpu.memory_space<vmem>>
        %dma_start3A_73 = arith.constant 0 : i32
        %dma_start3A_74 = arith.constant 0 : i32
        %dma_start3A_75 = tpu.memref_slice %arg9[%dma_start3A_73, %dma_start3A_74] : memref<10240x128xf32, #tpu.memory_space<vmem_shared>> -> memref<10240x128xf32, #tpu.memory_space<vmem_shared>>
        tpu.enqueue_indirect_dma source(%dma_start3A_69 : memref<128x128xf32, #tpu.memory_space<vmem>>) target(%dma_start3A_75 : memref<10240x128xf32, #tpu.memory_space<vmem_shared>>) offsets(%dma_start3A_72 : memref<128xi32, #tpu.memory_space<vmem>>) semaphore(%run_scoped3A_65 : memref<!tpu.dma_semaphore, #tpu.memory_space<semaphore_mem>>) {add = true}
        %dma_wait3A_76 = arith.constant 0 : i32
        %dma_wait3A_77 = arith.constant 0 : i32
        %dma_wait3A_78 = tpu.memref_slice %arg8[%run_scoped3A_64, %dma_wait3A_76, %dma_wait3A_77] : memref<2x128x128xf32, #tpu.memory_space<vmem>> -> memref<1x128x128xf32, #tpu.memory_space<vmem>>
        %dma_wait3A_79 = tpu.memref_squeeze %dma_wait3A_78 : memref<1x128x128xf32, #tpu.memory_space<vmem>> -> memref<128x128xf32, #tpu.memory_space<vmem>>
        %dma_wait3A_80 = arith.constant 0 : i32
        %dma_wait3A_81 = tpu.memref_slice %arg7[%add3A_63, %dma_wait3A_80] : memref<40x128xi32, #tpu.memory_space<vmem>> -> memref<1x128xi32, #tpu.memory_space<vmem>>
        %dma_wait3A_82 = tpu.memref_squeeze %dma_wait3A_81 : memref<1x128xi32, #tpu.memory_space<vmem>> -> memref<128xi32, #tpu.memory_space<vmem>>
        %dma_wait3A_83 = arith.constant 0 : i32
        %dma_wait3A_84 = arith.constant 0 : i32
        %dma_wait3A_85 = tpu.memref_slice %arg9[%dma_wait3A_83, %dma_wait3A_84] : memref<10240x128xf32, #tpu.memory_space<vmem_shared>> -> memref<10240x128xf32, #tpu.memory_space<vmem_shared>>
        tpu.wait_indirect_dma semaphore(%run_scoped3A_65 : memref<!tpu.dma_semaphore, #tpu.memory_space<semaphore_mem>>) src(%dma_wait3A_79 : memref<128x128xf32, #tpu.memory_space<vmem>>) dst(%dma_wait3A_85 : memref<10240x128xf32, #tpu.memory_space<vmem_shared>>)
        tpu.yield
      }) : () -> ()
    }
    %scan3A_13 = arith.constant 20 : i32
    %barrier3A_14 = arith.constant 0 : index
    tpu.barrier barrier_id(%barrier3A_14)
    "tpu.region"() ({
      %run_scoped3A = tpu.sem_alloc : memref<!tpu.dma_semaphore, #tpu.memory_space<semaphore_mem>>
      %dma_start3A = arith.constant 0 : i32
      %dma_start3A_15 = tpu.memref_slice %arg5[%arg0, %mul3A_2, %dma_start3A] : memref<2x10240x128xf32, #tpu.memory_space<hbm>> -> memref<1x640x128xf32, #tpu.memory_space<hbm>>
      %dma_start3A_16 = tpu.memref_squeeze %dma_start3A_15 : memref<1x640x128xf32, #tpu.memory_space<hbm>> -> memref<640x128xf32, #tpu.memory_space<hbm>>
      %dma_start3A_17 = arith.constant 0 : i32
      %dma_start3A_18 = tpu.memref_slice %arg9[%mul3A_2, %dma_start3A_17] : memref<10240x128xf32, #tpu.memory_space<vmem_shared>> -> memref<640x128xf32, #tpu.memory_space<vmem_shared>>
      tpu.enqueue_dma source(%dma_start3A_18 : memref<640x128xf32, #tpu.memory_space<vmem_shared>>) target(%dma_start3A_16 : memref<640x128xf32, #tpu.memory_space<hbm>>) target_semaphore(%run_scoped3A : memref<!tpu.dma_semaphore, #tpu.memory_space<semaphore_mem>>)
      %dma_wait3A = arith.constant 0 : i32
      %dma_wait3A_19 = tpu.memref_slice %arg5[%arg0, %mul3A_2, %dma_wait3A] : memref<2x10240x128xf32, #tpu.memory_space<hbm>> -> memref<1x640x128xf32, #tpu.memory_space<hbm>>
      %dma_wait3A_20 = tpu.memref_squeeze %dma_wait3A_19 : memref<1x640x128xf32, #tpu.memory_space<hbm>> -> memref<640x128xf32, #tpu.memory_space<hbm>>
      %dma_wait3A_21 = arith.constant 0 : i32
      %dma_wait3A_22 = tpu.memref_slice %arg9[%mul3A_2, %dma_wait3A_21] : memref<10240x128xf32, #tpu.memory_space<vmem_shared>> -> memref<640x128xf32, #tpu.memory_space<vmem_shared>>
      tpu.wait_dma2 semaphore(%run_scoped3A : memref<!tpu.dma_semaphore, #tpu.memory_space<semaphore_mem>>) src(%dma_wait3A_22 : memref<640x128xf32, #tpu.memory_space<vmem_shared>>) dst(%dma_wait3A_20 : memref<640x128xf32, #tpu.memory_space<hbm>>)
      tpu.yield
    }) : () -> ()
    return
  }
}

#map = affine_map<(d0, d1) -> (0, 0)>
#map1 = affine_map<(d0, d1) -> (0, 0, 0)>
module attributes {stable_mosaic.version = 14 : i64} {
  func.func @k(%arg0: i32, %arg1: i32, %arg2: memref<10240x128xf32, #tpu.memory_space<hbm>>, %arg3: memref<32x80x128xi32, #tpu.memory_space<hbm>>, %arg4: memref<32x80x128xi32, #tpu.memory_space<hbm>>, %arg5: memref<2x10240x128xf32, #tpu.memory_space<hbm>>, %arg6: memref<40x128xi32, #tpu.memory_space<vmem>>, %arg7: memref<40x128xi32, #tpu.memory_space<vmem>>, %arg8: memref<2x128x128xf32, #tpu.memory_space<vmem>>, %arg9: memref<10240x128xf32, #tpu.memory_space<vmem_shared>>, %arg10: memref<!tpu.dma_semaphore, #tpu.memory_space<semaphore_mem>>, %arg11: memref<!tpu.dma_semaphore, #tpu.memory_space<semaphore_mem>>) attributes {dimension_semantics = [#tpu.dimension_semantics<core_parallel>, #tpu.dimension_semantics<subcore_parallel>], iteration_bounds = array<i64: 2, 16>, scalar_prefetch = 0 : i64, scratch_operands = 6 : i64, tpu.core_type = #tpu.core_type<sc_vector_subcore>, window_params = [{transform_indices = #map}, {transform_indices = #map1}, {transform_indices = #map1}, {transform_indices = #map1}]} {
    %mul3A = arith.constant 2 : i32
    %mul3A_0 = arith.muli %arg1, %mul3A : i32
    %add3A = arith.addi %mul3A_0, %arg0 : i32
    %mul3A_1 = arith.constant 640 : i32
    %mul3A_2 = arith.muli %arg1, %mul3A_1 : i32
    "tpu.region"() ({
      %run_scoped3A = tpu.sem_alloc : memref<!tpu.dma_semaphore, #tpu.memory_space<semaphore_mem>>
      %dma_start3A = arith.constant 0 : i32
      %dma_start3A_15 = tpu.memref_slice %arg9[%mul3A_2, %dma_start3A] : memref<10240x128xf32, #tpu.memory_space<vmem_shared>> -> memref<640x128xf32, #tpu.memory_space<vmem_shared>>
      %dma_start3A_16 = arith.constant 0 : i32
      %dma_start3A_17 = tpu.memref_slice %arg2[%mul3A_2, %dma_start3A_16] : memref<10240x128xf32, #tpu.memory_space<hbm>> -> memref<640x128xf32, #tpu.memory_space<hbm>>
      tpu.enqueue_dma source(%dma_start3A_17 : memref<640x128xf32, #tpu.memory_space<hbm>>) target(%dma_start3A_15 : memref<640x128xf32, #tpu.memory_space<vmem_shared>>) target_semaphore(%run_scoped3A : memref<!tpu.dma_semaphore, #tpu.memory_space<semaphore_mem>>)
      %dma_wait3A = arith.constant 0 : i32
      %dma_wait3A_18 = tpu.memref_slice %arg9[%mul3A_2, %dma_wait3A] : memref<10240x128xf32, #tpu.memory_space<vmem_shared>> -> memref<640x128xf32, #tpu.memory_space<vmem_shared>>
      %dma_wait3A_19 = arith.constant 0 : i32
      %dma_wait3A_20 = tpu.memref_slice %arg2[%mul3A_2, %dma_wait3A_19] : memref<10240x128xf32, #tpu.memory_space<hbm>> -> memref<640x128xf32, #tpu.memory_space<hbm>>
      tpu.wait_dma2 semaphore(%run_scoped3A : memref<!tpu.dma_semaphore, #tpu.memory_space<semaphore_mem>>) src(%dma_wait3A_20 : memref<640x128xf32, #tpu.memory_space<hbm>>) dst(%dma_wait3A_18 : memref<640x128xf32, #tpu.memory_space<vmem_shared>>)
      tpu.yield
    }) : () -> ()
    %barrier3A = arith.constant 0 : index
    tpu.barrier barrier_id(%barrier3A)
    "tpu.region"() ({
      %run_scoped3A = tpu.sem_alloc : memref<!tpu.dma_semaphore, #tpu.memory_space<semaphore_mem>>
      %dma_start3A = arith.constant 0 : i32
      %dma_start3A_15 = arith.constant 0 : i32
      %dma_start3A_16 = tpu.memref_slice %arg3[%add3A, %dma_start3A, %dma_start3A_15] : memref<32x80x128xi32, #tpu.memory_space<hbm>> -> memref<1x40x128xi32, #tpu.memory_space<hbm>>
      %dma_start3A_17 = tpu.memref_squeeze %dma_start3A_16 : memref<1x40x128xi32, #tpu.memory_space<hbm>> -> memref<40x128xi32, #tpu.memory_space<hbm>>
      %dma_start3A_18 = arith.constant 0 : i32
      %dma_start3A_19 = arith.constant 0 : i32
      %dma_start3A_20 = tpu.memref_slice %arg3[%add3A, %dma_start3A_18, %dma_start3A_19] : memref<32x80x128xi32, #tpu.memory_space<hbm>> -> memref<1x40x128xi32, #tpu.memory_space<hbm>>
      %dma_start3A_21 = tpu.memref_squeeze %dma_start3A_20 : memref<1x40x128xi32, #tpu.memory_space<hbm>> -> memref<40x128xi32, #tpu.memory_space<hbm>>
      tpu.enqueue_dma source(%dma_start3A_21 : memref<40x128xi32, #tpu.memory_space<hbm>>) target(%arg6 : memref<40x128xi32, #tpu.memory_space<vmem>>) target_semaphore(%run_scoped3A : memref<!tpu.dma_semaphore, #tpu.memory_space<semaphore_mem>>)
      %dma_wait3A = arith.constant 0 : i32
      %dma_wait3A_22 = arith.constant 0 : i32
      %dma_wait3A_23 = tpu.memref_slice %arg3[%add3A, %dma_wait3A, %dma_wait3A_22] : memref<32x80x128xi32, #tpu.memory_space<hbm>> -> memref<1x40x128xi32, #tpu.memory_space<hbm>>
      %dma_wait3A_24 = tpu.memref_squeeze %dma_wait3A_23 : memref<1x40x128xi32, #tpu.memory_space<hbm>> -> memref<40x128xi32, #tpu.memory_space<hbm>>
      %dma_wait3A_25 = arith.constant 0 : i32
      %dma_wait3A_26 = arith.constant 0 : i32
      %dma_wait3A_27 = tpu.memref_slice %arg3[%add3A, %dma_wait3A_25, %dma_wait3A_26] : memref<32x80x128xi32, #tpu.memory_space<hbm>> -> memref<1x40x128xi32, #tpu.memory_space<hbm>>
      %dma_wait3A_28 = tpu.memref_squeeze %dma_wait3A_27 : memref<1x40x128xi32, #tpu.memory_space<hbm>> -> memref<40x128xi32, #tpu.memory_space<hbm>>
      tpu.wait_dma2 semaphore(%run_scoped3A : memref<!tpu.dma_semaphore, #tpu.memory_space<semaphore_mem>>) src(%dma_wait3A_28 : memref<40x128xi32, #tpu.memory_space<hbm>>) dst(%arg6 : memref<40x128xi32, #tpu.memory_space<vmem>>)
      tpu.yield
    }) : () -> ()
    "tpu.region"() ({
      %run_scoped3A = tpu.sem_alloc : memref<!tpu.dma_semaphore, #tpu.memory_space<semaphore_mem>>
      %dma_start3A = arith.constant 0 : i32
      %dma_start3A_15 = arith.constant 0 : i32
      %dma_start3A_16 = tpu.memref_slice %arg4[%add3A, %dma_start3A, %dma_start3A_15] : memref<32x80x128xi32, #tpu.memory_space<hbm>> -> memref<1x40x128xi32, #tpu.memory_space<hbm>>
      %dma_start3A_17 = tpu.memref_squeeze %dma_start3A_16 : memref<1x40x128xi32, #tpu.memory_space<hbm>> -> memref<40x128xi32, #tpu.memory_space<hbm>>
      %dma_start3A_18 = arith.constant 0 : i32
      %dma_start3A_19 = arith.constant 0 : i32
      %dma_start3A_20 = tpu.memref_slice %arg4[%add3A, %dma_start3A_18, %dma_start3A_19] : memref<32x80x128xi32, #tpu.memory_space<hbm>> -> memref<1x40x128xi32, #tpu.memory_space<hbm>>
      %dma_start3A_21 = tpu.memref_squeeze %dma_start3A_20 : memref<1x40x128xi32, #tpu.memory_space<hbm>> -> memref<40x128xi32, #tpu.memory_space<hbm>>
      tpu.enqueue_dma source(%dma_start3A_21 : memref<40x128xi32, #tpu.memory_space<hbm>>) target(%arg7 : memref<40x128xi32, #tpu.memory_space<vmem>>) target_semaphore(%run_scoped3A : memref<!tpu.dma_semaphore, #tpu.memory_space<semaphore_mem>>)
      %dma_wait3A = arith.constant 0 : i32
      %dma_wait3A_22 = arith.constant 0 : i32
      %dma_wait3A_23 = tpu.memref_slice %arg4[%add3A, %dma_wait3A, %dma_wait3A_22] : memref<32x80x128xi32, #tpu.memory_space<hbm>> -> memref<1x40x128xi32, #tpu.memory_space<hbm>>
      %dma_wait3A_24 = tpu.memref_squeeze %dma_wait3A_23 : memref<1x40x128xi32, #tpu.memory_space<hbm>> -> memref<40x128xi32, #tpu.memory_space<hbm>>
      %dma_wait3A_25 = arith.constant 0 : i32
      %dma_wait3A_26 = arith.constant 0 : i32
      %dma_wait3A_27 = tpu.memref_slice %arg4[%add3A, %dma_wait3A_25, %dma_wait3A_26] : memref<32x80x128xi32, #tpu.memory_space<hbm>> -> memref<1x40x128xi32, #tpu.memory_space<hbm>>
      %dma_wait3A_28 = tpu.memref_squeeze %dma_wait3A_27 : memref<1x40x128xi32, #tpu.memory_space<hbm>> -> memref<40x128xi32, #tpu.memory_space<hbm>>
      tpu.wait_dma2 semaphore(%run_scoped3A : memref<!tpu.dma_semaphore, #tpu.memory_space<semaphore_mem>>) src(%dma_wait3A_28 : memref<40x128xi32, #tpu.memory_space<hbm>>) dst(%arg7 : memref<40x128xi32, #tpu.memory_space<vmem>>)
      tpu.yield
    }) : () -> ()
    %scan3A = arith.constant 0 : i32
    %scan3A_3 = arith.constant 0 : i32
    %scan3A_4 = arith.constant 20 : i32
    %scan3A_5 = arith.addi %scan3A_3, %scan3A_4 : i32
    %scan3A_6 = arith.constant 1 : i32
    scf.for %scan3A_15 = %scan3A_3 to %scan3A_5 step %scan3A_6  : i32 {
      %mul3A_16 = arith.constant 2 : i32
      %mul3A_17 = arith.muli %scan3A_15, %mul3A_16 : i32
      %dma_start3A = arith.constant 0 : i32
      %dma_start3A_18 = arith.constant 0 : i32
      %dma_start3A_19 = arith.constant 0 : i32
      %dma_start3A_20 = tpu.memref_slice %arg8[%dma_start3A, %dma_start3A_18, %dma_start3A_19] : memref<2x128x128xf32, #tpu.memory_space<vmem>> -> memref<1x128x128xf32, #tpu.memory_space<vmem>>
      %dma_start3A_21 = tpu.memref_squeeze %dma_start3A_20 : memref<1x128x128xf32, #tpu.memory_space<vmem>> -> memref<128x128xf32, #tpu.memory_space<vmem>>
      %dma_start3A_22 = arith.constant 0 : i32
      %dma_start3A_23 = tpu.memref_slice %arg6[%mul3A_17, %dma_start3A_22] : memref<40x128xi32, #tpu.memory_space<vmem>> -> memref<1x128xi32, #tpu.memory_space<vmem>>
      %dma_start3A_24 = tpu.memref_squeeze %dma_start3A_23 : memref<1x128xi32, #tpu.memory_space<vmem>> -> memref<128xi32, #tpu.memory_space<vmem>>
      %dma_start3A_25 = arith.constant 0 : i32
      %dma_start3A_26 = arith.constant 0 : i32
      %dma_start3A_27 = tpu.memref_slice %arg2[%dma_start3A_25, %dma_start3A_26] : memref<10240x128xf32, #tpu.memory_space<hbm>> -> memref<10240x128xf32, #tpu.memory_space<hbm>>
      tpu.enqueue_indirect_dma source(%dma_start3A_27 : memref<10240x128xf32, #tpu.memory_space<hbm>>) target(%dma_start3A_21 : memref<128x128xf32, #tpu.memory_space<vmem>>) offsets(%dma_start3A_24 : memref<128xi32, #tpu.memory_space<vmem>>) semaphore(%arg10 : memref<!tpu.dma_semaphore, #tpu.memory_space<semaphore_mem>>)
      %add3A_28 = arith.constant 1 : i32
      %add3A_29 = arith.addi %mul3A_17, %add3A_28 : i32
      %dma_start3A_30 = arith.constant 1 : i32
      %dma_start3A_31 = arith.constant 0 : i32
      %dma_start3A_32 = arith.constant 0 : i32
      %dma_start3A_33 = tpu.memref_slice %arg8[%dma_start3A_30, %dma_start3A_31, %dma_start3A_32] : memref<2x128x128xf32, #tpu.memory_space<vmem>> -> memref<1x128x128xf32, #tpu.memory_space<vmem>>
      %dma_start3A_34 = tpu.memref_squeeze %dma_start3A_33 : memref<1x128x128xf32, #tpu.memory_space<vmem>> -> memref<128x128xf32, #tpu.memory_space<vmem>>
      %dma_start3A_35 = arith.constant 0 : i32
      %dma_start3A_36 = tpu.memref_slice %arg6[%add3A_29, %dma_start3A_35] : memref<40x128xi32, #tpu.memory_space<vmem>> -> memref<1x128xi32, #tpu.memory_space<vmem>>
      %dma_start3A_37 = tpu.memref_squeeze %dma_start3A_36 : memref<1x128xi32, #tpu.memory_space<vmem>> -> memref<128xi32, #tpu.memory_space<vmem>>
      %dma_start3A_38 = arith.constant 0 : i32
      %dma_start3A_39 = arith.constant 0 : i32
      %dma_start3A_40 = tpu.memref_slice %arg2[%dma_start3A_38, %dma_start3A_39] : memref<10240x128xf32, #tpu.memory_space<hbm>> -> memref<10240x128xf32, #tpu.memory_space<hbm>>
      tpu.enqueue_indirect_dma source(%dma_start3A_40 : memref<10240x128xf32, #tpu.memory_space<hbm>>) target(%dma_start3A_34 : memref<128x128xf32, #tpu.memory_space<vmem>>) offsets(%dma_start3A_37 : memref<128xi32, #tpu.memory_space<vmem>>) semaphore(%arg11 : memref<!tpu.dma_semaphore, #tpu.memory_space<semaphore_mem>>)
      %dma_wait3A = arith.constant 0 : i32
      %dma_wait3A_41 = arith.constant 0 : i32
      %dma_wait3A_42 = arith.constant 0 : i32
      %dma_wait3A_43 = tpu.memref_slice %arg8[%dma_wait3A, %dma_wait3A_41, %dma_wait3A_42] : memref<2x128x128xf32, #tpu.memory_space<vmem>> -> memref<1x128x128xf32, #tpu.memory_space<vmem>>
      %dma_wait3A_44 = tpu.memref_squeeze %dma_wait3A_43 : memref<1x128x128xf32, #tpu.memory_space<vmem>> -> memref<128x128xf32, #tpu.memory_space<vmem>>
      %dma_wait3A_45 = arith.constant 0 : i32
      %dma_wait3A_46 = tpu.memref_slice %arg6[%mul3A_17, %dma_wait3A_45] : memref<40x128xi32, #tpu.memory_space<vmem>> -> memref<1x128xi32, #tpu.memory_space<vmem>>
      %dma_wait3A_47 = tpu.memref_squeeze %dma_wait3A_46 : memref<1x128xi32, #tpu.memory_space<vmem>> -> memref<128xi32, #tpu.memory_space<vmem>>
      %dma_wait3A_48 = arith.constant 0 : i32
      %dma_wait3A_49 = arith.constant 0 : i32
      %dma_wait3A_50 = tpu.memref_slice %arg2[%dma_wait3A_48, %dma_wait3A_49] : memref<10240x128xf32, #tpu.memory_space<hbm>> -> memref<10240x128xf32, #tpu.memory_space<hbm>>
      tpu.wait_indirect_dma semaphore(%arg10 : memref<!tpu.dma_semaphore, #tpu.memory_space<semaphore_mem>>) src(%dma_wait3A_50 : memref<10240x128xf32, #tpu.memory_space<hbm>>) dst(%dma_wait3A_44 : memref<128x128xf32, #tpu.memory_space<vmem>>)
      %run_scoped3A = arith.constant 0 : i32
      "tpu.region"() ({
        %run_scoped3A_65 = tpu.sem_alloc : memref<!tpu.dma_semaphore, #tpu.memory_space<semaphore_mem>>
        %dma_start3A_66 = arith.constant 0 : i32
        %dma_start3A_67 = arith.constant 0 : i32
        %dma_start3A_68 = tpu.memref_slice %arg8[%run_scoped3A, %dma_start3A_66, %dma_start3A_67] : memref<2x128x128xf32, #tpu.memory_space<vmem>> -> memref<1x128x128xf32, #tpu.memory_space<vmem>>
        %dma_start3A_69 = tpu.memref_squeeze %dma_start3A_68 : memref<1x128x128xf32, #tpu.memory_space<vmem>> -> memref<128x128xf32, #tpu.memory_space<vmem>>
        %dma_start3A_70 = arith.constant 0 : i32
        %dma_start3A_71 = tpu.memref_slice %arg7[%mul3A_17, %dma_start3A_70] : memref<40x128xi32, #tpu.memory_space<vmem>> -> memref<1x128xi32, #tpu.memory_space<vmem>>
        %dma_start3A_72 = tpu.memref_squeeze %dma_start3A_71 : memref<1x128xi32, #tpu.memory_space<vmem>> -> memref<128xi32, #tpu.memory_space<vmem>>
        %dma_start3A_73 = arith.constant 0 : i32
        %dma_start3A_74 = arith.constant 0 : i32
        %dma_start3A_75 = tpu.memref_slice %arg9[%dma_start3A_73, %dma_start3A_74] : memref<10240x128xf32, #tpu.memory_space<vmem_shared>> -> memref<10240x128xf32, #tpu.memory_space<vmem_shared>>
        tpu.enqueue_indirect_dma source(%dma_start3A_69 : memref<128x128xf32, #tpu.memory_space<vmem>>) target(%dma_start3A_75 : memref<10240x128xf32, #tpu.memory_space<vmem_shared>>) offsets(%dma_start3A_72 : memref<128xi32, #tpu.memory_space<vmem>>) semaphore(%run_scoped3A_65 : memref<!tpu.dma_semaphore, #tpu.memory_space<semaphore_mem>>) {add = true}
        %dma_wait3A_76 = arith.constant 0 : i32
        %dma_wait3A_77 = arith.constant 0 : i32
        %dma_wait3A_78 = tpu.memref_slice %arg8[%run_scoped3A, %dma_wait3A_76, %dma_wait3A_77] : memref<2x128x128xf32, #tpu.memory_space<vmem>> -> memref<1x128x128xf32, #tpu.memory_space<vmem>>
        %dma_wait3A_79 = tpu.memref_squeeze %dma_wait3A_78 : memref<1x128x128xf32, #tpu.memory_space<vmem>> -> memref<128x128xf32, #tpu.memory_space<vmem>>
        %dma_wait3A_80 = arith.constant 0 : i32
        %dma_wait3A_81 = tpu.memref_slice %arg7[%mul3A_17, %dma_wait3A_80] : memref<40x128xi32, #tpu.memory_space<vmem>> -> memref<1x128xi32, #tpu.memory_space<vmem>>
        %dma_wait3A_82 = tpu.memref_squeeze %dma_wait3A_81 : memref<1x128xi32, #tpu.memory_space<vmem>> -> memref<128xi32, #tpu.memory_space<vmem>>
        %dma_wait3A_83 = arith.constant 0 : i32
        %dma_wait3A_84 = arith.constant 0 : i32
        %dma_wait3A_85 = tpu.memref_slice %arg9[%dma_wait3A_83, %dma_wait3A_84] : memref<10240x128xf32, #tpu.memory_space<vmem_shared>> -> memref<10240x128xf32, #tpu.memory_space<vmem_shared>>
        tpu.wait_indirect_dma semaphore(%run_scoped3A_65 : memref<!tpu.dma_semaphore, #tpu.memory_space<semaphore_mem>>) src(%dma_wait3A_79 : memref<128x128xf32, #tpu.memory_space<vmem>>) dst(%dma_wait3A_85 : memref<10240x128xf32, #tpu.memory_space<vmem_shared>>)
        tpu.yield
      }) : () -> ()
      %dma_wait3A_51 = arith.constant 1 : i32
      %dma_wait3A_52 = arith.constant 0 : i32
      %dma_wait3A_53 = arith.constant 0 : i32
      %dma_wait3A_54 = tpu.memref_slice %arg8[%dma_wait3A_51, %dma_wait3A_52, %dma_wait3A_53] : memref<2x128x128xf32, #tpu.memory_space<vmem>> -> memref<1x128x128xf32, #tpu.memory_space<vmem>>
      %dma_wait3A_55 = tpu.memref_squeeze %dma_wait3A_54 : memref<1x128x128xf32, #tpu.memory_space<vmem>> -> memref<128x128xf32, #tpu.memory_space<vmem>>
      %dma_wait3A_56 = arith.constant 0 : i32
      %dma_wait3A_57 = tpu.memref_slice %arg6[%add3A_29, %dma_wait3A_56] : memref<40x128xi32, #tpu.memory_space<vmem>> -> memref<1x128xi32, #tpu.memory_space<vmem>>
      %dma_wait3A_58 = tpu.memref_squeeze %dma_wait3A_57 : memref<1x128xi32, #tpu.memory_space<vmem>> -> memref<128xi32, #tpu.memory_space<vmem>>
      %dma_wait3A_59 = arith.constant 0 : i32
      %dma_wait3A_60 = arith.constant 0 : i32
      %dma_wait3A_61 = tpu.memref_slice %arg2[%dma_wait3A_59, %dma_wait3A_60] : memref<10240x128xf32, #tpu.memory_space<hbm>> -> memref<10240x128xf32, #tpu.memory_space<hbm>>
      tpu.wait_indirect_dma semaphore(%arg11 : memref<!tpu.dma_semaphore, #tpu.memory_space<semaphore_mem>>) src(%dma_wait3A_61 : memref<10240x128xf32, #tpu.memory_space<hbm>>) dst(%dma_wait3A_55 : memref<128x128xf32, #tpu.memory_space<vmem>>)
      %add3A_62 = arith.constant 1 : i32
      %add3A_63 = arith.addi %mul3A_17, %add3A_62 : i32
      %run_scoped3A_64 = arith.constant 1 : i32
      "tpu.region"() ({
        %run_scoped3A_65 = tpu.sem_alloc : memref<!tpu.dma_semaphore, #tpu.memory_space<semaphore_mem>>
        %dma_start3A_66 = arith.constant 0 : i32
        %dma_start3A_67 = arith.constant 0 : i32
        %dma_start3A_68 = tpu.memref_slice %arg8[%run_scoped3A_64, %dma_start3A_66, %dma_start3A_67] : memref<2x128x128xf32, #tpu.memory_space<vmem>> -> memref<1x128x128xf32, #tpu.memory_space<vmem>>
        %dma_start3A_69 = tpu.memref_squeeze %dma_start3A_68 : memref<1x128x128xf32, #tpu.memory_space<vmem>> -> memref<128x128xf32, #tpu.memory_space<vmem>>
        %dma_start3A_70 = arith.constant 0 : i32
        %dma_start3A_71 = tpu.memref_slice %arg7[%add3A_63, %dma_start3A_70] : memref<40x128xi32, #tpu.memory_space<vmem>> -> memref<1x128xi32, #tpu.memory_space<vmem>>
        %dma_start3A_72 = tpu.memref_squeeze %dma_start3A_71 : memref<1x128xi32, #tpu.memory_space<vmem>> -> memref<128xi32, #tpu.memory_space<vmem>>
        %dma_start3A_73 = arith.constant 0 : i32
        %dma_start3A_74 = arith.constant 0 : i32
        %dma_start3A_75 = tpu.memref_slice %arg9[%dma_start3A_73, %dma_start3A_74] : memref<10240x128xf32, #tpu.memory_space<vmem_shared>> -> memref<10240x128xf32, #tpu.memory_space<vmem_shared>>
        tpu.enqueue_indirect_dma source(%dma_start3A_69 : memref<128x128xf32, #tpu.memory_space<vmem>>) target(%dma_start3A_75 : memref<10240x128xf32, #tpu.memory_space<vmem_shared>>) offsets(%dma_start3A_72 : memref<128xi32, #tpu.memory_space<vmem>>) semaphore(%run_scoped3A_65 : memref<!tpu.dma_semaphore, #tpu.memory_space<semaphore_mem>>) {add = true}
        %dma_wait3A_76 = arith.constant 0 : i32
        %dma_wait3A_77 = arith.constant 0 : i32
        %dma_wait3A_78 = tpu.memref_slice %arg8[%run_scoped3A_64, %dma_wait3A_76, %dma_wait3A_77] : memref<2x128x128xf32, #tpu.memory_space<vmem>> -> memref<1x128x128xf32, #tpu.memory_space<vmem>>
        %dma_wait3A_79 = tpu.memref_squeeze %dma_wait3A_78 : memref<1x128x128xf32, #tpu.memory_space<vmem>> -> memref<128x128xf32, #tpu.memory_space<vmem>>
        %dma_wait3A_80 = arith.constant 0 : i32
        %dma_wait3A_81 = tpu.memref_slice %arg7[%add3A_63, %dma_wait3A_80] : memref<40x128xi32, #tpu.memory_space<vmem>> -> memref<1x128xi32, #tpu.memory_space<vmem>>
        %dma_wait3A_82 = tpu.memref_squeeze %dma_wait3A_81 : memref<1x128xi32, #tpu.memory_space<vmem>> -> memref<128xi32, #tpu.memory_space<vmem>>
        %dma_wait3A_83 = arith.constant 0 : i32
        %dma_wait3A_84 = arith.constant 0 : i32
        %dma_wait3A_85 = tpu.memref_slice %arg9[%dma_wait3A_83, %dma_wait3A_84] : memref<10240x128xf32, #tpu.memory_space<vmem_shared>> -> memref<10240x128xf32, #tpu.memory_space<vmem_shared>>
        tpu.wait_indirect_dma semaphore(%run_scoped3A_65 : memref<!tpu.dma_semaphore, #tpu.memory_space<semaphore_mem>>) src(%dma_wait3A_79 : memref<128x128xf32, #tpu.memory_space<vmem>>) dst(%dma_wait3A_85 : memref<10240x128xf32, #tpu.memory_space<vmem_shared>>)
        tpu.yield
      }) : () -> ()
    }
    %scan3A_7 = arith.constant 20 : i32
    "tpu.region"() ({
      %run_scoped3A = tpu.sem_alloc : memref<!tpu.dma_semaphore, #tpu.memory_space<semaphore_mem>>
      %dma_start3A = arith.constant 40 : i32
      %dma_start3A_15 = arith.constant 0 : i32
      %dma_start3A_16 = tpu.memref_slice %arg3[%add3A, %dma_start3A, %dma_start3A_15] : memref<32x80x128xi32, #tpu.memory_space<hbm>> -> memref<1x40x128xi32, #tpu.memory_space<hbm>>
      %dma_start3A_17 = tpu.memref_squeeze %dma_start3A_16 : memref<1x40x128xi32, #tpu.memory_space<hbm>> -> memref<40x128xi32, #tpu.memory_space<hbm>>
      %dma_start3A_18 = arith.constant 40 : i32
      %dma_start3A_19 = arith.constant 0 : i32
      %dma_start3A_20 = tpu.memref_slice %arg3[%add3A, %dma_start3A_18, %dma_start3A_19] : memref<32x80x128xi32, #tpu.memory_space<hbm>> -> memref<1x40x128xi32, #tpu.memory_space<hbm>>
      %dma_start3A_21 = tpu.memref_squeeze %dma_start3A_20 : memref<1x40x128xi32, #tpu.memory_space<hbm>> -> memref<40x128xi32, #tpu.memory_space<hbm>>
      tpu.enqueue_dma source(%dma_start3A_21 : memref<40x128xi32, #tpu.memory_space<hbm>>) target(%arg6 : memref<40x128xi32, #tpu.memory_space<vmem>>) target_semaphore(%run_scoped3A : memref<!tpu.dma_semaphore, #tpu.memory_space<semaphore_mem>>)
      %dma_wait3A = arith.constant 40 : i32
      %dma_wait3A_22 = arith.constant 0 : i32
      %dma_wait3A_23 = tpu.memref_slice %arg3[%add3A, %dma_wait3A, %dma_wait3A_22] : memref<32x80x128xi32, #tpu.memory_space<hbm>> -> memref<1x40x128xi32, #tpu.memory_space<hbm>>
      %dma_wait3A_24 = tpu.memref_squeeze %dma_wait3A_23 : memref<1x40x128xi32, #tpu.memory_space<hbm>> -> memref<40x128xi32, #tpu.memory_space<hbm>>
      %dma_wait3A_25 = arith.constant 40 : i32
      %dma_wait3A_26 = arith.constant 0 : i32
      %dma_wait3A_27 = tpu.memref_slice %arg3[%add3A, %dma_wait3A_25, %dma_wait3A_26] : memref<32x80x128xi32, #tpu.memory_space<hbm>> -> memref<1x40x128xi32, #tpu.memory_space<hbm>>
      %dma_wait3A_28 = tpu.memref_squeeze %dma_wait3A_27 : memref<1x40x128xi32, #tpu.memory_space<hbm>> -> memref<40x128xi32, #tpu.memory_space<hbm>>
      tpu.wait_dma2 semaphore(%run_scoped3A : memref<!tpu.dma_semaphore, #tpu.memory_space<semaphore_mem>>) src(%dma_wait3A_28 : memref<40x128xi32, #tpu.memory_space<hbm>>) dst(%arg6 : memref<40x128xi32, #tpu.memory_space<vmem>>)
      tpu.yield
    }) : () -> ()
    "tpu.region"() ({
      %run_scoped3A = tpu.sem_alloc : memref<!tpu.dma_semaphore, #tpu.memory_space<semaphore_mem>>
      %dma_start3A = arith.constant 40 : i32
      %dma_start3A_15 = arith.constant 0 : i32
      %dma_start3A_16 = tpu.memref_slice %arg4[%add3A, %dma_start3A, %dma_start3A_15] : memref<32x80x128xi32, #tpu.memory_space<hbm>> -> memref<1x40x128xi32, #tpu.memory_space<hbm>>
      %dma_start3A_17 = tpu.memref_squeeze %dma_start3A_16 : memref<1x40x128xi32, #tpu.memory_space<hbm>> -> memref<40x128xi32, #tpu.memory_space<hbm>>
      %dma_start3A_18 = arith.constant 40 : i32
      %dma_start3A_19 = arith.constant 0 : i32
      %dma_start3A_20 = tpu.memref_slice %arg4[%add3A, %dma_start3A_18, %dma_start3A_19] : memref<32x80x128xi32, #tpu.memory_space<hbm>> -> memref<1x40x128xi32, #tpu.memory_space<hbm>>
      %dma_start3A_21 = tpu.memref_squeeze %dma_start3A_20 : memref<1x40x128xi32, #tpu.memory_space<hbm>> -> memref<40x128xi32, #tpu.memory_space<hbm>>
      tpu.enqueue_dma source(%dma_start3A_21 : memref<40x128xi32, #tpu.memory_space<hbm>>) target(%arg7 : memref<40x128xi32, #tpu.memory_space<vmem>>) target_semaphore(%run_scoped3A : memref<!tpu.dma_semaphore, #tpu.memory_space<semaphore_mem>>)
      %dma_wait3A = arith.constant 40 : i32
      %dma_wait3A_22 = arith.constant 0 : i32
      %dma_wait3A_23 = tpu.memref_slice %arg4[%add3A, %dma_wait3A, %dma_wait3A_22] : memref<32x80x128xi32, #tpu.memory_space<hbm>> -> memref<1x40x128xi32, #tpu.memory_space<hbm>>
      %dma_wait3A_24 = tpu.memref_squeeze %dma_wait3A_23 : memref<1x40x128xi32, #tpu.memory_space<hbm>> -> memref<40x128xi32, #tpu.memory_space<hbm>>
      %dma_wait3A_25 = arith.constant 40 : i32
      %dma_wait3A_26 = arith.constant 0 : i32
      %dma_wait3A_27 = tpu.memref_slice %arg4[%add3A, %dma_wait3A_25, %dma_wait3A_26] : memref<32x80x128xi32, #tpu.memory_space<hbm>> -> memref<1x40x128xi32, #tpu.memory_space<hbm>>
      %dma_wait3A_28 = tpu.memref_squeeze %dma_wait3A_27 : memref<1x40x128xi32, #tpu.memory_space<hbm>> -> memref<40x128xi32, #tpu.memory_space<hbm>>
      tpu.wait_dma2 semaphore(%run_scoped3A : memref<!tpu.dma_semaphore, #tpu.memory_space<semaphore_mem>>) src(%dma_wait3A_28 : memref<40x128xi32, #tpu.memory_space<hbm>>) dst(%arg7 : memref<40x128xi32, #tpu.memory_space<vmem>>)
      tpu.yield
    }) : () -> ()
    %scan3A_8 = arith.constant 0 : i32
    %scan3A_9 = arith.constant 0 : i32
    %scan3A_10 = arith.constant 20 : i32
    %scan3A_11 = arith.addi %scan3A_9, %scan3A_10 : i32
    %scan3A_12 = arith.constant 1 : i32
    scf.for %scan3A_15 = %scan3A_9 to %scan3A_11 step %scan3A_12  : i32 {
      %mul3A_16 = arith.constant 2 : i32
      %mul3A_17 = arith.muli %scan3A_15, %mul3A_16 : i32
      %dma_start3A = arith.constant 0 : i32
      %dma_start3A_18 = arith.constant 0 : i32
      %dma_start3A_19 = arith.constant 0 : i32
      %dma_start3A_20 = tpu.memref_slice %arg8[%dma_start3A, %dma_start3A_18, %dma_start3A_19] : memref<2x128x128xf32, #tpu.memory_space<vmem>> -> memref<1x128x128xf32, #tpu.memory_space<vmem>>
      %dma_start3A_21 = tpu.memref_squeeze %dma_start3A_20 : memref<1x128x128xf32, #tpu.memory_space<vmem>> -> memref<128x128xf32, #tpu.memory_space<vmem>>
      %dma_start3A_22 = arith.constant 0 : i32
      %dma_start3A_23 = tpu.memref_slice %arg6[%mul3A_17, %dma_start3A_22] : memref<40x128xi32, #tpu.memory_space<vmem>> -> memref<1x128xi32, #tpu.memory_space<vmem>>
      %dma_start3A_24 = tpu.memref_squeeze %dma_start3A_23 : memref<1x128xi32, #tpu.memory_space<vmem>> -> memref<128xi32, #tpu.memory_space<vmem>>
      %dma_start3A_25 = arith.constant 0 : i32
      %dma_start3A_26 = arith.constant 0 : i32
      %dma_start3A_27 = tpu.memref_slice %arg2[%dma_start3A_25, %dma_start3A_26] : memref<10240x128xf32, #tpu.memory_space<hbm>> -> memref<10240x128xf32, #tpu.memory_space<hbm>>
      tpu.enqueue_indirect_dma source(%dma_start3A_27 : memref<10240x128xf32, #tpu.memory_space<hbm>>) target(%dma_start3A_21 : memref<128x128xf32, #tpu.memory_space<vmem>>) offsets(%dma_start3A_24 : memref<128xi32, #tpu.memory_space<vmem>>) semaphore(%arg10 : memref<!tpu.dma_semaphore, #tpu.memory_space<semaphore_mem>>)
      %add3A_28 = arith.constant 1 : i32
      %add3A_29 = arith.addi %mul3A_17, %add3A_28 : i32
      %dma_start3A_30 = arith.constant 1 : i32
      %dma_start3A_31 = arith.constant 0 : i32
      %dma_start3A_32 = arith.constant 0 : i32
      %dma_start3A_33 = tpu.memref_slice %arg8[%dma_start3A_30, %dma_start3A_31, %dma_start3A_32] : memref<2x128x128xf32, #tpu.memory_space<vmem>> -> memref<1x128x128xf32, #tpu.memory_space<vmem>>
      %dma_start3A_34 = tpu.memref_squeeze %dma_start3A_33 : memref<1x128x128xf32, #tpu.memory_space<vmem>> -> memref<128x128xf32, #tpu.memory_space<vmem>>
      %dma_start3A_35 = arith.constant 0 : i32
      %dma_start3A_36 = tpu.memref_slice %arg6[%add3A_29, %dma_start3A_35] : memref<40x128xi32, #tpu.memory_space<vmem>> -> memref<1x128xi32, #tpu.memory_space<vmem>>
      %dma_start3A_37 = tpu.memref_squeeze %dma_start3A_36 : memref<1x128xi32, #tpu.memory_space<vmem>> -> memref<128xi32, #tpu.memory_space<vmem>>
      %dma_start3A_38 = arith.constant 0 : i32
      %dma_start3A_39 = arith.constant 0 : i32
      %dma_start3A_40 = tpu.memref_slice %arg2[%dma_start3A_38, %dma_start3A_39] : memref<10240x128xf32, #tpu.memory_space<hbm>> -> memref<10240x128xf32, #tpu.memory_space<hbm>>
      tpu.enqueue_indirect_dma source(%dma_start3A_40 : memref<10240x128xf32, #tpu.memory_space<hbm>>) target(%dma_start3A_34 : memref<128x128xf32, #tpu.memory_space<vmem>>) offsets(%dma_start3A_37 : memref<128xi32, #tpu.memory_space<vmem>>) semaphore(%arg11 : memref<!tpu.dma_semaphore, #tpu.memory_space<semaphore_mem>>)
      %dma_wait3A = arith.constant 0 : i32
      %dma_wait3A_41 = arith.constant 0 : i32
      %dma_wait3A_42 = arith.constant 0 : i32
      %dma_wait3A_43 = tpu.memref_slice %arg8[%dma_wait3A, %dma_wait3A_41, %dma_wait3A_42] : memref<2x128x128xf32, #tpu.memory_space<vmem>> -> memref<1x128x128xf32, #tpu.memory_space<vmem>>
      %dma_wait3A_44 = tpu.memref_squeeze %dma_wait3A_43 : memref<1x128x128xf32, #tpu.memory_space<vmem>> -> memref<128x128xf32, #tpu.memory_space<vmem>>
      %dma_wait3A_45 = arith.constant 0 : i32
      %dma_wait3A_46 = tpu.memref_slice %arg6[%mul3A_17, %dma_wait3A_45] : memref<40x128xi32, #tpu.memory_space<vmem>> -> memref<1x128xi32, #tpu.memory_space<vmem>>
      %dma_wait3A_47 = tpu.memref_squeeze %dma_wait3A_46 : memref<1x128xi32, #tpu.memory_space<vmem>> -> memref<128xi32, #tpu.memory_space<vmem>>
      %dma_wait3A_48 = arith.constant 0 : i32
      %dma_wait3A_49 = arith.constant 0 : i32
      %dma_wait3A_50 = tpu.memref_slice %arg2[%dma_wait3A_48, %dma_wait3A_49] : memref<10240x128xf32, #tpu.memory_space<hbm>> -> memref<10240x128xf32, #tpu.memory_space<hbm>>
      tpu.wait_indirect_dma semaphore(%arg10 : memref<!tpu.dma_semaphore, #tpu.memory_space<semaphore_mem>>) src(%dma_wait3A_50 : memref<10240x128xf32, #tpu.memory_space<hbm>>) dst(%dma_wait3A_44 : memref<128x128xf32, #tpu.memory_space<vmem>>)
      %run_scoped3A = arith.constant 0 : i32
      "tpu.region"() ({
        %run_scoped3A_65 = tpu.sem_alloc : memref<!tpu.dma_semaphore, #tpu.memory_space<semaphore_mem>>
        %dma_start3A_66 = arith.constant 0 : i32
        %dma_start3A_67 = arith.constant 0 : i32
        %dma_start3A_68 = tpu.memref_slice %arg8[%run_scoped3A, %dma_start3A_66, %dma_start3A_67] : memref<2x128x128xf32, #tpu.memory_space<vmem>> -> memref<1x128x128xf32, #tpu.memory_space<vmem>>
        %dma_start3A_69 = tpu.memref_squeeze %dma_start3A_68 : memref<1x128x128xf32, #tpu.memory_space<vmem>> -> memref<128x128xf32, #tpu.memory_space<vmem>>
        %dma_start3A_70 = arith.constant 0 : i32
        %dma_start3A_71 = tpu.memref_slice %arg7[%mul3A_17, %dma_start3A_70] : memref<40x128xi32, #tpu.memory_space<vmem>> -> memref<1x128xi32, #tpu.memory_space<vmem>>
        %dma_start3A_72 = tpu.memref_squeeze %dma_start3A_71 : memref<1x128xi32, #tpu.memory_space<vmem>> -> memref<128xi32, #tpu.memory_space<vmem>>
        %dma_start3A_73 = arith.constant 0 : i32
        %dma_start3A_74 = arith.constant 0 : i32
        %dma_start3A_75 = tpu.memref_slice %arg9[%dma_start3A_73, %dma_start3A_74] : memref<10240x128xf32, #tpu.memory_space<vmem_shared>> -> memref<10240x128xf32, #tpu.memory_space<vmem_shared>>
        tpu.enqueue_indirect_dma source(%dma_start3A_69 : memref<128x128xf32, #tpu.memory_space<vmem>>) target(%dma_start3A_75 : memref<10240x128xf32, #tpu.memory_space<vmem_shared>>) offsets(%dma_start3A_72 : memref<128xi32, #tpu.memory_space<vmem>>) semaphore(%run_scoped3A_65 : memref<!tpu.dma_semaphore, #tpu.memory_space<semaphore_mem>>) {add = true}
        %dma_wait3A_76 = arith.constant 0 : i32
        %dma_wait3A_77 = arith.constant 0 : i32
        %dma_wait3A_78 = tpu.memref_slice %arg8[%run_scoped3A, %dma_wait3A_76, %dma_wait3A_77] : memref<2x128x128xf32, #tpu.memory_space<vmem>> -> memref<1x128x128xf32, #tpu.memory_space<vmem>>
        %dma_wait3A_79 = tpu.memref_squeeze %dma_wait3A_78 : memref<1x128x128xf32, #tpu.memory_space<vmem>> -> memref<128x128xf32, #tpu.memory_space<vmem>>
        %dma_wait3A_80 = arith.constant 0 : i32
        %dma_wait3A_81 = tpu.memref_slice %arg7[%mul3A_17, %dma_wait3A_80] : memref<40x128xi32, #tpu.memory_space<vmem>> -> memref<1x128xi32, #tpu.memory_space<vmem>>
        %dma_wait3A_82 = tpu.memref_squeeze %dma_wait3A_81 : memref<1x128xi32, #tpu.memory_space<vmem>> -> memref<128xi32, #tpu.memory_space<vmem>>
        %dma_wait3A_83 = arith.constant 0 : i32
        %dma_wait3A_84 = arith.constant 0 : i32
        %dma_wait3A_85 = tpu.memref_slice %arg9[%dma_wait3A_83, %dma_wait3A_84] : memref<10240x128xf32, #tpu.memory_space<vmem_shared>> -> memref<10240x128xf32, #tpu.memory_space<vmem_shared>>
        tpu.wait_indirect_dma semaphore(%run_scoped3A_65 : memref<!tpu.dma_semaphore, #tpu.memory_space<semaphore_mem>>) src(%dma_wait3A_79 : memref<128x128xf32, #tpu.memory_space<vmem>>) dst(%dma_wait3A_85 : memref<10240x128xf32, #tpu.memory_space<vmem_shared>>)
        tpu.yield
      }) : () -> ()
      %dma_wait3A_51 = arith.constant 1 : i32
      %dma_wait3A_52 = arith.constant 0 : i32
      %dma_wait3A_53 = arith.constant 0 : i32
      %dma_wait3A_54 = tpu.memref_slice %arg8[%dma_wait3A_51, %dma_wait3A_52, %dma_wait3A_53] : memref<2x128x128xf32, #tpu.memory_space<vmem>> -> memref<1x128x128xf32, #tpu.memory_space<vmem>>
      %dma_wait3A_55 = tpu.memref_squeeze %dma_wait3A_54 : memref<1x128x128xf32, #tpu.memory_space<vmem>> -> memref<128x128xf32, #tpu.memory_space<vmem>>
      %dma_wait3A_56 = arith.constant 0 : i32
      %dma_wait3A_57 = tpu.memref_slice %arg6[%add3A_29, %dma_wait3A_56] : memref<40x128xi32, #tpu.memory_space<vmem>> -> memref<1x128xi32, #tpu.memory_space<vmem>>
      %dma_wait3A_58 = tpu.memref_squeeze %dma_wait3A_57 : memref<1x128xi32, #tpu.memory_space<vmem>> -> memref<128xi32, #tpu.memory_space<vmem>>
      %dma_wait3A_59 = arith.constant 0 : i32
      %dma_wait3A_60 = arith.constant 0 : i32
      %dma_wait3A_61 = tpu.memref_slice %arg2[%dma_wait3A_59, %dma_wait3A_60] : memref<10240x128xf32, #tpu.memory_space<hbm>> -> memref<10240x128xf32, #tpu.memory_space<hbm>>
      tpu.wait_indirect_dma semaphore(%arg11 : memref<!tpu.dma_semaphore, #tpu.memory_space<semaphore_mem>>) src(%dma_wait3A_61 : memref<10240x128xf32, #tpu.memory_space<hbm>>) dst(%dma_wait3A_55 : memref<128x128xf32, #tpu.memory_space<vmem>>)
      %add3A_62 = arith.constant 1 : i32
      %add3A_63 = arith.addi %mul3A_17, %add3A_62 : i32
      %run_scoped3A_64 = arith.constant 1 : i32
      "tpu.region"() ({
        %run_scoped3A_65 = tpu.sem_alloc : memref<!tpu.dma_semaphore, #tpu.memory_space<semaphore_mem>>
        %dma_start3A_66 = arith.constant 0 : i32
        %dma_start3A_67 = arith.constant 0 : i32
        %dma_start3A_68 = tpu.memref_slice %arg8[%run_scoped3A_64, %dma_start3A_66, %dma_start3A_67] : memref<2x128x128xf32, #tpu.memory_space<vmem>> -> memref<1x128x128xf32, #tpu.memory_space<vmem>>
        %dma_start3A_69 = tpu.memref_squeeze %dma_start3A_68 : memref<1x128x128xf32, #tpu.memory_space<vmem>> -> memref<128x128xf32, #tpu.memory_space<vmem>>
        %dma_start3A_70 = arith.constant 0 : i32
        %dma_start3A_71 = tpu.memref_slice %arg7[%add3A_63, %dma_start3A_70] : memref<40x128xi32, #tpu.memory_space<vmem>> -> memref<1x128xi32, #tpu.memory_space<vmem>>
        %dma_start3A_72 = tpu.memref_squeeze %dma_start3A_71 : memref<1x128xi32, #tpu.memory_space<vmem>> -> memref<128xi32, #tpu.memory_space<vmem>>
        %dma_start3A_73 = arith.constant 0 : i32
        %dma_start3A_74 = arith.constant 0 : i32
        %dma_start3A_75 = tpu.memref_slice %arg9[%dma_start3A_73, %dma_start3A_74] : memref<10240x128xf32, #tpu.memory_space<vmem_shared>> -> memref<10240x128xf32, #tpu.memory_space<vmem_shared>>
        tpu.enqueue_indirect_dma source(%dma_start3A_69 : memref<128x128xf32, #tpu.memory_space<vmem>>) target(%dma_start3A_75 : memref<10240x128xf32, #tpu.memory_space<vmem_shared>>) offsets(%dma_start3A_72 : memref<128xi32, #tpu.memory_space<vmem>>) semaphore(%run_scoped3A_65 : memref<!tpu.dma_semaphore, #tpu.memory_space<semaphore_mem>>) {add = true}
        %dma_wait3A_76 = arith.constant 0 : i32
        %dma_wait3A_77 = arith.constant 0 : i32
        %dma_wait3A_78 = tpu.memref_slice %arg8[%run_scoped3A_64, %dma_wait3A_76, %dma_wait3A_77] : memref<2x128x128xf32, #tpu.memory_space<vmem>> -> memref<1x128x128xf32, #tpu.memory_space<vmem>>
        %dma_wait3A_79 = tpu.memref_squeeze %dma_wait3A_78 : memref<1x128x128xf32, #tpu.memory_space<vmem>> -> memref<128x128xf32, #tpu.memory_space<vmem>>
        %dma_wait3A_80 = arith.constant 0 : i32
        %dma_wait3A_81 = tpu.memref_slice %arg7[%add3A_63, %dma_wait3A_80] : memref<40x128xi32, #tpu.memory_space<vmem>> -> memref<1x128xi32, #tpu.memory_space<vmem>>
        %dma_wait3A_82 = tpu.memref_squeeze %dma_wait3A_81 : memref<1x128xi32, #tpu.memory_space<vmem>> -> memref<128xi32, #tpu.memory_space<vmem>>
        %dma_wait3A_83 = arith.constant 0 : i32
        %dma_wait3A_84 = arith.constant 0 : i32
        %dma_wait3A_85 = tpu.memref_slice %arg9[%dma_wait3A_83, %dma_wait3A_84] : memref<10240x128xf32, #tpu.memory_space<vmem_shared>> -> memref<10240x128xf32, #tpu.memory_space<vmem_shared>>
        tpu.wait_indirect_dma semaphore(%run_scoped3A_65 : memref<!tpu.dma_semaphore, #tpu.memory_space<semaphore_mem>>) src(%dma_wait3A_79 : memref<128x128xf32, #tpu.memory_space<vmem>>) dst(%dma_wait3A_85 : memref<10240x128xf32, #tpu.memory_space<vmem_shared>>)
        tpu.yield
      }) : () -> ()
    }
    %scan3A_13 = arith.constant 20 : i32
    %barrier3A_14 = arith.constant 0 : index
    tpu.barrier barrier_id(%barrier3A_14)
    "tpu.region"() ({
      %run_scoped3A = tpu.sem_alloc : memref<!tpu.dma_semaphore, #tpu.memory_space<semaphore_mem>>
      %dma_start3A = arith.constant 0 : i32
      %dma_start3A_15 = tpu.memref_slice %arg5[%arg0, %mul3A_2, %dma_start3A] : memref<2x10240x128xf32, #tpu.memory_space<hbm>> -> memref<1x640x128xf32, #tpu.memory_space<hbm>>
      %dma_start3A_16 = tpu.memref_squeeze %dma_start3A_15 : memref<1x640x128xf32, #tpu.memory_space<hbm>> -> memref<640x128xf32, #tpu.memory_space<hbm>>
      %dma_start3A_17 = arith.constant 0 : i32
      %dma_start3A_18 = tpu.memref_slice %arg9[%mul3A_2, %dma_start3A_17] : memref<10240x128xf32, #tpu.memory_space<vmem_shared>> -> memref<640x128xf32, #tpu.memory_space<vmem_shared>>
      tpu.enqueue_dma source(%dma_start3A_18 : memref<640x128xf32, #tpu.memory_space<vmem_shared>>) target(%dma_start3A_16 : memref<640x128xf32, #tpu.memory_space<hbm>>) target_semaphore(%run_scoped3A : memref<!tpu.dma_semaphore, #tpu.memory_space<semaphore_mem>>)
      %dma_wait3A = arith.constant 0 : i32
      %dma_wait3A_19 = tpu.memref_slice %arg5[%arg0, %mul3A_2, %dma_wait3A] : memref<2x10240x128xf32, #tpu.memory_space<hbm>> -> memref<1x640x128xf32, #tpu.memory_space<hbm>>
      %dma_wait3A_20 = tpu.memref_squeeze %dma_wait3A_19 : memref<1x640x128xf32, #tpu.memory_space<hbm>> -> memref<640x128xf32, #tpu.memory_space<hbm>>
      %dma_wait3A_21 = arith.constant 0 : i32
      %dma_wait3A_22 = tpu.memref_slice %arg9[%mul3A_2, %dma_wait3A_21] : memref<10240x128xf32, #tpu.memory_space<vmem_shared>> -> memref<640x128xf32, #tpu.memory_space<vmem_shared>>
      tpu.wait_dma2 semaphore(%run_scoped3A : memref<!tpu.dma_semaphore, #tpu.memory_space<semaphore_mem>>) src(%dma_wait3A_22 : memref<640x128xf32, #tpu.memory_space<vmem_shared>>) dst(%dma_wait3A_20 : memref<640x128xf32, #tpu.memory_space<hbm>>)
      tpu.yield
    }) : () -> ()
    return
  }
}

module attributes {stable_mosaic.version = 14 : i64} {
  func.func @body(%arg0: memref<2x80x128xf32, #tpu.memory_space<vmem>>, %arg1: memref<80x128xf32, #tpu.memory_space<vmem>>) attributes {dimension_semantics = [], scalar_prefetch = 0 : i64, scratch_operands = 0 : i64, tpu.core_type = #tpu.core_type<tc>} {
    %get3A = arith.constant 0 : index
    %get3A_0 = arith.constant 0 : index
    %get3A_1 = arith.constant 0 : index
    %get3A_2 = vector.load %arg0[%get3A, %get3A_0, %get3A_1] : memref<2x80x128xf32, #tpu.memory_space<vmem>>, vector<1x80x128xf32>
    %get3A_3 = vector.shape_cast %get3A_2 : vector<1x80x128xf32> to vector<80x128xf32>
    %get3A_4 = arith.constant 1 : index
    %get3A_5 = arith.constant 0 : index
    %get3A_6 = arith.constant 0 : index
    %get3A_7 = vector.load %arg0[%get3A_4, %get3A_5, %get3A_6] : memref<2x80x128xf32, #tpu.memory_space<vmem>>, vector<1x80x128xf32>
    %get3A_8 = vector.shape_cast %get3A_7 : vector<1x80x128xf32> to vector<80x128xf32>
    %add3A = arith.addf %get3A_3, %get3A_8 : vector<80x128xf32>
    %add3A_9 = arith.constant 1.000000e+00 : f32
    %add3A_10 = vector.broadcast %add3A_9 : f32 to vector<80x128xf32>
    %add3A_11 = arith.addf %add3A, %add3A_10 : vector<80x128xf32>
    %rsqrt3A = math.rsqrt %add3A_11 : vector<80x128xf32>
    %swap3A = arith.constant 0 : index
    %swap3A_12 = arith.constant 0 : index
    %swap3A_13 = vector.load %arg1[%swap3A, %swap3A_12] : memref<80x128xf32, #tpu.memory_space<vmem>>, vector<80x128xf32>
    tpu.vector_store %arg1[%swap3A, %swap3A_12], %rsqrt3A {strides = array<i32>} : memref<80x128xf32, #tpu.memory_space<vmem>>, vector<80x128xf32>,
    return
  }
}

module attributes {stable_mosaic.version = 14 : i64} {
  func.func @body(%arg0: memref<2x10240x128xf32, #tpu.memory_space<vmem>>, %arg1: memref<10240x128xf32, #tpu.memory_space<vmem>>, %arg2: memref<10240x128xf32, #tpu.memory_space<vmem>>, %arg3: memref<1x128xf32, #tpu.memory_space<vmem>>, %arg4: memref<1x128xf32, #tpu.memory_space<vmem>>, %arg5: memref<1x128xf32, #tpu.memory_space<vmem>>, %arg6: memref<128x128xf32, #tpu.memory_space<vmem>>, %arg7: memref<10240x128xf32, #tpu.memory_space<vmem>>) attributes {dimension_semantics = [], scalar_prefetch = 0 : i64, scratch_operands = 0 : i64, tpu.core_type = #tpu.core_type<tc>} {
    %get3A = arith.constant 0 : index
    %get3A_0 = arith.constant 0 : index
    %get3A_1 = arith.constant 0 : index
    %get3A_2 = vector.load %arg0[%get3A, %get3A_0, %get3A_1] : memref<2x10240x128xf32, #tpu.memory_space<vmem>>, vector<1x10240x128xf32>
    %get3A_3 = vector.shape_cast %get3A_2 : vector<1x10240x128xf32> to vector<10240x128xf32>
    %get3A_4 = arith.constant 1 : index
    %get3A_5 = arith.constant 0 : index
    %get3A_6 = arith.constant 0 : index
    %get3A_7 = vector.load %arg0[%get3A_4, %get3A_5, %get3A_6] : memref<2x10240x128xf32, #tpu.memory_space<vmem>>, vector<1x10240x128xf32>
    %get3A_8 = vector.shape_cast %get3A_7 : vector<1x10240x128xf32> to vector<10240x128xf32>
    %add3A = arith.addf %get3A_3, %get3A_8 : vector<10240x128xf32>
    %get3A_9 = arith.constant 0 : index
    %get3A_10 = arith.constant 0 : index
    %get3A_11 = vector.load %arg1[%get3A_9, %get3A_10] : memref<10240x128xf32, #tpu.memory_space<vmem>>, vector<10240x128xf32>
    %sub3A = arith.subf %add3A, %get3A_11 : vector<10240x128xf32>
    %get3A_12 = arith.constant 0 : index
    %get3A_13 = arith.constant 0 : index
    %get3A_14 = vector.load %arg2[%get3A_12, %get3A_13] : memref<10240x128xf32, #tpu.memory_space<vmem>>, vector<10240x128xf32>
    %mul3A = arith.mulf %sub3A, %get3A_14 : vector<10240x128xf32>
    %get3A_15 = arith.constant 0 : index
    %get3A_16 = arith.constant 0 : index
    %get3A_17 = vector.load %arg3[%get3A_15, %get3A_16] : memref<1x128xf32, #tpu.memory_space<vmem>>, vector<1x128xf32>
    %add3A_18 = vector.broadcast %get3A_17 : vector<1x128xf32> to vector<10240x128xf32>
    %add3A_19 = arith.addf %mul3A, %add3A_18 : vector<10240x128xf32>
    %iota3A = tpu.iota {dimensions = array<i32: 0>} : vector<10240x128xi32>
    %lt3A = arith.constant 10000 : i32
    %lt3A_20 = vector.broadcast %lt3A : i32 to vector<10240x128xi32>
    %lt3A_21 = arith.cmpi slt, %iota3A, %lt3A_20 : vector<10240x128xi32>
    %jit3A = arith.constant 0.000000e+00 : f32
    %broadcast_in_dim3A = vector.broadcast %jit3A : f32 to vector<10240x128xf32>
    %select_n3A = arith.select %lt3A_21, %add3A_19, %broadcast_in_dim3A : vector<10240x128xi1>, vector<10240x128xf32>
    %reduce_sum3A = arith.constant dense<0.000000e+00> : vector<128xf32>
    %reduce_sum3A_22 = vector.multi_reduction <add>, %select_n3A, %reduce_sum3A [0] : vector<10240x128xf32> to vector<128xf32>
    %broadcast_in_dim3A_23 = vector.shape_cast %reduce_sum3A_22 : vector<128xf32> to vector<1x128xf32>
    %mul3A_24 = arith.constant 9.99999974E-5 : f32
    %mul3A_25 = vector.broadcast %mul3A_24 : f32 to vector<1x128xf32>
    %mul3A_26 = arith.mulf %broadcast_in_dim3A_23, %mul3A_25 : vector<1x128xf32>
    %sub3A_27 = vector.broadcast %mul3A_26 : vector<1x128xf32> to vector<10240x128xf32>
    %sub3A_28 = arith.subf %add3A_19, %sub3A_27 : vector<10240x128xf32>
    %jit3A_29 = arith.constant 0.000000e+00 : f32
    %broadcast_in_dim3A_30 = vector.broadcast %jit3A_29 : f32 to vector<10240x128xf32>
    %select_n3A_31 = arith.select %lt3A_21, %sub3A_28, %broadcast_in_dim3A_30 : vector<10240x128xi1>, vector<10240x128xf32>
    %mul3A_32 = arith.mulf %select_n3A_31, %select_n3A_31 : vector<10240x128xf32>
    %reduce_sum3A_33 = arith.constant dense<0.000000e+00> : vector<128xf32>
    %reduce_sum3A_34 = vector.multi_reduction <add>, %mul3A_32, %reduce_sum3A_33 [0] : vector<10240x128xf32> to vector<128xf32>
    %broadcast_in_dim3A_35 = vector.shape_cast %reduce_sum3A_34 : vector<128xf32> to vector<1x128xf32>
    %mul3A_36 = arith.constant 9.99999974E-5 : f32
    %mul3A_37 = vector.broadcast %mul3A_36 : f32 to vector<1x128xf32>
    %mul3A_38 = arith.mulf %broadcast_in_dim3A_35, %mul3A_37 : vector<1x128xf32>
    %sub3A_39 = vector.broadcast %mul3A_26 : vector<1x128xf32> to vector<10240x128xf32>
    %sub3A_40 = arith.subf %add3A_19, %sub3A_39 : vector<10240x128xf32>
    %add3A_41 = arith.constant 9.99999974E-6 : f32
    %add3A_42 = vector.broadcast %add3A_41 : f32 to vector<1x128xf32>
    %add3A_43 = arith.addf %mul3A_38, %add3A_42 : vector<1x128xf32>
    %rsqrt3A = math.rsqrt %add3A_43 : vector<1x128xf32>
    %mul3A_44 = vector.broadcast %rsqrt3A : vector<1x128xf32> to vector<10240x128xf32>
    %mul3A_45 = arith.mulf %sub3A_40, %mul3A_44 : vector<10240x128xf32>
    %get3A_46 = arith.constant 0 : index
    %get3A_47 = arith.constant 0 : index
    %get3A_48 = vector.load %arg4[%get3A_46, %get3A_47] : memref<1x128xf32, #tpu.memory_space<vmem>>, vector<1x128xf32>
    %mul3A_49 = vector.broadcast %get3A_48 : vector<1x128xf32> to vector<10240x128xf32>
    %mul3A_50 = arith.mulf %mul3A_45, %mul3A_49 : vector<10240x128xf32>
    %get3A_51 = arith.constant 0 : index
    %get3A_52 = arith.constant 0 : index
    %get3A_53 = vector.load %arg5[%get3A_51, %get3A_52] : memref<1x128xf32, #tpu.memory_space<vmem>>, vector<1x128xf32>
    %add3A_54 = vector.broadcast %get3A_53 : vector<1x128xf32> to vector<10240x128xf32>
    %add3A_55 = arith.addf %mul3A_50, %add3A_54 : vector<10240x128xf32>
    %max3A = arith.constant 0.000000e+00 : f32
    %max3A_56 = vector.broadcast %max3A : f32 to vector<10240x128xf32>
    %max3A_57 = arith.maximumf %add3A_55, %max3A_56 : vector<10240x128xf32>
    %jit3A_58 = arith.constant 0.000000e+00 : f32
    %broadcast_in_dim3A_59 = vector.broadcast %jit3A_58 : f32 to vector<10240x128xf32>
    %select_n3A_60 = arith.select %lt3A_21, %max3A_57, %broadcast_in_dim3A_59 : vector<10240x128xi1>, vector<10240x128xf32>
    %get3A_61 = arith.constant 0 : index
    %get3A_62 = arith.constant 0 : index
    %get3A_63 = vector.load %arg6[%get3A_61, %get3A_62] : memref<128x128xf32, #tpu.memory_space<vmem>>, vector<128x128xf32>
    %dot_general3A = arith.constant dense<0.000000e+00> : vector<10240x128xf32>
    %dot_general3A_64 = tpu.matmul %select_n3A_60, %get3A_63, %dot_general3A {dimension_numbers = #tpu.dot_dimension_numbers<[1], [0], [0], [1], [0, 0, 1, 1], [], []>, transpose_lhs_hint = false} : vector<10240x128xf32>, vector<128x128xf32>, vector<10240x128xf32> -> vector<10240x128xf32>
    %get3A_65 = arith.constant 0 : index
    %get3A_66 = arith.constant 0 : index
    %get3A_67 = vector.load %arg2[%get3A_65, %get3A_66] : memref<10240x128xf32, #tpu.memory_space<vmem>>, vector<10240x128xf32>
    %mul3A_68 = arith.mulf %dot_general3A_64, %get3A_67 : vector<10240x128xf32>
    %swap3A = arith.constant 0 : index
    %swap3A_69 = arith.constant 0 : index
    %swap3A_70 = vector.load %arg7[%swap3A, %swap3A_69] : memref<10240x128xf32, #tpu.memory_space<vmem>>, vector<10240x128xf32>
    tpu.vector_store %arg7[%swap3A, %swap3A_69], %mul3A_68 {strides = array<i32>} : memref<10240x128xf32, #tpu.memory_space<vmem>>, vector<10240x128xf32>,
    return
  }
}

module attributes {stable_mosaic.version = 14 : i64} {
  func.func @body(%arg0: memref<10240x128xf32, #tpu.memory_space<vmem>>, %arg1: memref<128x128xf32, #tpu.memory_space<vmem>>, %arg2: memref<10240x128xf32, #tpu.memory_space<vmem>>, %arg3: memref<10240x128xf32, #tpu.memory_space<vmem>>) attributes {dimension_semantics = [], scalar_prefetch = 0 : i64, scratch_operands = 0 : i64, tpu.core_type = #tpu.core_type<tc>} {
    %get3A = arith.constant 0 : index
    %get3A_0 = arith.constant 0 : index
    %get3A_1 = vector.load %arg0[%get3A, %get3A_0] : memref<10240x128xf32, #tpu.memory_space<vmem>>, vector<10240x128xf32>
    %get3A_2 = arith.constant 0 : index
    %get3A_3 = arith.constant 0 : index
    %get3A_4 = vector.load %arg1[%get3A_2, %get3A_3] : memref<128x128xf32, #tpu.memory_space<vmem>>, vector<128x128xf32>
    %dot_general3A = arith.constant dense<0.000000e+00> : vector<10240x128xf32>
    %dot_general3A_5 = tpu.matmul %get3A_1, %get3A_4, %dot_general3A {dimension_numbers = #tpu.dot_dimension_numbers<[1], [0], [0], [1], [0, 0, 1, 1], [], []>, transpose_lhs_hint = false} : vector<10240x128xf32>, vector<128x128xf32>, vector<10240x128xf32> -> vector<10240x128xf32>
    %get3A_6 = arith.constant 0 : index
    %get3A_7 = arith.constant 0 : index
    %get3A_8 = vector.load %arg2[%get3A_6, %get3A_7] : memref<10240x128xf32, #tpu.memory_space<vmem>>, vector<10240x128xf32>
    %mul3A = arith.mulf %dot_general3A_5, %get3A_8 : vector<10240x128xf32>
    %swap3A = arith.constant 0 : index
    %swap3A_9 = arith.constant 0 : index
    %swap3A_10 = vector.load %arg3[%swap3A, %swap3A_9] : memref<10240x128xf32, #tpu.memory_space<vmem>>, vector<10240x128xf32>
    tpu.vector_store %arg3[%swap3A, %swap3A_9], %mul3A {strides = array<i32>} : memref<10240x128xf32, #tpu.memory_space<vmem>>, vector<10240x128xf32>,
    return
  }
}

module attributes {stable_mosaic.version = 14 : i64} {
  func.func @body(%arg0: memref<2x10240x128xf32, #tpu.memory_space<vmem>>, %arg1: memref<10240x128xf32, #tpu.memory_space<vmem>>, %arg2: memref<10240x128xf32, #tpu.memory_space<vmem>>, %arg3: memref<1x128xf32, #tpu.memory_space<vmem>>, %arg4: memref<10240x128xf32, #tpu.memory_space<vmem>>) attributes {dimension_semantics = [], scalar_prefetch = 0 : i64, scratch_operands = 0 : i64, tpu.core_type = #tpu.core_type<tc>} {
    %get3A = arith.constant 0 : index
    %get3A_0 = arith.constant 0 : index
    %get3A_1 = arith.constant 0 : index
    %get3A_2 = vector.load %arg0[%get3A, %get3A_0, %get3A_1] : memref<2x10240x128xf32, #tpu.memory_space<vmem>>, vector<1x10240x128xf32>
    %get3A_3 = vector.shape_cast %get3A_2 : vector<1x10240x128xf32> to vector<10240x128xf32>
    %get3A_4 = arith.constant 1 : index
    %get3A_5 = arith.constant 0 : index
    %get3A_6 = arith.constant 0 : index
    %get3A_7 = vector.load %arg0[%get3A_4, %get3A_5, %get3A_6] : memref<2x10240x128xf32, #tpu.memory_space<vmem>>, vector<1x10240x128xf32>
    %get3A_8 = vector.shape_cast %get3A_7 : vector<1x10240x128xf32> to vector<10240x128xf32>
    %add3A = arith.addf %get3A_3, %get3A_8 : vector<10240x128xf32>
    %get3A_9 = arith.constant 0 : index
    %get3A_10 = arith.constant 0 : index
    %get3A_11 = vector.load %arg1[%get3A_9, %get3A_10] : memref<10240x128xf32, #tpu.memory_space<vmem>>, vector<10240x128xf32>
    %sub3A = arith.subf %add3A, %get3A_11 : vector<10240x128xf32>
    %get3A_12 = arith.constant 0 : index
    %get3A_13 = arith.constant 0 : index
    %get3A_14 = vector.load %arg2[%get3A_12, %get3A_13] : memref<10240x128xf32, #tpu.memory_space<vmem>>, vector<10240x128xf32>
    %mul3A = arith.mulf %sub3A, %get3A_14 : vector<10240x128xf32>
    %get3A_15 = arith.constant 0 : index
    %get3A_16 = arith.constant 0 : index
    %get3A_17 = vector.load %arg3[%get3A_15, %get3A_16] : memref<1x128xf32, #tpu.memory_space<vmem>>, vector<1x128xf32>
    %add3A_18 = vector.broadcast %get3A_17 : vector<1x128xf32> to vector<10240x128xf32>
    %add3A_19 = arith.addf %mul3A, %add3A_18 : vector<10240x128xf32>
    %reduce_max3A = arith.constant dense<0xFF800000> : vector<10240xf32>
    %reduce_max3A_20 = vector.multi_reduction <maximumf>, %add3A_19, %reduce_max3A [1] : vector<10240x128xf32> to vector<10240xf32>
    %broadcast_in_dim3A = vector.shape_cast %reduce_max3A_20 : vector<10240xf32> to vector<10240x1xf32>
    %sub3A_21 = vector.broadcast %broadcast_in_dim3A : vector<10240x1xf32> to vector<10240x128xf32>
    %sub3A_22 = arith.subf %add3A_19, %sub3A_21 : vector<10240x128xf32>
    %exp3A = math.exp %sub3A_22 : vector<10240x128xf32>
    %reduce_sum3A = arith.constant dense<0.000000e+00> : vector<10240xf32>
    %reduce_sum3A_23 = vector.multi_reduction <add>, %exp3A, %reduce_sum3A [1] : vector<10240x128xf32> to vector<10240xf32>
    %broadcast_in_dim3A_24 = vector.shape_cast %reduce_sum3A_23 : vector<10240xf32> to vector<10240x1xf32>
    %div3A = vector.broadcast %broadcast_in_dim3A_24 : vector<10240x1xf32> to vector<10240x128xf32>
    %div3A_25 = arith.divf %exp3A, %div3A : vector<10240x128xf32>
    %swap3A = arith.constant 0 : index
    %swap3A_26 = arith.constant 0 : index
    %swap3A_27 = vector.load %arg4[%swap3A, %swap3A_26] : memref<10240x128xf32, #tpu.memory_space<vmem>>, vector<10240x128xf32>
    tpu.vector_store %arg4[%swap3A, %swap3A_26], %div3A_25 {strides = array<i32>} : memref<10240x128xf32, #tpu.memory_space<vmem>>, vector<10240x128xf32>,
    return
  }
}

</mosaic_0001>

<sc_bundles>
// kernel: kernel.11.cloned.1.call-start
scs
__scs_entry_jumppad:
0x0: {  	(pc) =	sbr.rel $0x88, $3  }
0x1: {  	(tag) =	ssettag $0x0;
	lr =	simm.s32 $0x1  }
0x2: {  	[smem:$0x3F95] =	sst lr;
	_ =	strace $0xD0000000  }
0x3: {  	_ = 	snop  }
0x4: {  	_ = 	snop  }
0x5: {  	_ = 	snop  }
0x6: {  	_ = 	snop  }
0x7: {  	_ = 	snop  }
__scs_overlays_trampoline_lowered:
0x8: {  	[smem:$0x3FA4] =	sst s0  }
0x9: {  	[smem:$0x3FA5] =	sst s1  }
0xa: {  	[smem:$0x3FA6] =	sst s2  }
0xb: {  	[smem:$0x3FA7] =	sst s3  }
0xc: {  	[smem:$0x3FA8] =	sst s4  }
0xd: {  	[smem:$0x3FA9] =	sst s5  }
0xe: {  	[smem:$0x3FAA] =	sst s6  }
0xf: {  	[smem:$0x3FAB] =	sst s7  }
0x10: {  	[smem:$0x3FAC] =	sst s8  }
0x11: {  	[smem:$0x3FAD] =	sst s9;
	s0 =	simm.s32 @!p0 $0x0  }
0x12: {  	s1 =	sld [smem:$0x3F93];
	s0 =	simm.s32 @p0 $0x1  }
0x13: {  	[smem:$0x3FAE] =	sst s0;
	s0 =	simm.s32 @!p1 $0x0  }
0x14: {  	s2 =	sld [smem:$0x3F92];
	s0 =	simm.s32 @p1 $0x1  }
0x15: {  	[smem:$0x3FAF] =	sst s0;
	s0 =	simm.s32 @!p2 $0x0  }
0x16: {  	s3 =	sld [smem:$0x3FDB];
	s0 =	simm.s32 @p2 $0x1  }
0x17: {  	s4 =	simm.s32 $0x1BF5;
	[smem:$0x3FB1] =	sst s0  }
0x18: {  	s0 =	sld [smem:$0x3F94];
	_ =	swait.ge [sflag:s4], $0x0  }
0x19: {  	s7 =	sld [smem:$0x3F95]  }
0x1a: {  	s8 =	sadd.s32 $0xFFFFE003, lr  }
0x1b: {  	s9 =	sadd.s32 $0xFFFFFEF7, lr;
	s5 =	simm.s32 $0xFFFFFFFF;
	p2 =	slt.u32 s8, $0xFFFFF086  }
0x1c: {  	p1 =	slt.u32 s9, $0xF7A;
	s5 =	simm.s32 @!p2 $0x0  }
0x1d: {  	s5 =	simm.s32 @p1 $0x1;
	p0 =	seq.s32 s7, s2  }
0x1e: {  	s7 =	smul.u32 @!p0 $0xF7A, s2;
	p2 =	seq.s32 @!p0 s5, $0x0  }
0x1f: {  	s9 =	smul.u32 $0xF7A, s1;
	s8 =	simm.s32 @!p0 $0x1BF5;
	p2 =	por !p2, p0  }
0x20: {  	[sflag:s8] =	ssyncset.s32 @!p0 $0xFFFFF086;
	s6 =	sadd.s32 @!p0 s3, s7;
	s7 =	simm.s32 @!p0 $0x108  }
0x21: {  	s3 =	sadd.s32 s3, s9;
	s6 =	sadd.s32 @!p0 $0x88, s6;
	s7 =	simm.s32 @p2 $0x1082  }
0x22: {  	[simem:s7], [sflag:s8] =	dma.local @!p0 [hbm:s6], $0xF7A  }
0x23: {  	s9 =	sor.u32 $0xD0000000, s2;
	s6 =	simm.s32 $0x108;
	_ =	swait.ge @!p0 [sflag:s8], $0x0  }
0x24: {  	s3 =	sadd.s32 $0x88, s3;
	s6 =	simm.s32 @!p1 $0x1082;
	[sflag:s4] =	ssyncset.s32 $0xFFFFF086  }
0x25: {  	[simem:s6], [sflag:s4] =	dma.local [hbm:s3], $0xF7A  }
0x26: {  	[smem:$0x3F95] =	sst s1;
	(tag) =	ssettag s2;
	_ =	strace s9  }
0x27: {  	s1 =	sld [smem:$0x3FA5]  }
0x28: {  	s2 =	sld [smem:$0x3FA6]  }
0x29: {  	s4 =	sld [smem:$0x3FA8]  }
0x2a: {  	p0 =	seq.s32 s5, $0x0;
	s5 =	sld [smem:$0x3FA9]  }
0x2b: {  	s6 =	sld [smem:$0x3FAA]  }
0x2c: {  	s7 =	sld [smem:$0x3FAB]  }
0x2d: {  	s3 =	simm.s32 $0x108;
	s8 =	sld [smem:$0x3FAC]  }
0x2e: {  	s3 =	simm.s32 @!p0 $0x1082;
	s9 =	sld [smem:$0x3FAD]  }
0x2f: {  	lr =	sadd.s32 s0, s3;
	s0 =	sld [smem:$0x3FA4]  }
0x30: {  	s3 =	sld [smem:$0x3FA7]  }
0x31: {  	[smem:$0x3FB0] =	sst s10  }
0x32: {  	s10 =	sld [smem:$0x3FAE];
	_ =	sdelay $0x3  }
0x33: {  	p0 =	seq.s32 s10, $0x1;
	s10 =	sld [smem:$0x3FB0];
	_ =	sdelay $0x3  }
0x34: {  	[smem:$0x3FB0] =	sst s10  }
0x35: {  	s10 =	sld [smem:$0x3FAF];
	_ =	sdelay $0x3  }
0x36: {  	p1 =	seq.s32 s10, $0x1;
	s10 =	sld [smem:$0x3FB0];
	_ =	sdelay $0x3  }
0x37: {  	[smem:$0x3FB0] =	sst s10  }
0x38: {  	s10 =	sld [smem:$0x3FB1]  }
0x39: {  	_ = 	snop;
	(pc) =	sbr.ind lr, $3  }
0x3a: {  	_ = 	snop  }
0x3b: {  	_ = 	snop  }
0x3c: {  	p2 =	seq.s32 s10, $0x1;
	s10 =	sld [smem:$0x3FB0]  }
0x3d: {  	_ =	shalt  }
0x3e: {  	_ =	shalt  }
0x3f: {  	_ =	shalt  }
0x40: {  	_ =	shalt  }
0x41: {  	_ =	shalt  }
0x42: {  	_ =	shalt  }
0x43: {  	_ =	shalt  }
0x44: {  	_ =	shalt  }
0x45: {  	_ =	shalt  }
0x46: {  	_ =	shalt  }
0x47: {  	_ =	shalt  }
0x48: {  	_ =	shalt  }
0x49: {  	_ =	shalt  }
0x4a: {  	_ =	shalt  }
0x4b: {  	_ =	shalt  }
0x4c: {  	_ =	shalt  }
0x4d: {  	_ =	shalt  }
0x4e: {  	_ =	shalt  }
0x4f: {  	_ =	shalt  }
0x50: {  	_ =	shalt  }
0x51: {  	_ =	shalt  }
0x52: {  	_ =	shalt  }
0x53: {  	_ =	shalt  }
0x54: {  	_ =	shalt  }
0x55: {  	_ =	shalt  }
0x56: {  	_ =	shalt  }
0x57: {  	_ =	shalt  }
0x58: {  	_ =	shalt  }
0x59: {  	_ =	shalt  }
0x5a: {  	_ =	shalt  }
0x5b: {  	_ =	shalt  }
0x5c: {  	_ =	shalt  }
0x5d: {  	_ =	shalt  }
0x5e: {  	_ =	shalt  }
0x5f: {  	_ =	shalt  }
0x60: {  	_ =	shalt  }
0x61: {  	_ =	shalt  }
0x62: {  	_ =	shalt  }
0x63: {  	_ =	shalt  }
0x64: {  	_ =	shalt  }
0x65: {  	_ =	shalt  }
0x66: {  	_ =	shalt  }
0x67: {  	_ =	shalt  }
0x68: {  	_ =	shalt  }
0x69: {  	_ =	shalt  }
0x6a: {  	_ =	shalt  }
0x6b: {  	_ =	shalt  }
0x6c: {  	_ =	shalt  }
0x6d: {  	_ =	shalt  }
0x6e: {  	_ =	shalt  }
0x6f: {  	_ =	shalt  }
0x70: {  	_ =	shalt  }
0x71: {  	_ =	shalt  }
0x72: {  	_ =	shalt  }
0x73: {  	_ =	shalt  }
0x74: {  	_ =	shalt  }
0x75: {  	_ =	shalt  }
0x76: {  	_ =	shalt  }
0x77: {  	_ =	shalt  }
0x78: {  	_ =	shalt  }
0x79: {  	_ =	shalt  }
0x7a: {  	_ =	shalt  }
0x7b: {  	_ =	shalt  }
0x7c: {  	_ =	shalt  }
0x7d: {  	_ =	shalt  }
0x7e: {  	_ =	shalt  }
0x7f: {  	_ =	shalt  }
0x80: {  	_ =	shalt  }
0x81: {  	_ =	shalt  }
0x82: {  	_ =	shalt  }
0x83: {  	_ =	shalt  }
0x84: {  	_ =	shalt  }
0x85: {  	_ =	shalt  }
0x86: {  	_ =	shalt  }
0x87: {  	_ =	shalt  }
.Lfunc_end0:
.L_simem_size_0:
called_computation_lowered:
.L_overlay_start_0:
0x88: {  	s2 =	sld [smem:$0x3FD9]  }
0x89: {  	s3 =	sld [smem:$0x3FFE];
	_ =	sdelay $0x1  }
0x8a: {  	s1 =	srdreg.scid  }
0x8b: {  	s0 =	sand.u32 $0x1, s1  }
0x8c: {  	s17 =	sshll.u32 s0, $0xA;
	s2 =	sadd.s32 s3, s2  }
0x8d: {  	s2 =	sadd.s32 s2, s17  }
0x8e: {  	[smem:$0x3FBC] =	sst s2  }
0x8f: {  	_ = 	snop  }
0x90: {  	s2 =	sld [smem:$0x3FD0];
	(tm) =	ssettm $0x1  }
0x91: {  	s18 =	sld [smem:$0x3FFB];
	_ =	sdelay $0x3  }
0x92: {  	_ =	strace s18  }
0x93: {  	s3 =	sld [smem:$0x3FFC];
	_ =	sdelay $0x3  }
0x94: {  	_ =	strace s3  }
0x95: {  	s3 =	sld [smem:$0x3FFD];
	_ =	sdelay $0x3  }
0x96: {  	_ =	strace s3  }
0x97: {  	_ =	strace $0x8FFFFFFF  }
0x98: {  	s19 =	sld [smem:$0x3FDB];
	_ =	sdelay $0x1  }
0x99: {  	s4 =	simm.s32 $_scs_section_size  }
0x9a: {  	s5 =	simm.s32 $_size__tile_overlayer_lowered;
	s6 =	simm.s32 $_tile_overlayer_lowered  }
0x9b: {  	s22 =	simm.s32 $0x1BFF;
	s21 =	sshll.u32 s6, $0x1;
	s3 =	sadd.s32 s4, s19  }
0x9c: {  	s7 =	simm.s32 $0x0;
	s20 =	sshll.u32 s5, $0x1;
	s5 =	sadd.s32 s21, s3  }
0x9d: {  	[timem:s7], [sflag:s22] =	dma.local [hbm:s5], s20  }
0x9e: {  	_ =	swait.ge [sflag:s22], s20  }
0x9f: {  	s4 =	ssub.s32 $0x0, s20;
	[sflag:s22] =	ssyncset.done $0x0  }
0xa0: {  	[sflag:s22] =	ssyncadd.s32 s4;
	_ =	sdelay $0x1  }
0xa1: {  	s23 =	simm.s32 $0x1B8B  }
0xa2: {  	_ =	swait.ge [sflag:s23], $0x1  }
0xa3: {  	[sflag:s23] =	ssyncset.done $0x0  }
0xa4: {  	s25 =	simm.s32 $0x1B8E;
	s24 =	sld [smem:$0x3FFE];
	[sflag:s23] =	ssyncadd.s32 $0xFFFFFFFF  }
0xa5: {  	s26 =	simm.s32 $execute0_lowered;
	[smem:$0x3FD2] =	sst s25  }
0xa6: {  	s5 =	sshll.u32 s26, $0x1;
	_ =	strace $0x80000046;
	[dreg:$0x1] =	wrdreg $0xFFFFFFFF  }
0xa7: {  	s28 =	simm.s32 $_size_execute0_lowered;
	s3 =	sadd.s32 s3, s5;
	[dreg:$0x0] =	wrdreg $0x0  }
0xa8: {  	s5 =	sshll.u32 s28, $0x1;
	[dreg:$0x2] =	wrdreg s3  }
0xa9: {  	[dreg:$0x3] =	wrdreg s5  }
0xaa: {  	[dreg:$0x4] =	wrdreg $0xC0  }
0xab: {  	_ =	task [dreg:s7], $0x5FFFF  }
0xac: {  	[dreg:$0x1] =	wrdreg $0xFFFFFFFF  }
0xad: {  	[dreg:$0x0] =	wrdreg $0x60  }
0xae: {  	[dreg:$0x2] =	wrdreg s2  }
0xaf: {  	[dreg:$0x3] =	wrdreg s24  }
0xb0: {  	[dreg:$0x4] =	wrdreg $0x2B000  }
0xb1: {  	[dreg:$0x5] =	wrdreg $0x9  }
0xb2: {  	_ =	task.clear_ibuf [dreg:s7], $0x6FFFF;
	_ =	strace $0x90000046  }
0xb3: {  	s29 =	simm.s32 $0x9;
	_ =	strace $0x80000048  }
0xb4: {  	_ =	swait.ge [sflag:s29], $0x1  }
0xb5: {  	[sflag:s29] =	ssyncadd.s32 $0xFFFFFFFF  }
0xb6: {  	_ =	strace $0x90000048  }
0xb7: {  	_ =	sfence  }
0xb8: {  	s30 =	sld [smem:$0x0];
	_ =	sdelay $0x2  }
0xb9: {  	s31 =	sshll.u32 s1, $0xD;
	s1 =	sshrl.u32 s1, $0x2  }
0xba: {  	s3 =	sand.u32 $0x4000, s31;
	s1 =	sadd.s32 s1, s30  }
0xbb: {  	s0 =	sor.u32 s3, s0;
	s1 =	sshll.u32 s1, $0x11  }
0xbc: {  	s0 =	sor.u32 s1, s0  }
0xbd: {  	s0 =	sadd.s32 $0x8F2B, s0  }
0xbe: {  	[sflag:s0] =	ssyncadd.remote.s32 $0x1  }
0xbf: {  	_ =	sfence.sel $0xFFFF  }
0xc0: {  	[dreg:$0x0] =	wrdreg $0xFFFFFFFF;
	(pc) =	sbr.abs _section_cstart, $3  }
0xc1: {  	[dreg:$0x1] =	wrdreg $0xFFFFFFFF  }
0xc2: {  	_ =	task.clear_ibuf [dreg:s7], $0x2FFFF;
	_ =	strace $0x9FFFFFFF  }
0xc3: {  	(tm) =	ssettm $0x7FFFFFFF  }
tec
execute0_lowered:
.L_overlay_start_1:
0x0: {  	(tag) =	ssettag $0x1  }
0x1: {  	s5 =	rddreg [dreg:$0x0]  }
0x2: {  	s4 =	rddreg [dreg:$0x1]  }
0x3: {  	s2 =	rddreg [dreg:$0x2]  }
0x4: {  	s0 =	rddreg [dreg:$0x3]  }
0x5: {  	s3 =	simm.s32 $0x0;
	s6 =	srdreg.scid;
	s1 =	stileid.u32  }
0x6: {  	s11 =	simm.s32 $0x2800;
	s14 =	simm.s32 $0x20;
	s15 =	simm.s32 $0x10  }
0x7: {  	s16 =	simm.s32 $0x0;
	[smem:$0x7FF] =	sst s3;
	s7 =	smul.u32 $0x500, s1  }
0x8: {  	s6 =	sand.u32 $0x1, s6;
	s9 =	sshll.u32 s1, $0x1;
	s30 =	smul.u32 $0xA00, s1  }
0x9: {  	s12 =	sshll.u32 s1, $0x6;
	_ =	strace $0x80000047;
	s8 =	sshll.u32 s6, $0x7  }
0xa: {  	s9 =	sor.u32 s6, s9;
	s6 =	ssub.s32 $0x2, s6;
	s12 =	sor.u32 $0x1C01, s12  }
0xb: {  	s7 =	sor.u32 s8, s7;
	s9 =	smul.u32 $0x500, s9;
	s31 =	sshrl.u32 s6, $0x1  }
0xc: {  	s8 =	sshrl.u32 s30, $0x2;
	s7 =	sshrl.u32 s7, $0x3;
	s10 =	ssub.s32 s6, s31  }
0xd: {  	s7 =	sadd.s32 s7, s4;
	s4 =	sadd.s32 s8, s2;
	s5 =	sadd.s32 s5, s9  }
0xe: {  	s8 =	simm.s32 $0x2880;
	s9 =	simm.s32 $0x1;
	s6 =	sadd.s32 $0xD800, s7  }
0xf: {  	v0 =	vimm.f32 $1.000000000e+00;
	v1 =	vimm.f32 $0.0e+00;
	s7 =	smax.u32 s10, $0x1;
	s10 =	simm.s32 $0x80;
	s13 =	sshrl.u32 s4, $0x3  }
.LBB2_1:
0x10: {  	[tilespmem:$0x2800] =	vst v0  }
0x11: {  	[tilespmem:$0x2810] =	vst v0  }
0x12: {  	[tilespmem:$0x2820] =	vst v0  }
0x13: {  	[tilespmem:$0x2830] =	vst v0  }
0x14: {  	[tilespmem:$0x2840] =	vst v0  }
0x15: {  	[tilespmem:$0x2850] =	vst v0  }
0x16: {  	[tilespmem:$0x2860] =	vst v0  }
0x17: {  	[tilespmem:$0x2870] =	vst v0  }
0x18: {  	[tilespmem:$0x2880] =	vst v1  }
0x19: {  	[tilespmem:$0x2890] =	vst v1  }
0x1a: {  	[tilespmem:$0x28A0] =	vst v1  }
0x1b: {  	[tilespmem:$0x28B0] =	vst v1  }
0x1c: {  	[tilespmem:$0x28C0] =	vst v1  }
0x1d: {  	[tilespmem:$0x28D0] =	vst v1  }
0x1e: {  	[tilespmem:$0x28E0] =	vst v1  }
0x1f: {  	[tilespmem:$0x28F0] =	vst v1  }
0x20: {  	[tilespmem:$0x2900] =	vst v1  }
0x21: {  	[tilespmem:$0x2910] =	vst v1  }
0x22: {  	[tilespmem:$0x2920] =	vst v1  }
0x23: {  	[tilespmem:$0x2930] =	vst v1  }
0x24: {  	[tilespmem:$0x2940] =	vst v1  }
0x25: {  	[tilespmem:$0x2950] =	vst v1  }
0x26: {  	[tilespmem:$0x2960] =	vst v1  }
0x27: {  	[tilespmem:$0x2970] =	vst v1  }
0x28: {  	[tilespmem:$0x2980] =	vst v1  }
0x29: {  	[tilespmem:$0x2990] =	vst v1  }
0x2a: {  	[tilespmem:$0x29A0] =	vst v1  }
0x2b: {  	[tilespmem:$0x29B0] =	vst v1  }
0x2c: {  	[tilespmem:$0x29C0] =	vst v1  }
0x2d: {  	[tilespmem:$0x29D0] =	vst v1  }
0x2e: {  	[tilespmem:$0x29E0] =	vst v1  }
0x2f: {  	[tilespmem:$0x29F0] =	vst v1  }
0x30: {  	[tilespmem:$0x2A00] =	vst v1  }
0x31: {  	[tilespmem:$0x2A10] =	vst v1  }
0x32: {  	[tilespmem:$0x2A20] =	vst v1  }
0x33: {  	[tilespmem:$0x2A30] =	vst v1  }
0x34: {  	[tilespmem:$0x2A40] =	vst v1  }
0x35: {  	[tilespmem:$0x2A50] =	vst v1  }
0x36: {  	[tilespmem:$0x2A60] =	vst v1  }
0x37: {  	[tilespmem:$0x2A70] =	vst v1  }
0x38: {  	[tilespmem:$0x2A80] =	vst v1  }
0x39: {  	[tilespmem:$0x2A90] =	vst v1  }
0x3a: {  	[tilespmem:$0x2AA0] =	vst v1  }
0x3b: {  	[tilespmem:$0x2AB0] =	vst v1  }
0x3c: {  	[tilespmem:$0x2AC0] =	vst v1  }
0x3d: {  	[tilespmem:$0x2AD0] =	vst v1  }
0x3e: {  	[tilespmem:$0x2AE0] =	vst v1  }
0x3f: {  	[tilespmem:$0x2AF0] =	vst v1  }
0x40: {  	[spmem:s4] =	stream.linear.scatter [tilespmem:s8], [sflag:$0x1], $0x280, $0x38;
	[tilespmem:$0x2D80] =	vst v63  }
0x41: {  	_ =	swait.ge [sflag:s9], $0x280  }
0x42: {  	[sflag:s9] =	ssyncset.done $0x0  }
0x43: {  	[sflag:s9] =	ssyncadd.s32 $0xFFFFFD80  }
0x44: {  	[tilespmem:s3], [sflag:$0x1] =	stream.linear.gather [hbm4b:s5+s3], $0x2800, $0x38;
	[tilespmem:$0x2D80] =	vst v63  }
0x45: {  	_ =	swait.ge [sflag:s9], $0x2800  }
0x46: {  	[sflag:s9] =	ssyncset.done $0x0  }
0x47: {  	[sflag:s9] =	ssyncadd.s32 $0xFFFFD800  }
0x48: {  	s17 =	simm.s32 $0x0;
	[bflag:$0x0] =	sbarrier.arrive $0xFFFF  }
0x49: {  	[spmem:s2] =	stream.indirect.scatter.add.f32 [tilespmem:s11], [sflag:$0x1], $0x1, s17, s10, $0xb8;
	[tilespmem:$0x2D80] =	vst v63  }
0x4a: {  	_ =	swait.ge [sflag:s9], $0x80  }
0x4b: {  	s17 =	simm.s32 $0x200;
	[sflag:s9] =	ssyncset.done $0x0  }
.LBB2_2:
0x4c: {  	s18 =	sshra.s32 s17, $0x2;
	[sflag:s9] =	ssyncadd.s32 $0xFFFFFF80;
	p0 =	sne.s32 s17, $0x9E00  }
0x4d: {  	[spmem:s2] =	stream.indirect.scatter.add.f32 [tilespmem:s11], [sflag:$0x1], $0x1, s18, s10, $0xb8;
	[tilespmem:$0x2D80] =	vst v63  }
.Ltmp0:
0x4e: {  	_ = 	snop;
	(pc) =	sbr.rel @p0 .LBB2_2-.Ltmp0, $4  }
0x4f: {  	_ = 	snop  }
0x50: {  	s17 =	sadd.s32 $0x200, s17  }
0x51: {  	_ =	swait.ge [sflag:s9], $0x80  }
0x52: {  	[sflag:s9] =	ssyncset.done $0x0  }
0x53: {  	s16 =	sadd.s32 $0x1, s16  }
0x54: {  	[sflag:s9] =	ssyncadd.s32 $0xFFFFFF80;
	p0 =	sne.s32 s16, s7  }
.Ltmp1:
0x55: {  	[bflag:$0x0] =	sbarrier.arrive $0xFFFF;
	(pc) =	sbr.rel @p0 .LBB2_1-.Ltmp1, $4  }
0x56: {  	[hbm:s6@s14], [sflag:s12] =	dma.strided [spmem:s13@s15], $0x50, s9, $0x10   }
0x57: {  	_ =	swait.ge [sflag:s9], $0x50  }
0x58: {  	[sflag:s9] =	ssyncset.done $0x0  }
0x59: {  	[sflag:s9] =	ssyncadd.s32 $0xFFFFFFB0  }
0x5a: {  	_ =	sfence.sel $0x180000  }
0x5b: {  	[bflag:$0x0] =	sbarrier.arrive $0xFFFF  }
0x5c: {  	p0 =	sne.s32 s1, $0x0;
	_ =	strace $0x90000047  }
0x5d: {  	s0 =	sadd.s32 @!p0 $0x100000, s0;
	[bflag:$0x2] =	sbarrier.arrive $0xFFFF  }
0x5e: {  	[sflag:s0] =	ssyncadd.tile.s32 @!p0 $0x1;
	_ =	shalt  }
.Lfunc_end2:
_tile_overlayer_lowered:
.L_overlay_start_2:
0x5f: {  	(tag) =	ssettag $0x2  }
0x60: {  	s0 =	rddreg [dreg:$0x0];
	s2 =	stileid.u32  }
0x61: {  	s1 =	rddreg [dreg:$0x1];
	p0 =	sne.s32 s2, $0x0  }
0x62: {  	s3 =	rddreg [dreg:$0x2];
	[bflag:$0x3] =	sbarrier.arrive $0xFFFF;
	s2 =	simm.s32 @!p0 $0x1C01  }
0x63: {  	[timem:s3], [sflag:s2] =	dma.local @!p0 [hbm:s0], s1  }
0x64: {  	s0 =	simm.s32 @!p0 $0x1  }
0x65: {  	_ =	swait.ge @!p0 [sflag:s0], s1  }
0x66: {  	s1 =	ssub.s32 @!p0 $0x0, s1;
	[sflag:s0] =	ssyncset.done @!p0 $0x0  }
0x67: {  	[sflag:s0] =	ssyncadd.s32 @!p0 s1  }
0x68: {  	[bflag:$0x3] =	sbarrier.arrive $0xFFFF  }
0x69: {  	_ =	shalt  }

// kernel: kernel.14.cloned.1.call-start
scs
__scs_entry_jumppad:
0x0: {  	(pc) =	sbr.rel $0x88, $3  }
0x1: {  	(tag) =	ssettag $0x0;
	lr =	simm.s32 $0x1  }
0x2: {  	[smem:$0x3F95] =	sst lr;
	_ =	strace $0xD0000000  }
0x3: {  	_ = 	snop  }
0x4: {  	_ = 	snop  }
0x5: {  	_ = 	snop  }
0x6: {  	_ = 	snop  }
0x7: {  	_ = 	snop  }
__scs_overlays_trampoline_lowered:
0x8: {  	[smem:$0x3FA4] =	sst s0  }
0x9: {  	[smem:$0x3FA5] =	sst s1  }
0xa: {  	[smem:$0x3FA6] =	sst s2  }
0xb: {  	[smem:$0x3FA7] =	sst s3  }
0xc: {  	[smem:$0x3FA8] =	sst s4  }
0xd: {  	[smem:$0x3FA9] =	sst s5  }
0xe: {  	[smem:$0x3FAA] =	sst s6  }
0xf: {  	[smem:$0x3FAB] =	sst s7  }
0x10: {  	[smem:$0x3FAC] =	sst s8  }
0x11: {  	[smem:$0x3FAD] =	sst s9;
	s0 =	simm.s32 @!p0 $0x0  }
0x12: {  	s1 =	sld [smem:$0x3F93];
	s0 =	simm.s32 @p0 $0x1  }
0x13: {  	[smem:$0x3FAE] =	sst s0;
	s0 =	simm.s32 @!p1 $0x0  }
0x14: {  	s2 =	sld [smem:$0x3F92];
	s0 =	simm.s32 @p1 $0x1  }
0x15: {  	[smem:$0x3FAF] =	sst s0;
	s0 =	simm.s32 @!p2 $0x0  }
0x16: {  	s3 =	sld [smem:$0x3FDB];
	s0 =	simm.s32 @p2 $0x1  }
0x17: {  	s4 =	simm.s32 $0x1BF5;
	[smem:$0x3FB1] =	sst s0  }
0x18: {  	s0 =	sld [smem:$0x3F94];
	_ =	swait.ge [sflag:s4], $0x0  }
0x19: {  	s7 =	sld [smem:$0x3F95]  }
0x1a: {  	s8 =	sadd.s32 $0xFFFFE003, lr  }
0x1b: {  	s9 =	sadd.s32 $0xFFFFFEF7, lr;
	s5 =	simm.s32 $0xFFFFFFFF;
	p2 =	slt.u32 s8, $0xFFFFF086  }
0x1c: {  	p1 =	slt.u32 s9, $0xF7A;
	s5 =	simm.s32 @!p2 $0x0  }
0x1d: {  	s5 =	simm.s32 @p1 $0x1;
	p0 =	seq.s32 s7, s2  }
0x1e: {  	s7 =	smul.u32 @!p0 $0xF7A, s2;
	p2 =	seq.s32 @!p0 s5, $0x0  }
0x1f: {  	s9 =	smul.u32 $0xF7A, s1;
	s8 =	simm.s32 @!p0 $0x1BF5;
	p2 =	por !p2, p0  }
0x20: {  	[sflag:s8] =	ssyncset.s32 @!p0 $0xFFFFF086;
	s6 =	sadd.s32 @!p0 s3, s7;
	s7 =	simm.s32 @!p0 $0x108  }
0x21: {  	s3 =	sadd.s32 s3, s9;
	s6 =	sadd.s32 @!p0 $0x88, s6;
	s7 =	simm.s32 @p2 $0x1082  }
0x22: {  	[simem:s7], [sflag:s8] =	dma.local @!p0 [hbm:s6], $0xF7A  }
0x23: {  	s9 =	sor.u32 $0xD0000000, s2;
	s6 =	simm.s32 $0x108;
	_ =	swait.ge @!p0 [sflag:s8], $0x0  }
0x24: {  	s3 =	sadd.s32 $0x88, s3;
	s6 =	simm.s32 @!p1 $0x1082;
	[sflag:s4] =	ssyncset.s32 $0xFFFFF086  }
0x25: {  	[simem:s6], [sflag:s4] =	dma.local [hbm:s3], $0xF7A  }
0x26: {  	[smem:$0x3F95] =	sst s1;
	(tag) =	ssettag s2;
	_ =	strace s9  }
0x27: {  	s1 =	sld [smem:$0x3FA5]  }
0x28: {  	s2 =	sld [smem:$0x3FA6]  }
0x29: {  	s4 =	sld [smem:$0x3FA8]  }
0x2a: {  	p0 =	seq.s32 s5, $0x0;
	s5 =	sld [smem:$0x3FA9]  }
0x2b: {  	s6 =	sld [smem:$0x3FAA]  }
0x2c: {  	s7 =	sld [smem:$0x3FAB]  }
0x2d: {  	s3 =	simm.s32 $0x108;
	s8 =	sld [smem:$0x3FAC]  }
0x2e: {  	s3 =	simm.s32 @!p0 $0x1082;
	s9 =	sld [smem:$0x3FAD]  }
0x2f: {  	lr =	sadd.s32 s0, s3;
	s0 =	sld [smem:$0x3FA4]  }
0x30: {  	s3 =	sld [smem:$0x3FA7]  }
0x31: {  	[smem:$0x3FB0] =	sst s10  }
0x32: {  	s10 =	sld [smem:$0x3FAE];
	_ =	sdelay $0x3  }
0x33: {  	p0 =	seq.s32 s10, $0x1;
	s10 =	sld [smem:$0x3FB0];
	_ =	sdelay $0x3  }
0x34: {  	[smem:$0x3FB0] =	sst s10  }
0x35: {  	s10 =	sld [smem:$0x3FAF];
	_ =	sdelay $0x3  }
0x36: {  	p1 =	seq.s32 s10, $0x1;
	s10 =	sld [smem:$0x3FB0];
	_ =	sdelay $0x3  }
0x37: {  	[smem:$0x3FB0] =	sst s10  }
0x38: {  	s10 =	sld [smem:$0x3FB1]  }
0x39: {  	_ = 	snop;
	(pc) =	sbr.ind lr, $3  }
0x3a: {  	_ = 	snop  }
0x3b: {  	_ = 	snop  }
0x3c: {  	p2 =	seq.s32 s10, $0x1;
	s10 =	sld [smem:$0x3FB0]  }
0x3d: {  	_ =	shalt  }
0x3e: {  	_ =	shalt  }
0x3f: {  	_ =	shalt  }
0x40: {  	_ =	shalt  }
0x41: {  	_ =	shalt  }
0x42: {  	_ =	shalt  }
0x43: {  	_ =	shalt  }
0x44: {  	_ =	shalt  }
0x45: {  	_ =	shalt  }
0x46: {  	_ =	shalt  }
0x47: {  	_ =	shalt  }
0x48: {  	_ =	shalt  }
0x49: {  	_ =	shalt  }
0x4a: {  	_ =	shalt  }
0x4b: {  	_ =	shalt  }
0x4c: {  	_ =	shalt  }
0x4d: {  	_ =	shalt  }
0x4e: {  	_ =	shalt  }
0x4f: {  	_ =	shalt  }
0x50: {  	_ =	shalt  }
0x51: {  	_ =	shalt  }
0x52: {  	_ =	shalt  }
0x53: {  	_ =	shalt  }
0x54: {  	_ =	shalt  }
0x55: {  	_ =	shalt  }
0x56: {  	_ =	shalt  }
0x57: {  	_ =	shalt  }
0x58: {  	_ =	shalt  }
0x59: {  	_ =	shalt  }
0x5a: {  	_ =	shalt  }
0x5b: {  	_ =	shalt  }
0x5c: {  	_ =	shalt  }
0x5d: {  	_ =	shalt  }
0x5e: {  	_ =	shalt  }
0x5f: {  	_ =	shalt  }
0x60: {  	_ =	shalt  }
0x61: {  	_ =	shalt  }
0x62: {  	_ =	shalt  }
0x63: {  	_ =	shalt  }
0x64: {  	_ =	shalt  }
0x65: {  	_ =	shalt  }
0x66: {  	_ =	shalt  }
0x67: {  	_ =	shalt  }
0x68: {  	_ =	shalt  }
0x69: {  	_ =	shalt  }
0x6a: {  	_ =	shalt  }
0x6b: {  	_ =	shalt  }
0x6c: {  	_ =	shalt  }
0x6d: {  	_ =	shalt  }
0x6e: {  	_ =	shalt  }
0x6f: {  	_ =	shalt  }
0x70: {  	_ =	shalt  }
0x71: {  	_ =	shalt  }
0x72: {  	_ =	shalt  }
0x73: {  	_ =	shalt  }
0x74: {  	_ =	shalt  }
0x75: {  	_ =	shalt  }
0x76: {  	_ =	shalt  }
0x77: {  	_ =	shalt  }
0x78: {  	_ =	shalt  }
0x79: {  	_ =	shalt  }
0x7a: {  	_ =	shalt  }
0x7b: {  	_ =	shalt  }
0x7c: {  	_ =	shalt  }
0x7d: {  	_ =	shalt  }
0x7e: {  	_ =	shalt  }
0x7f: {  	_ =	shalt  }
0x80: {  	_ =	shalt  }
0x81: {  	_ =	shalt  }
0x82: {  	_ =	shalt  }
0x83: {  	_ =	shalt  }
0x84: {  	_ =	shalt  }
0x85: {  	_ =	shalt  }
0x86: {  	_ =	shalt  }
0x87: {  	_ =	shalt  }
.Lfunc_end0:
.L_simem_size_0:
called_computation.1_lowered:
.L_overlay_start_0:
0x88: {  	s2 =	sld [smem:$0x3FD9]  }
0x89: {  	s3 =	sld [smem:$0x3FFE];
	_ =	sdelay $0x1  }
0x8a: {  	s1 =	srdreg.scid  }
0x8b: {  	s0 =	sand.u32 $0x1, s1  }
0x8c: {  	s17 =	sshll.u32 s0, $0xA;
	s2 =	sadd.s32 s3, s2  }
0x8d: {  	s2 =	sadd.s32 s2, s17  }
0x8e: {  	[smem:$0x3FBC] =	sst s2  }
0x8f: {  	_ = 	snop  }
0x90: {  	s2 =	sld [smem:$0x3FD0];
	(tm) =	ssettm $0x1  }
0x91: {  	s18 =	sld [smem:$0x3FFB];
	_ =	sdelay $0x3  }
0x92: {  	_ =	strace s18  }
0x93: {  	s3 =	sld [smem:$0x3FFC];
	_ =	sdelay $0x3  }
0x94: {  	_ =	strace s3  }
0x95: {  	s3 =	sld [smem:$0x3FFD];
	_ =	sdelay $0x3  }
0x96: {  	_ =	strace s3  }
0x97: {  	_ =	strace $0x8FFFFFFF  }
0x98: {  	s19 =	sld [smem:$0x3FDB];
	_ =	sdelay $0x1  }
0x99: {  	s4 =	simm.s32 $_scs_section_size  }
0x9a: {  	s5 =	simm.s32 $_size__tile_overlayer_lowered;
	s6 =	simm.s32 $_tile_overlayer_lowered  }
0x9b: {  	s22 =	simm.s32 $0x1BFF;
	s21 =	sshll.u32 s6, $0x1;
	s3 =	sadd.s32 s4, s19  }
0x9c: {  	s7 =	simm.s32 $0x0;
	s20 =	sshll.u32 s5, $0x1;
	s5 =	sadd.s32 s21, s3  }
0x9d: {  	[timem:s7], [sflag:s22] =	dma.local [hbm:s5], s20  }
0x9e: {  	_ =	swait.ge [sflag:s22], s20  }
0x9f: {  	s4 =	ssub.s32 $0x0, s20;
	[sflag:s22] =	ssyncset.done $0x0  }
0xa0: {  	[sflag:s22] =	ssyncadd.s32 s4;
	_ =	sdelay $0x1  }
0xa1: {  	s23 =	simm.s32 $0x1B8B  }
0xa2: {  	_ =	swait.ge [sflag:s23], $0x1  }
0xa3: {  	[sflag:s23] =	ssyncset.done $0x0  }
0xa4: {  	s25 =	simm.s32 $0x1B8E;
	s24 =	sld [smem:$0x3FFE];
	[sflag:s23] =	ssyncadd.s32 $0xFFFFFFFF  }
0xa5: {  	s26 =	simm.s32 $execute0_lowered;
	[smem:$0x3FD2] =	sst s25  }
0xa6: {  	s5 =	sshll.u32 s26, $0x1;
	_ =	strace $0x80000049;
	[dreg:$0x1] =	wrdreg $0xFFFFFFFF  }
0xa7: {  	s28 =	simm.s32 $_size_execute0_lowered;
	s3 =	sadd.s32 s3, s5;
	[dreg:$0x0] =	wrdreg $0x0  }
0xa8: {  	s5 =	sshll.u32 s28, $0x1;
	[dreg:$0x2] =	wrdreg s3  }
0xa9: {  	[dreg:$0x3] =	wrdreg s5  }
0xaa: {  	[dreg:$0x4] =	wrdreg $0xC0  }
0xab: {  	_ =	task [dreg:s7], $0x5FFFF  }
0xac: {  	[dreg:$0x1] =	wrdreg $0xFFFFFFFF  }
0xad: {  	[dreg:$0x0] =	wrdreg $0x60  }
0xae: {  	[dreg:$0x2] =	wrdreg s24  }
0xaf: {  	[dreg:$0x3] =	wrdreg s2  }
0xb0: {  	[dreg:$0x4] =	wrdreg $0xA8000  }
0xb1: {  	[dreg:$0x5] =	wrdreg $0x9  }
0xb2: {  	_ =	task.clear_ibuf [dreg:s7], $0x6FFFF;
	_ =	strace $0x90000049  }
0xb3: {  	s29 =	simm.s32 $0x9;
	_ =	strace $0x8000004B  }
0xb4: {  	_ =	swait.ge [sflag:s29], $0x1  }
0xb5: {  	[sflag:s29] =	ssyncadd.s32 $0xFFFFFFFF  }
0xb6: {  	_ =	strace $0x9000004B  }
0xb7: {  	_ =	sfence  }
0xb8: {  	s30 =	sld [smem:$0x0];
	_ =	sdelay $0x2  }
0xb9: {  	s31 =	sshll.u32 s1, $0xD;
	s1 =	sshrl.u32 s1, $0x2  }
0xba: {  	s3 =	sand.u32 $0x4000, s31;
	s1 =	sadd.s32 s1, s30  }
0xbb: {  	s0 =	sor.u32 s3, s0;
	s1 =	sshll.u32 s1, $0x11  }
0xbc: {  	s0 =	sor.u32 s1, s0  }
0xbd: {  	s0 =	sadd.s32 $0x8F2B, s0  }
0xbe: {  	[sflag:s0] =	ssyncadd.remote.s32 $0x1  }
0xbf: {  	_ =	sfence.sel $0xFFFF  }
0xc0: {  	[dreg:$0x0] =	wrdreg $0xFFFFFFFF;
	(pc) =	sbr.abs _section_cstart, $3  }
0xc1: {  	[dreg:$0x1] =	wrdreg $0xFFFFFFFF  }
0xc2: {  	_ =	task.clear_ibuf [dreg:s7], $0x2FFFF;
	_ =	strace $0x9FFFFFFF  }
0xc3: {  	(tm) =	ssettm $0x7FFFFFFF  }
tec
execute0_lowered:
.L_overlay_start_1:
0x0: {  	(tag) =	ssettag $0x1  }
0x1: {  	s5 =	rddreg [dreg:$0x0]  }
0x2: {  	s10 =	rddreg [dreg:$0x1]  }
0x3: {  	s2 =	rddreg [dreg:$0x2]  }
0x4: {  	s0 =	rddreg [dreg:$0x3];
	s4 =	srdreg.scid  }
0x5: {  	s1 =	stileid.u32;
	s3 =	simm.s32 $0x0;
	s15 =	simm.s32 $0x1400  }
0x6: {  	s16 =	simm.s32 $0x80;
	s17 =	simm.s32 $0x2800;
	s18 =	simm.s32 $0x6800  }
0x7: {  	s19 =	simm.s32 $0x1;
	s20 =	simm.s32 $0x2;
	s21 =	simm.s32 $0x0  }
0x8: {  	s6 =	sand.u32 $0x1, s4;
	s7 =	smul.u32 $0x14000, s1;
	[smem:$0x7FF] =	sst s3  }
0x9: {  	s4 =	sadd.s32 $0xD800, s5;
	s9 =	sadd.s32 $0x3800, s5;
	s11 =	smul.u32 $0x50000, s1  }
0xa: {  	s12 =	sshll.u32 s1, $0x1;
	s29 =	sshll.u32 s1, $0x6;
	s8 =	smul.u32 $0x140000, s6  }
0xb: {  	_ =	strace $0x8000004A;
	s13 =	ssub.s32 $0x2, s6;
	s6 =	sor.u32 s6, s12  }
0xc: {  	s25 =	sshrl.u32 s13, $0x1;
	s11 =	sshrl.u32 s11, $0x2;
	s6 =	smul.u32 $0x2800, s6  }
0xd: {  	s28 =	sshrl.u32 s7, $0x3;
	s8 =	sadd.s32 s7, s8;
	s12 =	ssub.s32 s13, s25  }
0xe: {  	s26 =	sadd.s32 s11, s2;
	s8 =	sshrl.u32 s8, $0x3;
	s30 =	sshrl.u32 s6, $0x3  }
0xf: {  	s6 =	sor.u32 $0x1C03, s29;
	s12 =	smax.u32 s12, $0x1;
	s13 =	sshrl.u32 s26, $0x3  }
0x10: {  	s14 =	sadd.s32 s8, s5;
	s5 =	sadd.s32 s4, s28;
	s31 =	sadd.s32 $0x280, s30  }
0x11: {  	s7 =	sadd.s32 s9, s30;
	s8 =	sadd.s32 s10, s30;
	s9 =	sadd.s32 s9, s31  }
0x12: {  	s10 =	sadd.s32 s10, s31;
	s11 =	sadd.s32 $0x35800, s14;
	s14 =	simm.s32 $0x3  }
.LBB2_1:
0x13: {  	[spmem:s13], [sflag:s6] =	dma.local [hbm:s5], $0x2800  }
0x14: {  	_ =	swait.ge [sflag:s14], $0x2800  }
0x15: {  	[sflag:s14] =	ssyncset.done $0x0  }
0x16: {  	[sflag:s14] =	ssyncadd.s32 $0xFFFFD800  }
0x17: {  	[bflag:$0x0] =	sbarrier.arrive $0xFFFF  }
0x18: {  	[tilespmem:s3], [sflag:$0x3] =	stream.linear.gather [hbm4b:s7+s3], $0x1400, $0x38;
	[tilespmem:$0x1E800] =	vst v63  }
0x19: {  	_ =	swait.ge [sflag:s14], $0x1400  }
0x1a: {  	[sflag:s14] =	ssyncset.done $0x0  }
0x1b: {  	[sflag:s14] =	ssyncadd.s32 $0xFFFFEC00  }
0x1c: {  	[tilespmem:s15], [sflag:$0x3] =	stream.linear.gather [hbm4b:s8+s3], $0x1400, $0x38;
	[tilespmem:$0x1E800] =	vst v63  }
0x1d: {  	_ =	swait.ge [sflag:s14], $0x1400  }
0x1e: {  	[sflag:s14] =	ssyncset.done $0x0  }
0x1f: {  	s22 =	simm.s32 $0x0;
	[sflag:s14] =	ssyncadd.s32 $0xFFFFEC00  }
0x20: {  	[tilespmem:s17], [sflag:$0x1] =	stream.indirect.gather [hbm4b:s4+s16], $0x80, s22, s16, $0xb8;
	[tilespmem:$0x1E800] =	vst v63  }
0x21: {  	s29 =	simm.s32 $0x80  }
0x22: {  	[tilespmem:s18], [sflag:$0x2] =	stream.indirect.gather [hbm4b:s4+s16], $0x80, s29, s16, $0xb8;
	[tilespmem:$0x1E800] =	vst v63  }
0x23: {  	_ =	swait.ge [sflag:s19], $0x4000  }
0x24: {  	[sflag:s19] =	ssyncset.done $0x0  }
0x25: {  	s30 =	simm.s32 $0x1400;
	[sflag:s19] =	ssyncadd.s32 $0xFFFFC000  }
0x26: {  	[spmem:s2] =	stream.indirect.scatter.add.f32 [tilespmem:s17], [sflag:$0x3], $0x80, s30, s16, $0xb8;
	[tilespmem:$0x1E800] =	vst v63  }
0x27: {  	_ =	swait.ge [sflag:s14], $0x4000  }
0x28: {  	[sflag:s14] =	ssyncset.done $0x0  }
0x29: {  	[sflag:s14] =	ssyncadd.s32 $0xFFFFC000  }
0x2a: {  	_ =	swait.ge [sflag:s20], $0x4000  }
0x2b: {  	[sflag:s20] =	ssyncset.done $0x0  }
0x2c: {  	s31 =	simm.s32 $0x1480;
	[sflag:s20] =	ssyncadd.s32 $0xFFFFC000  }
0x2d: {  	[spmem:s2] =	stream.indirect.scatter.add.f32 [tilespmem:s18], [sflag:$0x3], $0x80, s31, s16, $0xb8;
	[tilespmem:$0x1E800] =	vst v63  }
0x2e: {  	_ =	swait.ge [sflag:s14], $0x4000  }
0x2f: {  	s23 =	simm.s32 $0x800;
	s22 =	simm.s32 $0x400;
	[sflag:s14] =	ssyncset.done $0x0  }
.LBB2_2:
0x30: {  	s24 =	sshra.s32 s22, $0x2  }
0x31: {  	[sflag:s14] =	ssyncadd.s32 $0xFFFFC000;
	s22 =	smov.u32 s23;
	s25 =	sadd.s32 $0x400, s23  }
0x32: {  	[tilespmem:s17], [sflag:$0x1] =	stream.indirect.gather [hbm4b:s4+s16], $0x80, s24, s16, $0xb8;
	[tilespmem:$0x1E800] =	vst v63  }
0x33: {  	p0 =	sne.s32 s23, $0x4C00;
	s23 =	sadd.s32 $0x80, s24  }
0x34: {  	[tilespmem:s18], [sflag:$0x2] =	stream.indirect.gather [hbm4b:s4+s16], $0x80, s23, s16, $0xb8;
	[tilespmem:$0x1E800] =	vst v63  }
0x35: {  	_ =	swait.ge [sflag:s19], $0x4000  }
0x36: {  	[sflag:s19] =	ssyncset.done $0x0  }
0x37: {  	s23 =	sadd.s32 $0x1400, s24;
	[sflag:s19] =	ssyncadd.s32 $0xFFFFC000  }
0x38: {  	[spmem:s2] =	stream.indirect.scatter.add.f32 [tilespmem:s17], [sflag:$0x3], $0x80, s23, s16, $0xb8;
	[tilespmem:$0x1E800] =	vst v63  }
0x39: {  	_ =	swait.ge [sflag:s14], $0x4000  }
0x3a: {  	[sflag:s14] =	ssyncset.done $0x0  }
0x3b: {  	[sflag:s14] =	ssyncadd.s32 $0xFFFFC000  }
0x3c: {  	_ =	swait.ge [sflag:s20], $0x4000  }
.Ltmp0:
0x3d: {  	[sflag:s20] =	ssyncset.done $0x0;
	(pc) =	sbr.rel @p0 .LBB2_2-.Ltmp0, $4  }
0x3e: {  	s23 =	sadd.s32 $0x1480, s24;
	[sflag:s20] =	ssyncadd.s32 $0xFFFFC000  }
0x3f: {  	[spmem:s2] =	stream.indirect.scatter.add.f32 [tilespmem:s18], [sflag:$0x3], $0x80, s23, s16, $0xb8;
	[tilespmem:$0x1E800] =	vst v63  }
0x40: {  	_ =	swait.ge [sflag:s14], $0x4000  }
0x41: {  	s23 =	smov.u32 s25;
	[sflag:s14] =	ssyncset.done $0x0  }
0x42: {  	s22 =	sshra.s32 s22, $0x2;
	[sflag:s14] =	ssyncadd.s32 $0xFFFFC000  }
0x43: {  	[tilespmem:s17], [sflag:$0x1] =	stream.indirect.gather [hbm4b:s4+s16], $0x80, s22, s16, $0xb8;
	[tilespmem:$0x1E800] =	vst v63  }
0x44: {  	s23 =	sadd.s32 $0x80, s22  }
0x45: {  	[tilespmem:s18], [sflag:$0x2] =	stream.indirect.gather [hbm4b:s4+s16], $0x80, s23, s16, $0xb8;
	[tilespmem:$0x1E800] =	vst v63  }
0x46: {  	_ =	swait.ge [sflag:s19], $0x4000  }
0x47: {  	[sflag:s19] =	ssyncset.done $0x0  }
0x48: {  	s25 =	sadd.s32 $0x1400, s22;
	[sflag:s19] =	ssyncadd.s32 $0xFFFFC000  }
0x49: {  	[spmem:s2] =	stream.indirect.scatter.add.f32 [tilespmem:s17], [sflag:$0x3], $0x80, s25, s16, $0xb8;
	[tilespmem:$0x1E800] =	vst v63  }
0x4a: {  	_ =	swait.ge [sflag:s14], $0x4000  }
0x4b: {  	[sflag:s14] =	ssyncset.done $0x0  }
0x4c: {  	[sflag:s14] =	ssyncadd.s32 $0xFFFFC000  }
0x4d: {  	_ =	swait.ge [sflag:s20], $0x4000  }
0x4e: {  	[sflag:s20] =	ssyncset.done $0x0  }
0x4f: {  	s22 =	sadd.s32 $0x1480, s22;
	[sflag:s20] =	ssyncadd.s32 $0xFFFFC000  }
0x50: {  	[spmem:s2] =	stream.indirect.scatter.add.f32 [tilespmem:s18], [sflag:$0x3], $0x80, s22, s16, $0xb8;
	[tilespmem:$0x1E800] =	vst v63  }
0x51: {  	_ =	swait.ge [sflag:s14], $0x4000  }
0x52: {  	[sflag:s14] =	ssyncset.done $0x0  }
0x53: {  	s26 =	simm.s32 $0x0;
	[sflag:s14] =	ssyncadd.s32 $0xFFFFC000  }
0x54: {  	[tilespmem:s26], [sflag:$0x3] =	stream.linear.gather [hbm4b:s9+s26], $0x1400, $0x38;
	[tilespmem:$0x1E800] =	vst v63  }
0x55: {  	_ =	swait.ge [sflag:s14], $0x1400  }
0x56: {  	[sflag:s14] =	ssyncset.done $0x0  }
0x57: {  	[sflag:s14] =	ssyncadd.s32 $0xFFFFEC00  }
0x58: {  	[tilespmem:s15], [sflag:$0x3] =	stream.linear.gather [hbm4b:s10+s26], $0x1400, $0x38;
	[tilespmem:$0x1E800] =	vst v63  }
0x59: {  	_ =	swait.ge [sflag:s14], $0x1400  }
0x5a: {  	[sflag:s14] =	ssyncset.done $0x0  }
0x5b: {  	s28 =	simm.s32 $0x0;
	[sflag:s14] =	ssyncadd.s32 $0xFFFFEC00  }
0x5c: {  	[tilespmem:s17], [sflag:$0x1] =	stream.indirect.gather [hbm4b:s4+s16], $0x80, s28, s16, $0xb8;
	[tilespmem:$0x1E800] =	vst v63  }
0x5d: {  	s29 =	simm.s32 $0x80  }
0x5e: {  	[tilespmem:s18], [sflag:$0x2] =	stream.indirect.gather [hbm4b:s4+s16], $0x80, s29, s16, $0xb8;
	[tilespmem:$0x1E800] =	vst v63  }
0x5f: {  	_ =	swait.ge [sflag:s19], $0x4000  }
0x60: {  	[sflag:s19] =	ssyncset.done $0x0  }
0x61: {  	s30 =	simm.s32 $0x1400;
	[sflag:s19] =	ssyncadd.s32 $0xFFFFC000  }
0x62: {  	[spmem:s2] =	stream.indirect.scatter.add.f32 [tilespmem:s17], [sflag:$0x3], $0x80, s30, s16, $0xb8;
	[tilespmem:$0x1E800] =	vst v63  }
0x63: {  	_ =	swait.ge [sflag:s14], $0x4000  }
0x64: {  	[sflag:s14] =	ssyncset.done $0x0  }
0x65: {  	[sflag:s14] =	ssyncadd.s32 $0xFFFFC000  }
0x66: {  	_ =	swait.ge [sflag:s20], $0x4000  }
0x67: {  	[sflag:s20] =	ssyncset.done $0x0  }
0x68: {  	s31 =	simm.s32 $0x1480;
	[sflag:s20] =	ssyncadd.s32 $0xFFFFC000  }
0x69: {  	[spmem:s2] =	stream.indirect.scatter.add.f32 [tilespmem:s18], [sflag:$0x3], $0x80, s31, s16, $0xb8;
	[tilespmem:$0x1E800] =	vst v63  }
0x6a: {  	_ =	swait.ge [sflag:s14], $0x4000  }
0x6b: {  	s23 =	simm.s32 $0x800;
	s22 =	simm.s32 $0x400;
	[sflag:s14] =	ssyncset.done $0x0  }
.LBB2_4:
0x6c: {  	s24 =	sshra.s32 s22, $0x2  }
0x6d: {  	[sflag:s14] =	ssyncadd.s32 $0xFFFFC000;
	s22 =	smov.u32 s23;
	s25 =	sadd.s32 $0x400, s23  }
0x6e: {  	[tilespmem:s17], [sflag:$0x1] =	stream.indirect.gather [hbm4b:s4+s16], $0x80, s24, s16, $0xb8;
	[tilespmem:$0x1E800] =	vst v63  }
0x6f: {  	p0 =	sne.s32 s23, $0x4C00;
	s23 =	sadd.s32 $0x80, s24  }
0x70: {  	[tilespmem:s18], [sflag:$0x2] =	stream.indirect.gather [hbm4b:s4+s16], $0x80, s23, s16, $0xb8;
	[tilespmem:$0x1E800] =	vst v63  }
0x71: {  	_ =	swait.ge [sflag:s19], $0x4000  }
0x72: {  	[sflag:s19] =	ssyncset.done $0x0  }
0x73: {  	s23 =	sadd.s32 $0x1400, s24;
	[sflag:s19] =	ssyncadd.s32 $0xFFFFC000  }
0x74: {  	[spmem:s2] =	stream.indirect.scatter.add.f32 [tilespmem:s17], [sflag:$0x3], $0x80, s23, s16, $0xb8;
	[tilespmem:$0x1E800] =	vst v63  }
0x75: {  	_ =	swait.ge [sflag:s14], $0x4000  }
0x76: {  	[sflag:s14] =	ssyncset.done $0x0  }
0x77: {  	[sflag:s14] =	ssyncadd.s32 $0xFFFFC000  }
0x78: {  	_ =	swait.ge [sflag:s20], $0x4000  }
.Ltmp1:
0x79: {  	[sflag:s20] =	ssyncset.done $0x0;
	(pc) =	sbr.rel @p0 .LBB2_4-.Ltmp1, $4  }
0x7a: {  	s23 =	sadd.s32 $0x1480, s24;
	[sflag:s20] =	ssyncadd.s32 $0xFFFFC000  }
0x7b: {  	[spmem:s2] =	stream.indirect.scatter.add.f32 [tilespmem:s18], [sflag:$0x3], $0x80, s23, s16, $0xb8;
	[tilespmem:$0x1E800] =	vst v63  }
0x7c: {  	_ =	swait.ge [sflag:s14], $0x4000  }
0x7d: {  	s23 =	smov.u32 s25;
	[sflag:s14] =	ssyncset.done $0x0  }
0x7e: {  	s22 =	sshra.s32 s22, $0x2;
	[sflag:s14] =	ssyncadd.s32 $0xFFFFC000  }
0x7f: {  	[tilespmem:s17], [sflag:$0x1] =	stream.indirect.gather [hbm4b:s4+s16], $0x80, s22, s16, $0xb8;
	[tilespmem:$0x1E800] =	vst v63  }
0x80: {  	s23 =	sadd.s32 $0x80, s22  }
0x81: {  	[tilespmem:s18], [sflag:$0x2] =	stream.indirect.gather [hbm4b:s4+s16], $0x80, s23, s16, $0xb8;
	[tilespmem:$0x1E800] =	vst v63  }
0x82: {  	_ =	swait.ge [sflag:s19], $0x4000  }
0x83: {  	[sflag:s19] =	ssyncset.done $0x0  }
0x84: {  	s31 =	sadd.s32 $0x1400, s22;
	[sflag:s19] =	ssyncadd.s32 $0xFFFFC000  }
0x85: {  	[spmem:s2] =	stream.indirect.scatter.add.f32 [tilespmem:s17], [sflag:$0x3], $0x80, s31, s16, $0xb8;
	[tilespmem:$0x1E800] =	vst v63  }
0x86: {  	_ =	swait.ge [sflag:s14], $0x4000  }
0x87: {  	[sflag:s14] =	ssyncset.done $0x0  }
0x88: {  	[sflag:s14] =	ssyncadd.s32 $0xFFFFC000  }
0x89: {  	_ =	swait.ge [sflag:s20], $0x4000  }
0x8a: {  	[sflag:s20] =	ssyncset.done $0x0  }
0x8b: {  	s22 =	sadd.s32 $0x1480, s22;
	[sflag:s20] =	ssyncadd.s32 $0xFFFFC000  }
0x8c: {  	[spmem:s2] =	stream.indirect.scatter.add.f32 [tilespmem:s18], [sflag:$0x3], $0x80, s22, s16, $0xb8;
	[tilespmem:$0x1E800] =	vst v63  }
0x8d: {  	_ =	swait.ge [sflag:s14], $0x4000  }
0x8e: {  	s21 =	sadd.s32 $0x1, s21;
	[sflag:s14] =	ssyncset.done $0x0  }
0x8f: {  	p0 =	sne.s32 s21, s12;
	[sflag:s14] =	ssyncadd.s32 $0xFFFFC000  }
.Ltmp2:
0x90: {  	[bflag:$0x0] =	sbarrier.arrive $0xFFFF;
	(pc) =	sbr.rel @p0 .LBB2_1-.Ltmp2, $4  }
0x91: {  	[hbm:s11], [sflag:s6] =	dma.local [spmem:s13], $0x2800  }
0x92: {  	_ =	swait.ge [sflag:s14], $0x2800  }
0x93: {  	[sflag:s14] =	ssyncset.done $0x0  }
0x94: {  	[sflag:s14] =	ssyncadd.s32 $0xFFFFD800  }
0x95: {  	_ =	sfence.sel $0x180000  }
0x96: {  	[bflag:$0x0] =	sbarrier.arrive $0xFFFF  }
0x97: {  	p0 =	sne.s32 s1, $0x0;
	_ =	strace $0x9000004A  }
0x98: {  	s0 =	sadd.s32 @!p0 $0x100000, s0;
	[bflag:$0x2] =	sbarrier.arrive $0xFFFF  }
0x99: {  	[sflag:s0] =	ssyncadd.tile.s32 @!p0 $0x1;
	_ =	shalt  }
.Lfunc_end2:
_tile_overlayer_lowered:
.L_overlay_start_2:
0x9a: {  	(tag) =	ssettag $0x2  }
0x9b: {  	s0 =	rddreg [dreg:$0x0];
	s2 =	stileid.u32  }
0x9c: {  	s1 =	rddreg [dreg:$0x1];
	p0 =	sne.s32 s2, $0x0  }
0x9d: {  	s3 =	rddreg [dreg:$0x2];
	[bflag:$0x3] =	sbarrier.arrive $0xFFFF;
	s2 =	simm.s32 @!p0 $0x1C03  }
0x9e: {  	[timem:s3], [sflag:s2] =	dma.local @!p0 [hbm:s0], s1  }
0x9f: {  	s0 =	simm.s32 @!p0 $0x3  }
0xa0: {  	_ =	swait.ge @!p0 [sflag:s0], s1  }
0xa1: {  	s1 =	ssub.s32 @!p0 $0x0, s1;
	[sflag:s0] =	ssyncset.done @!p0 $0x0  }
0xa2: {  	[sflag:s0] =	ssyncadd.s32 @!p0 s1  }
0xa3: {  	[bflag:$0x3] =	sbarrier.arrive $0xFFFF  }
0xa4: {  	_ =	shalt  }

// kernel: kernel.17.cloned.1.call-start
scs
__scs_entry_jumppad:
0x0: {  	(pc) =	sbr.rel $0x88, $3  }
0x1: {  	(tag) =	ssettag $0x0;
	lr =	simm.s32 $0x1  }
0x2: {  	[smem:$0x3F95] =	sst lr;
	_ =	strace $0xD0000000  }
0x3: {  	_ = 	snop  }
0x4: {  	_ = 	snop  }
0x5: {  	_ = 	snop  }
0x6: {  	_ = 	snop  }
0x7: {  	_ = 	snop  }
__scs_overlays_trampoline_lowered:
0x8: {  	[smem:$0x3FA4] =	sst s0  }
0x9: {  	[smem:$0x3FA5] =	sst s1  }
0xa: {  	[smem:$0x3FA6] =	sst s2  }
0xb: {  	[smem:$0x3FA7] =	sst s3  }
0xc: {  	[smem:$0x3FA8] =	sst s4  }
0xd: {  	[smem:$0x3FA9] =	sst s5  }
0xe: {  	[smem:$0x3FAA] =	sst s6  }
0xf: {  	[smem:$0x3FAB] =	sst s7  }
0x10: {  	[smem:$0x3FAC] =	sst s8  }
0x11: {  	[smem:$0x3FAD] =	sst s9;
	s0 =	simm.s32 @!p0 $0x0  }
0x12: {  	s1 =	sld [smem:$0x3F93];
	s0 =	simm.s32 @p0 $0x1  }
0x13: {  	[smem:$0x3FAE] =	sst s0;
	s0 =	simm.s32 @!p1 $0x0  }
0x14: {  	s2 =	sld [smem:$0x3F92];
	s0 =	simm.s32 @p1 $0x1  }
0x15: {  	[smem:$0x3FAF] =	sst s0;
	s0 =	simm.s32 @!p2 $0x0  }
0x16: {  	s3 =	sld [smem:$0x3FDB];
	s0 =	simm.s32 @p2 $0x1  }
0x17: {  	s4 =	simm.s32 $0x1BF5;
	[smem:$0x3FB1] =	sst s0  }
0x18: {  	s0 =	sld [smem:$0x3F94];
	_ =	swait.ge [sflag:s4], $0x0  }
0x19: {  	s7 =	sld [smem:$0x3F95]  }
0x1a: {  	s8 =	sadd.s32 $0xFFFFE003, lr  }
0x1b: {  	s9 =	sadd.s32 $0xFFFFFEF7, lr;
	s5 =	simm.s32 $0xFFFFFFFF;
	p2 =	slt.u32 s8, $0xFFFFF086  }
0x1c: {  	p1 =	slt.u32 s9, $0xF7A;
	s5 =	simm.s32 @!p2 $0x0  }
0x1d: {  	s5 =	simm.s32 @p1 $0x1;
	p0 =	seq.s32 s7, s2  }
0x1e: {  	s7 =	smul.u32 @!p0 $0xF7A, s2;
	p2 =	seq.s32 @!p0 s5, $0x0  }
0x1f: {  	s9 =	smul.u32 $0xF7A, s1;
	s8 =	simm.s32 @!p0 $0x1BF5;
	p2 =	por !p2, p0  }
0x20: {  	[sflag:s8] =	ssyncset.s32 @!p0 $0xFFFFF086;
	s6 =	sadd.s32 @!p0 s3, s7;
	s7 =	simm.s32 @!p0 $0x108  }
0x21: {  	s3 =	sadd.s32 s3, s9;
	s6 =	sadd.s32 @!p0 $0x88, s6;
	s7 =	simm.s32 @p2 $0x1082  }
0x22: {  	[simem:s7], [sflag:s8] =	dma.local @!p0 [hbm:s6], $0xF7A  }
0x23: {  	s9 =	sor.u32 $0xD0000000, s2;
	s6 =	simm.s32 $0x108;
	_ =	swait.ge @!p0 [sflag:s8], $0x0  }
0x24: {  	s3 =	sadd.s32 $0x88, s3;
	s6 =	simm.s32 @!p1 $0x1082;
	[sflag:s4] =	ssyncset.s32 $0xFFFFF086  }
0x25: {  	[simem:s6], [sflag:s4] =	dma.local [hbm:s3], $0xF7A  }
0x26: {  	[smem:$0x3F95] =	sst s1;
	(tag) =	ssettag s2;
	_ =	strace s9  }
0x27: {  	s1 =	sld [smem:$0x3FA5]  }
0x28: {  	s2 =	sld [smem:$0x3FA6]  }
0x29: {  	s4 =	sld [smem:$0x3FA8]  }
0x2a: {  	p0 =	seq.s32 s5, $0x0;
	s5 =	sld [smem:$0x3FA9]  }
0x2b: {  	s6 =	sld [smem:$0x3FAA]  }
0x2c: {  	s7 =	sld [smem:$0x3FAB]  }
0x2d: {  	s3 =	simm.s32 $0x108;
	s8 =	sld [smem:$0x3FAC]  }
0x2e: {  	s3 =	simm.s32 @!p0 $0x1082;
	s9 =	sld [smem:$0x3FAD]  }
0x2f: {  	lr =	sadd.s32 s0, s3;
	s0 =	sld [smem:$0x3FA4]  }
0x30: {  	s3 =	sld [smem:$0x3FA7]  }
0x31: {  	[smem:$0x3FB0] =	sst s10  }
0x32: {  	s10 =	sld [smem:$0x3FAE];
	_ =	sdelay $0x3  }
0x33: {  	p0 =	seq.s32 s10, $0x1;
	s10 =	sld [smem:$0x3FB0];
	_ =	sdelay $0x3  }
0x34: {  	[smem:$0x3FB0] =	sst s10  }
0x35: {  	s10 =	sld [smem:$0x3FAF];
	_ =	sdelay $0x3  }
0x36: {  	p1 =	seq.s32 s10, $0x1;
	s10 =	sld [smem:$0x3FB0];
	_ =	sdelay $0x3  }
0x37: {  	[smem:$0x3FB0] =	sst s10  }
0x38: {  	s10 =	sld [smem:$0x3FB1]  }
0x39: {  	_ = 	snop;
	(pc) =	sbr.ind lr, $3  }
0x3a: {  	_ = 	snop  }
0x3b: {  	_ = 	snop  }
0x3c: {  	p2 =	seq.s32 s10, $0x1;
	s10 =	sld [smem:$0x3FB0]  }
0x3d: {  	_ =	shalt  }
0x3e: {  	_ =	shalt  }
0x3f: {  	_ =	shalt  }
0x40: {  	_ =	shalt  }
0x41: {  	_ =	shalt  }
0x42: {  	_ =	shalt  }
0x43: {  	_ =	shalt  }
0x44: {  	_ =	shalt  }
0x45: {  	_ =	shalt  }
0x46: {  	_ =	shalt  }
0x47: {  	_ =	shalt  }
0x48: {  	_ =	shalt  }
0x49: {  	_ =	shalt  }
0x4a: {  	_ =	shalt  }
0x4b: {  	_ =	shalt  }
0x4c: {  	_ =	shalt  }
0x4d: {  	_ =	shalt  }
0x4e: {  	_ =	shalt  }
0x4f: {  	_ =	shalt  }
0x50: {  	_ =	shalt  }
0x51: {  	_ =	shalt  }
0x52: {  	_ =	shalt  }
0x53: {  	_ =	shalt  }
0x54: {  	_ =	shalt  }
0x55: {  	_ =	shalt  }
0x56: {  	_ =	shalt  }
0x57: {  	_ =	shalt  }
0x58: {  	_ =	shalt  }
0x59: {  	_ =	shalt  }
0x5a: {  	_ =	shalt  }
0x5b: {  	_ =	shalt  }
0x5c: {  	_ =	shalt  }
0x5d: {  	_ =	shalt  }
0x5e: {  	_ =	shalt  }
0x5f: {  	_ =	shalt  }
0x60: {  	_ =	shalt  }
0x61: {  	_ =	shalt  }
0x62: {  	_ =	shalt  }
0x63: {  	_ =	shalt  }
0x64: {  	_ =	shalt  }
0x65: {  	_ =	shalt  }
0x66: {  	_ =	shalt  }
0x67: {  	_ =	shalt  }
0x68: {  	_ =	shalt  }
0x69: {  	_ =	shalt  }
0x6a: {  	_ =	shalt  }
0x6b: {  	_ =	shalt  }
0x6c: {  	_ =	shalt  }
0x6d: {  	_ =	shalt  }
0x6e: {  	_ =	shalt  }
0x6f: {  	_ =	shalt  }
0x70: {  	_ =	shalt  }
0x71: {  	_ =	shalt  }
0x72: {  	_ =	shalt  }
0x73: {  	_ =	shalt  }
0x74: {  	_ =	shalt  }
0x75: {  	_ =	shalt  }
0x76: {  	_ =	shalt  }
0x77: {  	_ =	shalt  }
0x78: {  	_ =	shalt  }
0x79: {  	_ =	shalt  }
0x7a: {  	_ =	shalt  }
0x7b: {  	_ =	shalt  }
0x7c: {  	_ =	shalt  }
0x7d: {  	_ =	shalt  }
0x7e: {  	_ =	shalt  }
0x7f: {  	_ =	shalt  }
0x80: {  	_ =	shalt  }
0x81: {  	_ =	shalt  }
0x82: {  	_ =	shalt  }
0x83: {  	_ =	shalt  }
0x84: {  	_ =	shalt  }
0x85: {  	_ =	shalt  }
0x86: {  	_ =	shalt  }
0x87: {  	_ =	shalt  }
.Lfunc_end0:
.L_simem_size_0:
called_computation.2_lowered:
.L_overlay_start_0:
0x88: {  	s2 =	sld [smem:$0x3FD9]  }
0x89: {  	s3 =	sld [smem:$0x3FFE];
	_ =	sdelay $0x1  }
0x8a: {  	s1 =	srdreg.scid  }
0x8b: {  	s0 =	sand.u32 $0x1, s1  }
0x8c: {  	s17 =	sshll.u32 s0, $0xA;
	s2 =	sadd.s32 s3, s2  }
0x8d: {  	s2 =	sadd.s32 s2, s17  }
0x8e: {  	[smem:$0x3FBC] =	sst s2  }
0x8f: {  	_ = 	snop  }
0x90: {  	s2 =	sld [smem:$0x3FD0];
	(tm) =	ssettm $0x1  }
0x91: {  	s18 =	sld [smem:$0x3FFB];
	_ =	sdelay $0x3  }
0x92: {  	_ =	strace s18  }
0x93: {  	s3 =	sld [smem:$0x3FFC];
	_ =	sdelay $0x3  }
0x94: {  	_ =	strace s3  }
0x95: {  	s3 =	sld [smem:$0x3FFD];
	_ =	sdelay $0x3  }
0x96: {  	_ =	strace s3  }
0x97: {  	_ =	strace $0x8FFFFFFF  }
0x98: {  	s19 =	sld [smem:$0x3FDB];
	_ =	sdelay $0x1  }
0x99: {  	s4 =	simm.s32 $_scs_section_size  }
0x9a: {  	s5 =	simm.s32 $_size__tile_overlayer_lowered;
	s6 =	simm.s32 $_tile_overlayer_lowered  }
0x9b: {  	s22 =	simm.s32 $0x1BFF;
	s21 =	sshll.u32 s6, $0x1;
	s3 =	sadd.s32 s4, s19  }
0x9c: {  	s7 =	simm.s32 $0x0;
	s20 =	sshll.u32 s5, $0x1;
	s5 =	sadd.s32 s21, s3  }
0x9d: {  	[timem:s7], [sflag:s22] =	dma.local [hbm:s5], s20  }
0x9e: {  	_ =	swait.ge [sflag:s22], s20  }
0x9f: {  	s4 =	ssub.s32 $0x0, s20;
	[sflag:s22] =	ssyncset.done $0x0  }
0xa0: {  	[sflag:s22] =	ssyncadd.s32 s4;
	_ =	sdelay $0x1  }
0xa1: {  	s23 =	simm.s32 $0x1B8B  }
0xa2: {  	_ =	swait.ge [sflag:s23], $0x1  }
0xa3: {  	[sflag:s23] =	ssyncset.done $0x0  }
0xa4: {  	s25 =	simm.s32 $0x1B8E;
	s24 =	sld [smem:$0x3FFE];
	[sflag:s23] =	ssyncadd.s32 $0xFFFFFFFF  }
0xa5: {  	s26 =	simm.s32 $execute0_lowered;
	[smem:$0x3FD2] =	sst s25  }
0xa6: {  	s5 =	sshll.u32 s26, $0x1;
	_ =	strace $0x8000004C;
	[dreg:$0x1] =	wrdreg $0xFFFFFFFF  }
0xa7: {  	s28 =	simm.s32 $_size_execute0_lowered;
	s3 =	sadd.s32 s3, s5;
	[dreg:$0x0] =	wrdreg $0x0  }
0xa8: {  	s5 =	sshll.u32 s28, $0x1;
	[dreg:$0x2] =	wrdreg s3  }
0xa9: {  	[dreg:$0x3] =	wrdreg s5  }
0xaa: {  	[dreg:$0x4] =	wrdreg $0xC0  }
0xab: {  	_ =	task [dreg:s7], $0x5FFFF  }
0xac: {  	[dreg:$0x1] =	wrdreg $0xFFFFFFFF  }
0xad: {  	[dreg:$0x0] =	wrdreg $0x60  }
0xae: {  	[dreg:$0x2] =	wrdreg s24  }
0xaf: {  	[dreg:$0x3] =	wrdreg s2  }
0xb0: {  	[dreg:$0x4] =	wrdreg $0xA8000  }
0xb1: {  	[dreg:$0x5] =	wrdreg $0x9  }
0xb2: {  	_ =	task.clear_ibuf [dreg:s7], $0x6FFFF;
	_ =	strace $0x9000004C  }
0xb3: {  	s29 =	simm.s32 $0x9;
	_ =	strace $0x8000004E  }
0xb4: {  	_ =	swait.ge [sflag:s29], $0x1  }
0xb5: {  	[sflag:s29] =	ssyncadd.s32 $0xFFFFFFFF  }
0xb6: {  	_ =	strace $0x9000004E  }
0xb7: {  	_ =	sfence  }
0xb8: {  	s30 =	sld [smem:$0x0];
	_ =	sdelay $0x2  }
0xb9: {  	s31 =	sshll.u32 s1, $0xD;
	s1 =	sshrl.u32 s1, $0x2  }
0xba: {  	s3 =	sand.u32 $0x4000, s31;
	s1 =	sadd.s32 s1, s30  }
0xbb: {  	s0 =	sor.u32 s3, s0;
	s1 =	sshll.u32 s1, $0x11  }
0xbc: {  	s0 =	sor.u32 s1, s0  }
0xbd: {  	s0 =	sadd.s32 $0x8F2B, s0  }
0xbe: {  	[sflag:s0] =	ssyncadd.remote.s32 $0x1  }
0xbf: {  	_ =	sfence.sel $0xFFFF  }
0xc0: {  	[dreg:$0x0] =	wrdreg $0xFFFFFFFF;
	(pc) =	sbr.abs _section_cstart, $3  }
0xc1: {  	[dreg:$0x1] =	wrdreg $0xFFFFFFFF  }
0xc2: {  	_ =	task.clear_ibuf [dreg:s7], $0x2FFFF;
	_ =	strace $0x9FFFFFFF  }
0xc3: {  	(tm) =	ssettm $0x7FFFFFFF  }
tec
execute0_lowered:
.L_overlay_start_1:
0x0: {  	(tag) =	ssettag $0x1  }
0x1: {  	s5 =	rddreg [dreg:$0x0]  }
0x2: {  	s10 =	rddreg [dreg:$0x1]  }
0x3: {  	s2 =	rddreg [dreg:$0x2]  }
0x4: {  	s0 =	rddreg [dreg:$0x3];
	s4 =	srdreg.scid  }
0x5: {  	s1 =	stileid.u32;
	s3 =	simm.s32 $0x0;
	s15 =	simm.s32 $0x1400  }
0x6: {  	s16 =	simm.s32 $0x80;
	s17 =	simm.s32 $0x2800;
	s18 =	simm.s32 $0x6800  }
0x7: {  	s19 =	simm.s32 $0x1;
	s20 =	simm.s32 $0x2;
	s21 =	simm.s32 $0x0  }
0x8: {  	s6 =	sand.u32 $0x1, s4;
	s7 =	smul.u32 $0x14000, s1;
	[smem:$0x7FF] =	sst s3  }
0x9: {  	s4 =	sadd.s32 $0xD800, s5;
	s9 =	sadd.s32 $0x3800, s5;
	s11 =	smul.u32 $0x50000, s1  }
0xa: {  	s12 =	sshll.u32 s1, $0x1;
	s29 =	sshll.u32 s1, $0x6;
	s8 =	smul.u32 $0x140000, s6  }
0xb: {  	_ =	strace $0x8000004D;
	s13 =	ssub.s32 $0x2, s6;
	s6 =	sor.u32 s6, s12  }
0xc: {  	s25 =	sshrl.u32 s13, $0x1;
	s11 =	sshrl.u32 s11, $0x2;
	s6 =	smul.u32 $0x2800, s6  }
0xd: {  	s28 =	sshrl.u32 s7, $0x3;
	s8 =	sadd.s32 s7, s8;
	s12 =	ssub.s32 s13, s25  }
0xe: {  	s26 =	sadd.s32 s11, s2;
	s8 =	sshrl.u32 s8, $0x3;
	s30 =	sshrl.u32 s6, $0x3  }
0xf: {  	s6 =	sor.u32 $0x1C03, s29;
	s12 =	smax.u32 s12, $0x1;
	s13 =	sshrl.u32 s26, $0x3  }
0x10: {  	s14 =	sadd.s32 s8, s5;
	s5 =	sadd.s32 s4, s28;
	s31 =	sadd.s32 $0x280, s30  }
0x11: {  	s7 =	sadd.s32 s9, s30;
	s8 =	sadd.s32 s10, s30;
	s9 =	sadd.s32 s9, s31  }
0x12: {  	s10 =	sadd.s32 s10, s31;
	s11 =	sadd.s32 $0x35800, s14;
	s14 =	simm.s32 $0x3  }
.LBB2_1:
0x13: {  	[spmem:s13], [sflag:s6] =	dma.local [hbm:s5], $0x2800  }
0x14: {  	_ =	swait.ge [sflag:s14], $0x2800  }
0x15: {  	[sflag:s14] =	ssyncset.done $0x0  }
0x16: {  	[sflag:s14] =	ssyncadd.s32 $0xFFFFD800  }
0x17: {  	[bflag:$0x0] =	sbarrier.arrive $0xFFFF  }
0x18: {  	[tilespmem:s3], [sflag:$0x3] =	stream.linear.gather [hbm4b:s7+s3], $0x1400, $0x38;
	[tilespmem:$0x1E800] =	vst v63  }
0x19: {  	_ =	swait.ge [sflag:s14], $0x1400  }
0x1a: {  	[sflag:s14] =	ssyncset.done $0x0  }
0x1b: {  	[sflag:s14] =	ssyncadd.s32 $0xFFFFEC00  }
0x1c: {  	[tilespmem:s15], [sflag:$0x3] =	stream.linear.gather [hbm4b:s8+s3], $0x1400, $0x38;
	[tilespmem:$0x1E800] =	vst v63  }
0x1d: {  	_ =	swait.ge [sflag:s14], $0x1400  }
0x1e: {  	[sflag:s14] =	ssyncset.done $0x0  }
0x1f: {  	s22 =	simm.s32 $0x0;
	[sflag:s14] =	ssyncadd.s32 $0xFFFFEC00  }
0x20: {  	[tilespmem:s17], [sflag:$0x1] =	stream.indirect.gather [hbm4b:s4+s16], $0x80, s22, s16, $0xb8;
	[tilespmem:$0x1E800] =	vst v63  }
0x21: {  	s29 =	simm.s32 $0x80  }
0x22: {  	[tilespmem:s18], [sflag:$0x2] =	stream.indirect.gather [hbm4b:s4+s16], $0x80, s29, s16, $0xb8;
	[tilespmem:$0x1E800] =	vst v63  }
0x23: {  	_ =	swait.ge [sflag:s19], $0x4000  }
0x24: {  	[sflag:s19] =	ssyncset.done $0x0  }
0x25: {  	s30 =	simm.s32 $0x1400;
	[sflag:s19] =	ssyncadd.s32 $0xFFFFC000  }
0x26: {  	[spmem:s2] =	stream.indirect.scatter.add.f32 [tilespmem:s17], [sflag:$0x3], $0x80, s30, s16, $0xb8;
	[tilespmem:$0x1E800] =	vst v63  }
0x27: {  	_ =	swait.ge [sflag:s14], $0x4000  }
0x28: {  	[sflag:s14] =	ssyncset.done $0x0  }
0x29: {  	[sflag:s14] =	ssyncadd.s32 $0xFFFFC000  }
0x2a: {  	_ =	swait.ge [sflag:s20], $0x4000  }
0x2b: {  	[sflag:s20] =	ssyncset.done $0x0  }
0x2c: {  	s31 =	simm.s32 $0x1480;
	[sflag:s20] =	ssyncadd.s32 $0xFFFFC000  }
0x2d: {  	[spmem:s2] =	stream.indirect.scatter.add.f32 [tilespmem:s18], [sflag:$0x3], $0x80, s31, s16, $0xb8;
	[tilespmem:$0x1E800] =	vst v63  }
0x2e: {  	_ =	swait.ge [sflag:s14], $0x4000  }
0x2f: {  	s23 =	simm.s32 $0x800;
	s22 =	simm.s32 $0x400;
	[sflag:s14] =	ssyncset.done $0x0  }
.LBB2_2:
0x30: {  	s24 =	sshra.s32 s22, $0x2  }
0x31: {  	[sflag:s14] =	ssyncadd.s32 $0xFFFFC000;
	s22 =	smov.u32 s23;
	s25 =	sadd.s32 $0x400, s23  }
0x32: {  	[tilespmem:s17], [sflag:$0x1] =	stream.indirect.gather [hbm4b:s4+s16], $0x80, s24, s16, $0xb8;
	[tilespmem:$0x1E800] =	vst v63  }
0x33: {  	p0 =	sne.s32 s23, $0x4C00;
	s23 =	sadd.s32 $0x80, s24  }
0x34: {  	[tilespmem:s18], [sflag:$0x2] =	stream.indirect.gather [hbm4b:s4+s16], $0x80, s23, s16, $0xb8;
	[tilespmem:$0x1E800] =	vst v63  }
0x35: {  	_ =	swait.ge [sflag:s19], $0x4000  }
0x36: {  	[sflag:s19] =	ssyncset.done $0x0  }
0x37: {  	s23 =	sadd.s32 $0x1400, s24;
	[sflag:s19] =	ssyncadd.s32 $0xFFFFC000  }
0x38: {  	[spmem:s2] =	stream.indirect.scatter.add.f32 [tilespmem:s17], [sflag:$0x3], $0x80, s23, s16, $0xb8;
	[tilespmem:$0x1E800] =	vst v63  }
0x39: {  	_ =	swait.ge [sflag:s14], $0x4000  }
0x3a: {  	[sflag:s14] =	ssyncset.done $0x0  }
0x3b: {  	[sflag:s14] =	ssyncadd.s32 $0xFFFFC000  }
0x3c: {  	_ =	swait.ge [sflag:s20], $0x4000  }
.Ltmp0:
0x3d: {  	[sflag:s20] =	ssyncset.done $0x0;
	(pc) =	sbr.rel @p0 .LBB2_2-.Ltmp0, $4  }
0x3e: {  	s23 =	sadd.s32 $0x1480, s24;
	[sflag:s20] =	ssyncadd.s32 $0xFFFFC000  }
0x3f: {  	[spmem:s2] =	stream.indirect.scatter.add.f32 [tilespmem:s18], [sflag:$0x3], $0x80, s23, s16, $0xb8;
	[tilespmem:$0x1E800] =	vst v63  }
0x40: {  	_ =	swait.ge [sflag:s14], $0x4000  }
0x41: {  	s23 =	smov.u32 s25;
	[sflag:s14] =	ssyncset.done $0x0  }
0x42: {  	s22 =	sshra.s32 s22, $0x2;
	[sflag:s14] =	ssyncadd.s32 $0xFFFFC000  }
0x43: {  	[tilespmem:s17], [sflag:$0x1] =	stream.indirect.gather [hbm4b:s4+s16], $0x80, s22, s16, $0xb8;
	[tilespmem:$0x1E800] =	vst v63  }
0x44: {  	s23 =	sadd.s32 $0x80, s22  }
0x45: {  	[tilespmem:s18], [sflag:$0x2] =	stream.indirect.gather [hbm4b:s4+s16], $0x80, s23, s16, $0xb8;
	[tilespmem:$0x1E800] =	vst v63  }
0x46: {  	_ =	swait.ge [sflag:s19], $0x4000  }
0x47: {  	[sflag:s19] =	ssyncset.done $0x0  }
0x48: {  	s25 =	sadd.s32 $0x1400, s22;
	[sflag:s19] =	ssyncadd.s32 $0xFFFFC000  }
0x49: {  	[spmem:s2] =	stream.indirect.scatter.add.f32 [tilespmem:s17], [sflag:$0x3], $0x80, s25, s16, $0xb8;
	[tilespmem:$0x1E800] =	vst v63  }
0x4a: {  	_ =	swait.ge [sflag:s14], $0x4000  }
0x4b: {  	[sflag:s14] =	ssyncset.done $0x0  }
0x4c: {  	[sflag:s14] =	ssyncadd.s32 $0xFFFFC000  }
0x4d: {  	_ =	swait.ge [sflag:s20], $0x4000  }
0x4e: {  	[sflag:s20] =	ssyncset.done $0x0  }
0x4f: {  	s22 =	sadd.s32 $0x1480, s22;
	[sflag:s20] =	ssyncadd.s32 $0xFFFFC000  }
0x50: {  	[spmem:s2] =	stream.indirect.scatter.add.f32 [tilespmem:s18], [sflag:$0x3], $0x80, s22, s16, $0xb8;
	[tilespmem:$0x1E800] =	vst v63  }
0x51: {  	_ =	swait.ge [sflag:s14], $0x4000  }
0x52: {  	[sflag:s14] =	ssyncset.done $0x0  }
0x53: {  	s26 =	simm.s32 $0x0;
	[sflag:s14] =	ssyncadd.s32 $0xFFFFC000  }
0x54: {  	[tilespmem:s26], [sflag:$0x3] =	stream.linear.gather [hbm4b:s9+s26], $0x1400, $0x38;
	[tilespmem:$0x1E800] =	vst v63  }
0x55: {  	_ =	swait.ge [sflag:s14], $0x1400  }
0x56: {  	[sflag:s14] =	ssyncset.done $0x0  }
0x57: {  	[sflag:s14] =	ssyncadd.s32 $0xFFFFEC00  }
0x58: {  	[tilespmem:s15], [sflag:$0x3] =	stream.linear.gather [hbm4b:s10+s26], $0x1400, $0x38;
	[tilespmem:$0x1E800] =	vst v63  }
0x59: {  	_ =	swait.ge [sflag:s14], $0x1400  }
0x5a: {  	[sflag:s14] =	ssyncset.done $0x0  }
0x5b: {  	s28 =	simm.s32 $0x0;
	[sflag:s14] =	ssyncadd.s32 $0xFFFFEC00  }
0x5c: {  	[tilespmem:s17], [sflag:$0x1] =	stream.indirect.gather [hbm4b:s4+s16], $0x80, s28, s16, $0xb8;
	[tilespmem:$0x1E800] =	vst v63  }
0x5d: {  	s29 =	simm.s32 $0x80  }
0x5e: {  	[tilespmem:s18], [sflag:$0x2] =	stream.indirect.gather [hbm4b:s4+s16], $0x80, s29, s16, $0xb8;
	[tilespmem:$0x1E800] =	vst v63  }
0x5f: {  	_ =	swait.ge [sflag:s19], $0x4000  }
0x60: {  	[sflag:s19] =	ssyncset.done $0x0  }
0x61: {  	s30 =	simm.s32 $0x1400;
	[sflag:s19] =	ssyncadd.s32 $0xFFFFC000  }
0x62: {  	[spmem:s2] =	stream.indirect.scatter.add.f32 [tilespmem:s17], [sflag:$0x3], $0x80, s30, s16, $0xb8;
	[tilespmem:$0x1E800] =	vst v63  }
0x63: {  	_ =	swait.ge [sflag:s14], $0x4000  }
0x64: {  	[sflag:s14] =	ssyncset.done $0x0  }
0x65: {  	[sflag:s14] =	ssyncadd.s32 $0xFFFFC000  }
0x66: {  	_ =	swait.ge [sflag:s20], $0x4000  }
0x67: {  	[sflag:s20] =	ssyncset.done $0x0  }
0x68: {  	s31 =	simm.s32 $0x1480;
	[sflag:s20] =	ssyncadd.s32 $0xFFFFC000  }
0x69: {  	[spmem:s2] =	stream.indirect.scatter.add.f32 [tilespmem:s18], [sflag:$0x3], $0x80, s31, s16, $0xb8;
	[tilespmem:$0x1E800] =	vst v63  }
0x6a: {  	_ =	swait.ge [sflag:s14], $0x4000  }
0x6b: {  	s23 =	simm.s32 $0x800;
	s22 =	simm.s32 $0x400;
	[sflag:s14] =	ssyncset.done $0x0  }
.LBB2_4:
0x6c: {  	s24 =	sshra.s32 s22, $0x2  }
0x6d: {  	[sflag:s14] =	ssyncadd.s32 $0xFFFFC000;
	s22 =	smov.u32 s23;
	s25 =	sadd.s32 $0x400, s23  }
0x6e: {  	[tilespmem:s17], [sflag:$0x1] =	stream.indirect.gather [hbm4b:s4+s16], $0x80, s24, s16, $0xb8;
	[tilespmem:$0x1E800] =	vst v63  }
0x6f: {  	p0 =	sne.s32 s23, $0x4C00;
	s23 =	sadd.s32 $0x80, s24  }
0x70: {  	[tilespmem:s18], [sflag:$0x2] =	stream.indirect.gather [hbm4b:s4+s16], $0x80, s23, s16, $0xb8;
	[tilespmem:$0x1E800] =	vst v63  }
0x71: {  	_ =	swait.ge [sflag:s19], $0x4000  }
0x72: {  	[sflag:s19] =	ssyncset.done $0x0  }
0x73: {  	s23 =	sadd.s32 $0x1400, s24;
	[sflag:s19] =	ssyncadd.s32 $0xFFFFC000  }
0x74: {  	[spmem:s2] =	stream.indirect.scatter.add.f32 [tilespmem:s17], [sflag:$0x3], $0x80, s23, s16, $0xb8;
	[tilespmem:$0x1E800] =	vst v63  }
0x75: {  	_ =	swait.ge [sflag:s14], $0x4000  }
0x76: {  	[sflag:s14] =	ssyncset.done $0x0  }
0x77: {  	[sflag:s14] =	ssyncadd.s32 $0xFFFFC000  }
0x78: {  	_ =	swait.ge [sflag:s20], $0x4000  }
.Ltmp1:
0x79: {  	[sflag:s20] =	ssyncset.done $0x0;
	(pc) =	sbr.rel @p0 .LBB2_4-.Ltmp1, $4  }
0x7a: {  	s23 =	sadd.s32 $0x1480, s24;
	[sflag:s20] =	ssyncadd.s32 $0xFFFFC000  }
0x7b: {  	[spmem:s2] =	stream.indirect.scatter.add.f32 [tilespmem:s18], [sflag:$0x3], $0x80, s23, s16, $0xb8;
	[tilespmem:$0x1E800] =	vst v63  }
0x7c: {  	_ =	swait.ge [sflag:s14], $0x4000  }
0x7d: {  	s23 =	smov.u32 s25;
	[sflag:s14] =	ssyncset.done $0x0  }
0x7e: {  	s22 =	sshra.s32 s22, $0x2;
	[sflag:s14] =	ssyncadd.s32 $0xFFFFC000  }
0x7f: {  	[tilespmem:s17], [sflag:$0x1] =	stream.indirect.gather [hbm4b:s4+s16], $0x80, s22, s16, $0xb8;
	[tilespmem:$0x1E800] =	vst v63  }
0x80: {  	s23 =	sadd.s32 $0x80, s22  }
0x81: {  	[tilespmem:s18], [sflag:$0x2] =	stream.indirect.gather [hbm4b:s4+s16], $0x80, s23, s16, $0xb8;
	[tilespmem:$0x1E800] =	vst v63  }
0x82: {  	_ =	swait.ge [sflag:s19], $0x4000  }
0x83: {  	[sflag:s19] =	ssyncset.done $0x0  }
0x84: {  	s31 =	sadd.s32 $0x1400, s22;
	[sflag:s19] =	ssyncadd.s32 $0xFFFFC000  }
0x85: {  	[spmem:s2] =	stream.indirect.scatter.add.f32 [tilespmem:s17], [sflag:$0x3], $0x80, s31, s16, $0xb8;
	[tilespmem:$0x1E800] =	vst v63  }
0x86: {  	_ =	swait.ge [sflag:s14], $0x4000  }
0x87: {  	[sflag:s14] =	ssyncset.done $0x0  }
0x88: {  	[sflag:s14] =	ssyncadd.s32 $0xFFFFC000  }
0x89: {  	_ =	swait.ge [sflag:s20], $0x4000  }
0x8a: {  	[sflag:s20] =	ssyncset.done $0x0  }
0x8b: {  	s22 =	sadd.s32 $0x1480, s22;
	[sflag:s20] =	ssyncadd.s32 $0xFFFFC000  }
0x8c: {  	[spmem:s2] =	stream.indirect.scatter.add.f32 [tilespmem:s18], [sflag:$0x3], $0x80, s22, s16, $0xb8;
	[tilespmem:$0x1E800] =	vst v63  }
0x8d: {  	_ =	swait.ge [sflag:s14], $0x4000  }
0x8e: {  	s21 =	sadd.s32 $0x1, s21;
	[sflag:s14] =	ssyncset.done $0x0  }
0x8f: {  	p0 =	sne.s32 s21, s12;
	[sflag:s14] =	ssyncadd.s32 $0xFFFFC000  }
.Ltmp2:
0x90: {  	[bflag:$0x0] =	sbarrier.arrive $0xFFFF;
	(pc) =	sbr.rel @p0 .LBB2_1-.Ltmp2, $4  }
0x91: {  	[hbm:s11], [sflag:s6] =	dma.local [spmem:s13], $0x2800  }
0x92: {  	_ =	swait.ge [sflag:s14], $0x2800  }
0x93: {  	[sflag:s14] =	ssyncset.done $0x0  }
0x94: {  	[sflag:s14] =	ssyncadd.s32 $0xFFFFD800  }
0x95: {  	_ =	sfence.sel $0x180000  }
0x96: {  	[bflag:$0x0] =	sbarrier.arrive $0xFFFF  }
0x97: {  	p0 =	sne.s32 s1, $0x0;
	_ =	strace $0x9000004D  }
0x98: {  	s0 =	sadd.s32 @!p0 $0x100000, s0;
	[bflag:$0x2] =	sbarrier.arrive $0xFFFF  }
0x99: {  	[sflag:s0] =	ssyncadd.tile.s32 @!p0 $0x1;
	_ =	shalt  }
.Lfunc_end2:
_tile_overlayer_lowered:
.L_overlay_start_2:
0x9a: {  	(tag) =	ssettag $0x2  }
0x9b: {  	s0 =	rddreg [dreg:$0x0];
	s2 =	stileid.u32  }
0x9c: {  	s1 =	rddreg [dreg:$0x1];
	p0 =	sne.s32 s2, $0x0  }
0x9d: {  	s3 =	rddreg [dreg:$0x2];
	[bflag:$0x3] =	sbarrier.arrive $0xFFFF;
	s2 =	simm.s32 @!p0 $0x1C03  }
0x9e: {  	[timem:s3], [sflag:s2] =	dma.local @!p0 [hbm:s0], s1  }
0x9f: {  	s0 =	simm.s32 @!p0 $0x3  }
0xa0: {  	_ =	swait.ge @!p0 [sflag:s0], s1  }
0xa1: {  	s1 =	ssub.s32 @!p0 $0x0, s1;
	[sflag:s0] =	ssyncset.done @!p0 $0x0  }
0xa2: {  	[sflag:s0] =	ssyncadd.s32 @!p0 s1  }
0xa3: {  	[bflag:$0x3] =	sbarrier.arrive $0xFFFF  }
0xa4: {  	_ =	shalt  }

// kernel: kernel.20.cloned.1.call-start
scs
__scs_entry_jumppad:
0x0: {  	(pc) =	sbr.rel $0x88, $3  }
0x1: {  	(tag) =	ssettag $0x0;
	lr =	simm.s32 $0x1  }
0x2: {  	[smem:$0x3F95] =	sst lr;
	_ =	strace $0xD0000000  }
0x3: {  	_ = 	snop  }
0x4: {  	_ = 	snop  }
0x5: {  	_ = 	snop  }
0x6: {  	_ = 	snop  }
0x7: {  	_ = 	snop  }
__scs_overlays_trampoline_lowered:
0x8: {  	[smem:$0x3FA4] =	sst s0  }
0x9: {  	[smem:$0x3FA5] =	sst s1  }
0xa: {  	[smem:$0x3FA6] =	sst s2  }
0xb: {  	[smem:$0x3FA7] =	sst s3  }
0xc: {  	[smem:$0x3FA8] =	sst s4  }
0xd: {  	[smem:$0x3FA9] =	sst s5  }
0xe: {  	[smem:$0x3FAA] =	sst s6  }
0xf: {  	[smem:$0x3FAB] =	sst s7  }
0x10: {  	[smem:$0x3FAC] =	sst s8  }
0x11: {  	[smem:$0x3FAD] =	sst s9;
	s0 =	simm.s32 @!p0 $0x0  }
0x12: {  	s1 =	sld [smem:$0x3F93];
	s0 =	simm.s32 @p0 $0x1  }
0x13: {  	[smem:$0x3FAE] =	sst s0;
	s0 =	simm.s32 @!p1 $0x0  }
0x14: {  	s2 =	sld [smem:$0x3F92];
	s0 =	simm.s32 @p1 $0x1  }
0x15: {  	[smem:$0x3FAF] =	sst s0;
	s0 =	simm.s32 @!p2 $0x0  }
0x16: {  	s3 =	sld [smem:$0x3FDB];
	s0 =	simm.s32 @p2 $0x1  }
0x17: {  	s4 =	simm.s32 $0x1BF5;
	[smem:$0x3FB1] =	sst s0  }
0x18: {  	s0 =	sld [smem:$0x3F94];
	_ =	swait.ge [sflag:s4], $0x0  }
0x19: {  	s7 =	sld [smem:$0x3F95]  }
0x1a: {  	s8 =	sadd.s32 $0xFFFFE003, lr  }
0x1b: {  	s9 =	sadd.s32 $0xFFFFFEF7, lr;
	s5 =	simm.s32 $0xFFFFFFFF;
	p2 =	slt.u32 s8, $0xFFFFF086  }
0x1c: {  	p1 =	slt.u32 s9, $0xF7A;
	s5 =	simm.s32 @!p2 $0x0  }
0x1d: {  	s5 =	simm.s32 @p1 $0x1;
	p0 =	seq.s32 s7, s2  }
0x1e: {  	s7 =	smul.u32 @!p0 $0xF7A, s2;
	p2 =	seq.s32 @!p0 s5, $0x0  }
0x1f: {  	s9 =	smul.u32 $0xF7A, s1;
	s8 =	simm.s32 @!p0 $0x1BF5;
	p2 =	por !p2, p0  }
0x20: {  	[sflag:s8] =	ssyncset.s32 @!p0 $0xFFFFF086;
	s6 =	sadd.s32 @!p0 s3, s7;
	s7 =	simm.s32 @!p0 $0x108  }
0x21: {  	s3 =	sadd.s32 s3, s9;
	s6 =	sadd.s32 @!p0 $0x88, s6;
	s7 =	simm.s32 @p2 $0x1082  }
0x22: {  	[simem:s7], [sflag:s8] =	dma.local @!p0 [hbm:s6], $0xF7A  }
0x23: {  	s9 =	sor.u32 $0xD0000000, s2;
	s6 =	simm.s32 $0x108;
	_ =	swait.ge @!p0 [sflag:s8], $0x0  }
0x24: {  	s3 =	sadd.s32 $0x88, s3;
	s6 =	simm.s32 @!p1 $0x1082;
	[sflag:s4] =	ssyncset.s32 $0xFFFFF086  }
0x25: {  	[simem:s6], [sflag:s4] =	dma.local [hbm:s3], $0xF7A  }
0x26: {  	[smem:$0x3F95] =	sst s1;
	(tag) =	ssettag s2;
	_ =	strace s9  }
0x27: {  	s1 =	sld [smem:$0x3FA5]  }
0x28: {  	s2 =	sld [smem:$0x3FA6]  }
0x29: {  	s4 =	sld [smem:$0x3FA8]  }
0x2a: {  	p0 =	seq.s32 s5, $0x0;
	s5 =	sld [smem:$0x3FA9]  }
0x2b: {  	s6 =	sld [smem:$0x3FAA]  }
0x2c: {  	s7 =	sld [smem:$0x3FAB]  }
0x2d: {  	s3 =	simm.s32 $0x108;
	s8 =	sld [smem:$0x3FAC]  }
0x2e: {  	s3 =	simm.s32 @!p0 $0x1082;
	s9 =	sld [smem:$0x3FAD]  }
0x2f: {  	lr =	sadd.s32 s0, s3;
	s0 =	sld [smem:$0x3FA4]  }
0x30: {  	s3 =	sld [smem:$0x3FA7]  }
0x31: {  	[smem:$0x3FB0] =	sst s10  }
0x32: {  	s10 =	sld [smem:$0x3FAE];
	_ =	sdelay $0x3  }
0x33: {  	p0 =	seq.s32 s10, $0x1;
	s10 =	sld [smem:$0x3FB0];
	_ =	sdelay $0x3  }
0x34: {  	[smem:$0x3FB0] =	sst s10  }
0x35: {  	s10 =	sld [smem:$0x3FAF];
	_ =	sdelay $0x3  }
0x36: {  	p1 =	seq.s32 s10, $0x1;
	s10 =	sld [smem:$0x3FB0];
	_ =	sdelay $0x3  }
0x37: {  	[smem:$0x3FB0] =	sst s10  }
0x38: {  	s10 =	sld [smem:$0x3FB1]  }
0x39: {  	_ = 	snop;
	(pc) =	sbr.ind lr, $3  }
0x3a: {  	_ = 	snop  }
0x3b: {  	_ = 	snop  }
0x3c: {  	p2 =	seq.s32 s10, $0x1;
	s10 =	sld [smem:$0x3FB0]  }
0x3d: {  	_ =	shalt  }
0x3e: {  	_ =	shalt  }
0x3f: {  	_ =	shalt  }
0x40: {  	_ =	shalt  }
0x41: {  	_ =	shalt  }
0x42: {  	_ =	shalt  }
0x43: {  	_ =	shalt  }
0x44: {  	_ =	shalt  }
0x45: {  	_ =	shalt  }
0x46: {  	_ =	shalt  }
0x47: {  	_ =	shalt  }
0x48: {  	_ =	shalt  }
0x49: {  	_ =	shalt  }
0x4a: {  	_ =	shalt  }
0x4b: {  	_ =	shalt  }
0x4c: {  	_ =	shalt  }
0x4d: {  	_ =	shalt  }
0x4e: {  	_ =	shalt  }
0x4f: {  	_ =	shalt  }
0x50: {  	_ =	shalt  }
0x51: {  	_ =	shalt  }
0x52: {  	_ =	shalt  }
0x53: {  	_ =	shalt  }
0x54: {  	_ =	shalt  }
0x55: {  	_ =	shalt  }
0x56: {  	_ =	shalt  }
0x57: {  	_ =	shalt  }
0x58: {  	_ =	shalt  }
0x59: {  	_ =	shalt  }
0x5a: {  	_ =	shalt  }
0x5b: {  	_ =	shalt  }
0x5c: {  	_ =	shalt  }
0x5d: {  	_ =	shalt  }
0x5e: {  	_ =	shalt  }
0x5f: {  	_ =	shalt  }
0x60: {  	_ =	shalt  }
0x61: {  	_ =	shalt  }
0x62: {  	_ =	shalt  }
0x63: {  	_ =	shalt  }
0x64: {  	_ =	shalt  }
0x65: {  	_ =	shalt  }
0x66: {  	_ =	shalt  }
0x67: {  	_ =	shalt  }
0x68: {  	_ =	shalt  }
0x69: {  	_ =	shalt  }
0x6a: {  	_ =	shalt  }
0x6b: {  	_ =	shalt  }
0x6c: {  	_ =	shalt  }
0x6d: {  	_ =	shalt  }
0x6e: {  	_ =	shalt  }
0x6f: {  	_ =	shalt  }
0x70: {  	_ =	shalt  }
0x71: {  	_ =	shalt  }
0x72: {  	_ =	shalt  }
0x73: {  	_ =	shalt  }
0x74: {  	_ =	shalt  }
0x75: {  	_ =	shalt  }
0x76: {  	_ =	shalt  }
0x77: {  	_ =	shalt  }
0x78: {  	_ =	shalt  }
0x79: {  	_ =	shalt  }
0x7a: {  	_ =	shalt  }
0x7b: {  	_ =	shalt  }
0x7c: {  	_ =	shalt  }
0x7d: {  	_ =	shalt  }
0x7e: {  	_ =	shalt  }
0x7f: {  	_ =	shalt  }
0x80: {  	_ =	shalt  }
0x81: {  	_ =	shalt  }
0x82: {  	_ =	shalt  }
0x83: {  	_ =	shalt  }
0x84: {  	_ =	shalt  }
0x85: {  	_ =	shalt  }
0x86: {  	_ =	shalt  }
0x87: {  	_ =	shalt  }
.Lfunc_end0:
.L_simem_size_0:
called_computation.3_lowered:
.L_overlay_start_0:
0x88: {  	s2 =	sld [smem:$0x3FD9]  }
0x89: {  	s3 =	sld [smem:$0x3FFE];
	_ =	sdelay $0x1  }
0x8a: {  	s1 =	srdreg.scid  }
0x8b: {  	s0 =	sand.u32 $0x1, s1  }
0x8c: {  	s17 =	sshll.u32 s0, $0xA;
	s2 =	sadd.s32 s3, s2  }
0x8d: {  	s2 =	sadd.s32 s2, s17  }
0x8e: {  	[smem:$0x3FBC] =	sst s2  }
0x8f: {  	_ = 	snop  }
0x90: {  	s2 =	sld [smem:$0x3FD0];
	(tm) =	ssettm $0x1  }
0x91: {  	s18 =	sld [smem:$0x3FFB];
	_ =	sdelay $0x3  }
0x92: {  	_ =	strace s18  }
0x93: {  	s3 =	sld [smem:$0x3FFC];
	_ =	sdelay $0x3  }
0x94: {  	_ =	strace s3  }
0x95: {  	s3 =	sld [smem:$0x3FFD];
	_ =	sdelay $0x3  }
0x96: {  	_ =	strace s3  }
0x97: {  	_ =	strace $0x8FFFFFFF  }
0x98: {  	s19 =	sld [smem:$0x3FDB];
	_ =	sdelay $0x1  }
0x99: {  	s4 =	simm.s32 $_scs_section_size  }
0x9a: {  	s5 =	simm.s32 $_size__tile_overlayer_lowered;
	s6 =	simm.s32 $_tile_overlayer_lowered  }
0x9b: {  	s22 =	simm.s32 $0x1BFF;
	s21 =	sshll.u32 s6, $0x1;
	s3 =	sadd.s32 s4, s19  }
0x9c: {  	s7 =	simm.s32 $0x0;
	s20 =	sshll.u32 s5, $0x1;
	s5 =	sadd.s32 s21, s3  }
0x9d: {  	[timem:s7], [sflag:s22] =	dma.local [hbm:s5], s20  }
0x9e: {  	_ =	swait.ge [sflag:s22], s20  }
0x9f: {  	s4 =	ssub.s32 $0x0, s20;
	[sflag:s22] =	ssyncset.done $0x0  }
0xa0: {  	[sflag:s22] =	ssyncadd.s32 s4;
	_ =	sdelay $0x1  }
0xa1: {  	s23 =	simm.s32 $0x1B8B  }
0xa2: {  	_ =	swait.ge [sflag:s23], $0x1  }
0xa3: {  	[sflag:s23] =	ssyncset.done $0x0  }
0xa4: {  	s25 =	simm.s32 $0x1B8E;
	s24 =	sld [smem:$0x3FFE];
	[sflag:s23] =	ssyncadd.s32 $0xFFFFFFFF  }
0xa5: {  	s26 =	simm.s32 $execute0_lowered;
	[smem:$0x3FD2] =	sst s25  }
0xa6: {  	s5 =	sshll.u32 s26, $0x1;
	_ =	strace $0x8000004F;
	[dreg:$0x1] =	wrdreg $0xFFFFFFFF  }
0xa7: {  	s28 =	simm.s32 $_size_execute0_lowered;
	s3 =	sadd.s32 s3, s5;
	[dreg:$0x0] =	wrdreg $0x0  }
0xa8: {  	s5 =	sshll.u32 s28, $0x1;
	[dreg:$0x2] =	wrdreg s3  }
0xa9: {  	[dreg:$0x3] =	wrdreg s5  }
0xaa: {  	[dreg:$0x4] =	wrdreg $0xC0  }
0xab: {  	_ =	task [dreg:s7], $0x5FFFF  }
0xac: {  	[dreg:$0x1] =	wrdreg $0xFFFFFFFF  }
0xad: {  	[dreg:$0x0] =	wrdreg $0x60  }
0xae: {  	[dreg:$0x2] =	wrdreg s24  }
0xaf: {  	[dreg:$0x3] =	wrdreg s2  }
0xb0: {  	[dreg:$0x4] =	wrdreg $0xA8000  }
0xb1: {  	[dreg:$0x5] =	wrdreg $0x9  }
0xb2: {  	_ =	task.clear_ibuf [dreg:s7], $0x6FFFF;
	_ =	strace $0x9000004F  }
0xb3: {  	s29 =	simm.s32 $0x9;
	_ =	strace $0x80000051  }
0xb4: {  	_ =	swait.ge [sflag:s29], $0x1  }
0xb5: {  	[sflag:s29] =	ssyncadd.s32 $0xFFFFFFFF  }
0xb6: {  	_ =	strace $0x90000051  }
0xb7: {  	_ =	sfence  }
0xb8: {  	s30 =	sld [smem:$0x0];
	_ =	sdelay $0x2  }
0xb9: {  	s31 =	sshll.u32 s1, $0xD;
	s1 =	sshrl.u32 s1, $0x2  }
0xba: {  	s3 =	sand.u32 $0x4000, s31;
	s1 =	sadd.s32 s1, s30  }
0xbb: {  	s0 =	sor.u32 s3, s0;
	s1 =	sshll.u32 s1, $0x11  }
0xbc: {  	s0 =	sor.u32 s1, s0  }
0xbd: {  	s0 =	sadd.s32 $0x8F2B, s0  }
0xbe: {  	[sflag:s0] =	ssyncadd.remote.s32 $0x1  }
0xbf: {  	_ =	sfence.sel $0xFFFF  }
0xc0: {  	[dreg:$0x0] =	wrdreg $0xFFFFFFFF;
	(pc) =	sbr.abs _section_cstart, $3  }
0xc1: {  	[dreg:$0x1] =	wrdreg $0xFFFFFFFF  }
0xc2: {  	_ =	task.clear_ibuf [dreg:s7], $0x2FFFF;
	_ =	strace $0x9FFFFFFF  }
0xc3: {  	(tm) =	ssettm $0x7FFFFFFF  }
tec
execute0_lowered:
.L_overlay_start_1:
0x0: {  	(tag) =	ssettag $0x1  }
0x1: {  	s5 =	rddreg [dreg:$0x0]  }
0x2: {  	s10 =	rddreg [dreg:$0x1]  }
0x3: {  	s2 =	rddreg [dreg:$0x2]  }
0x4: {  	s0 =	rddreg [dreg:$0x3];
	s4 =	srdreg.scid  }
0x5: {  	s1 =	stileid.u32;
	s3 =	simm.s32 $0x0;
	s15 =	simm.s32 $0x1400  }
0x6: {  	s16 =	simm.s32 $0x80;
	s17 =	simm.s32 $0x2800;
	s18 =	simm.s32 $0x6800  }
0x7: {  	s19 =	simm.s32 $0x1;
	s20 =	simm.s32 $0x2;
	s21 =	simm.s32 $0x0  }
0x8: {  	s6 =	sand.u32 $0x1, s4;
	s7 =	smul.u32 $0x14000, s1;
	[smem:$0x7FF] =	sst s3  }
0x9: {  	s4 =	sadd.s32 $0xD800, s5;
	s9 =	sadd.s32 $0x3800, s5;
	s11 =	smul.u32 $0x50000, s1  }
0xa: {  	s12 =	sshll.u32 s1, $0x1;
	s29 =	sshll.u32 s1, $0x6;
	s8 =	smul.u32 $0x140000, s6  }
0xb: {  	_ =	strace $0x80000050;
	s13 =	ssub.s32 $0x2, s6;
	s6 =	sor.u32 s6, s12  }
0xc: {  	s25 =	sshrl.u32 s13, $0x1;
	s11 =	sshrl.u32 s11, $0x2;
	s6 =	smul.u32 $0x2800, s6  }
0xd: {  	s28 =	sshrl.u32 s7, $0x3;
	s8 =	sadd.s32 s7, s8;
	s12 =	ssub.s32 s13, s25  }
0xe: {  	s26 =	sadd.s32 s11, s2;
	s8 =	sshrl.u32 s8, $0x3;
	s30 =	sshrl.u32 s6, $0x3  }
0xf: {  	s6 =	sor.u32 $0x1C03, s29;
	s12 =	smax.u32 s12, $0x1;
	s13 =	sshrl.u32 s26, $0x3  }
0x10: {  	s14 =	sadd.s32 s8, s5;
	s5 =	sadd.s32 s4, s28;
	s31 =	sadd.s32 $0x280, s30  }
0x11: {  	s7 =	sadd.s32 s9, s30;
	s8 =	sadd.s32 s10, s30;
	s9 =	sadd.s32 s9, s31  }
0x12: {  	s10 =	sadd.s32 s10, s31;
	s11 =	sadd.s32 $0x35800, s14;
	s14 =	simm.s32 $0x3  }
.LBB2_1:
0x13: {  	[spmem:s13], [sflag:s6] =	dma.local [hbm:s5], $0x2800  }
0x14: {  	_ =	swait.ge [sflag:s14], $0x2800  }
0x15: {  	[sflag:s14] =	ssyncset.done $0x0  }
0x16: {  	[sflag:s14] =	ssyncadd.s32 $0xFFFFD800  }
0x17: {  	[bflag:$0x0] =	sbarrier.arrive $0xFFFF  }
0x18: {  	[tilespmem:s3], [sflag:$0x3] =	stream.linear.gather [hbm4b:s7+s3], $0x1400, $0x38;
	[tilespmem:$0x1E800] =	vst v63  }
0x19: {  	_ =	swait.ge [sflag:s14], $0x1400  }
0x1a: {  	[sflag:s14] =	ssyncset.done $0x0  }
0x1b: {  	[sflag:s14] =	ssyncadd.s32 $0xFFFFEC00  }
0x1c: {  	[tilespmem:s15], [sflag:$0x3] =	stream.linear.gather [hbm4b:s8+s3], $0x1400, $0x38;
	[tilespmem:$0x1E800] =	vst v63  }
0x1d: {  	_ =	swait.ge [sflag:s14], $0x1400  }
0x1e: {  	[sflag:s14] =	ssyncset.done $0x0  }
0x1f: {  	s22 =	simm.s32 $0x0;
	[sflag:s14] =	ssyncadd.s32 $0xFFFFEC00  }
0x20: {  	[tilespmem:s17], [sflag:$0x1] =	stream.indirect.gather [hbm4b:s4+s16], $0x80, s22, s16, $0xb8;
	[tilespmem:$0x1E800] =	vst v63  }
0x21: {  	s29 =	simm.s32 $0x80  }
0x22: {  	[tilespmem:s18], [sflag:$0x2] =	stream.indirect.gather [hbm4b:s4+s16], $0x80, s29, s16, $0xb8;
	[tilespmem:$0x1E800] =	vst v63  }
0x23: {  	_ =	swait.ge [sflag:s19], $0x4000  }
0x24: {  	[sflag:s19] =	ssyncset.done $0x0  }
0x25: {  	s30 =	simm.s32 $0x1400;
	[sflag:s19] =	ssyncadd.s32 $0xFFFFC000  }
0x26: {  	[spmem:s2] =	stream.indirect.scatter.add.f32 [tilespmem:s17], [sflag:$0x3], $0x80, s30, s16, $0xb8;
	[tilespmem:$0x1E800] =	vst v63  }
0x27: {  	_ =	swait.ge [sflag:s14], $0x4000  }
0x28: {  	[sflag:s14] =	ssyncset.done $0x0  }
0x29: {  	[sflag:s14] =	ssyncadd.s32 $0xFFFFC000  }
0x2a: {  	_ =	swait.ge [sflag:s20], $0x4000  }
0x2b: {  	[sflag:s20] =	ssyncset.done $0x0  }
0x2c: {  	s31 =	simm.s32 $0x1480;
	[sflag:s20] =	ssyncadd.s32 $0xFFFFC000  }
0x2d: {  	[spmem:s2] =	stream.indirect.scatter.add.f32 [tilespmem:s18], [sflag:$0x3], $0x80, s31, s16, $0xb8;
	[tilespmem:$0x1E800] =	vst v63  }
0x2e: {  	_ =	swait.ge [sflag:s14], $0x4000  }
0x2f: {  	s23 =	simm.s32 $0x800;
	s22 =	simm.s32 $0x400;
	[sflag:s14] =	ssyncset.done $0x0  }
.LBB2_2:
0x30: {  	s24 =	sshra.s32 s22, $0x2  }
0x31: {  	[sflag:s14] =	ssyncadd.s32 $0xFFFFC000;
	s22 =	smov.u32 s23;
	s25 =	sadd.s32 $0x400, s23  }
0x32: {  	[tilespmem:s17], [sflag:$0x1] =	stream.indirect.gather [hbm4b:s4+s16], $0x80, s24, s16, $0xb8;
	[tilespmem:$0x1E800] =	vst v63  }
0x33: {  	p0 =	sne.s32 s23, $0x4C00;
	s23 =	sadd.s32 $0x80, s24  }
0x34: {  	[tilespmem:s18], [sflag:$0x2] =	stream.indirect.gather [hbm4b:s4+s16], $0x80, s23, s16, $0xb8;
	[tilespmem:$0x1E800] =	vst v63  }
0x35: {  	_ =	swait.ge [sflag:s19], $0x4000  }
0x36: {  	[sflag:s19] =	ssyncset.done $0x0  }
0x37: {  	s23 =	sadd.s32 $0x1400, s24;
	[sflag:s19] =	ssyncadd.s32 $0xFFFFC000  }
0x38: {  	[spmem:s2] =	stream.indirect.scatter.add.f32 [tilespmem:s17], [sflag:$0x3], $0x80, s23, s16, $0xb8;
	[tilespmem:$0x1E800] =	vst v63  }
0x39: {  	_ =	swait.ge [sflag:s14], $0x4000  }
0x3a: {  	[sflag:s14] =	ssyncset.done $0x0  }
0x3b: {  	[sflag:s14] =	ssyncadd.s32 $0xFFFFC000  }
0x3c: {  	_ =	swait.ge [sflag:s20], $0x4000  }
.Ltmp0:
0x3d: {  	[sflag:s20] =	ssyncset.done $0x0;
	(pc) =	sbr.rel @p0 .LBB2_2-.Ltmp0, $4  }
0x3e: {  	s23 =	sadd.s32 $0x1480, s24;
	[sflag:s20] =	ssyncadd.s32 $0xFFFFC000  }
0x3f: {  	[spmem:s2] =	stream.indirect.scatter.add.f32 [tilespmem:s18], [sflag:$0x3], $0x80, s23, s16, $0xb8;
	[tilespmem:$0x1E800] =	vst v63  }
0x40: {  	_ =	swait.ge [sflag:s14], $0x4000  }
0x41: {  	s23 =	smov.u32 s25;
	[sflag:s14] =	ssyncset.done $0x0  }
0x42: {  	s22 =	sshra.s32 s22, $0x2;
	[sflag:s14] =	ssyncadd.s32 $0xFFFFC000  }
0x43: {  	[tilespmem:s17], [sflag:$0x1] =	stream.indirect.gather [hbm4b:s4+s16], $0x80, s22, s16, $0xb8;
	[tilespmem:$0x1E800] =	vst v63  }
0x44: {  	s23 =	sadd.s32 $0x80, s22  }
0x45: {  	[tilespmem:s18], [sflag:$0x2] =	stream.indirect.gather [hbm4b:s4+s16], $0x80, s23, s16, $0xb8;
	[tilespmem:$0x1E800] =	vst v63  }
0x46: {  	_ =	swait.ge [sflag:s19], $0x4000  }
0x47: {  	[sflag:s19] =	ssyncset.done $0x0  }
0x48: {  	s25 =	sadd.s32 $0x1400, s22;
	[sflag:s19] =	ssyncadd.s32 $0xFFFFC000  }
0x49: {  	[spmem:s2] =	stream.indirect.scatter.add.f32 [tilespmem:s17], [sflag:$0x3], $0x80, s25, s16, $0xb8;
	[tilespmem:$0x1E800] =	vst v63  }
0x4a: {  	_ =	swait.ge [sflag:s14], $0x4000  }
0x4b: {  	[sflag:s14] =	ssyncset.done $0x0  }
0x4c: {  	[sflag:s14] =	ssyncadd.s32 $0xFFFFC000  }
0x4d: {  	_ =	swait.ge [sflag:s20], $0x4000  }
0x4e: {  	[sflag:s20] =	ssyncset.done $0x0  }
0x4f: {  	s22 =	sadd.s32 $0x1480, s22;
	[sflag:s20] =	ssyncadd.s32 $0xFFFFC000  }
0x50: {  	[spmem:s2] =	stream.indirect.scatter.add.f32 [tilespmem:s18], [sflag:$0x3], $0x80, s22, s16, $0xb8;
	[tilespmem:$0x1E800] =	vst v63  }
0x51: {  	_ =	swait.ge [sflag:s14], $0x4000  }
0x52: {  	[sflag:s14] =	ssyncset.done $0x0  }
0x53: {  	s26 =	simm.s32 $0x0;
	[sflag:s14] =	ssyncadd.s32 $0xFFFFC000  }
0x54: {  	[tilespmem:s26], [sflag:$0x3] =	stream.linear.gather [hbm4b:s9+s26], $0x1400, $0x38;
	[tilespmem:$0x1E800] =	vst v63  }
0x55: {  	_ =	swait.ge [sflag:s14], $0x1400  }
0x56: {  	[sflag:s14] =	ssyncset.done $0x0  }
0x57: {  	[sflag:s14] =	ssyncadd.s32 $0xFFFFEC00  }
0x58: {  	[tilespmem:s15], [sflag:$0x3] =	stream.linear.gather [hbm4b:s10+s26], $0x1400, $0x38;
	[tilespmem:$0x1E800] =	vst v63  }
0x59: {  	_ =	swait.ge [sflag:s14], $0x1400  }
0x5a: {  	[sflag:s14] =	ssyncset.done $0x0  }
0x5b: {  	s28 =	simm.s32 $0x0;
	[sflag:s14] =	ssyncadd.s32 $0xFFFFEC00  }
0x5c: {  	[tilespmem:s17], [sflag:$0x1] =	stream.indirect.gather [hbm4b:s4+s16], $0x80, s28, s16, $0xb8;
	[tilespmem:$0x1E800] =	vst v63  }
0x5d: {  	s29 =	simm.s32 $0x80  }
0x5e: {  	[tilespmem:s18], [sflag:$0x2] =	stream.indirect.gather [hbm4b:s4+s16], $0x80, s29, s16, $0xb8;
	[tilespmem:$0x1E800] =	vst v63  }
0x5f: {  	_ =	swait.ge [sflag:s19], $0x4000  }
0x60: {  	[sflag:s19] =	ssyncset.done $0x0  }
0x61: {  	s30 =	simm.s32 $0x1400;
	[sflag:s19] =	ssyncadd.s32 $0xFFFFC000  }
0x62: {  	[spmem:s2] =	stream.indirect.scatter.add.f32 [tilespmem:s17], [sflag:$0x3], $0x80, s30, s16, $0xb8;
	[tilespmem:$0x1E800] =	vst v63  }
0x63: {  	_ =	swait.ge [sflag:s14], $0x4000  }
0x64: {  	[sflag:s14] =	ssyncset.done $0x0  }
0x65: {  	[sflag:s14] =	ssyncadd.s32 $0xFFFFC000  }
0x66: {  	_ =	swait.ge [sflag:s20], $0x4000  }
0x67: {  	[sflag:s20] =	ssyncset.done $0x0  }
0x68: {  	s31 =	simm.s32 $0x1480;
	[sflag:s20] =	ssyncadd.s32 $0xFFFFC000  }
0x69: {  	[spmem:s2] =	stream.indirect.scatter.add.f32 [tilespmem:s18], [sflag:$0x3], $0x80, s31, s16, $0xb8;
	[tilespmem:$0x1E800] =	vst v63  }
0x6a: {  	_ =	swait.ge [sflag:s14], $0x4000  }
0x6b: {  	s23 =	simm.s32 $0x800;
	s22 =	simm.s32 $0x400;
	[sflag:s14] =	ssyncset.done $0x0  }
.LBB2_4:
0x6c: {  	s24 =	sshra.s32 s22, $0x2  }
0x6d: {  	[sflag:s14] =	ssyncadd.s32 $0xFFFFC000;
	s22 =	smov.u32 s23;
	s25 =	sadd.s32 $0x400, s23  }
0x6e: {  	[tilespmem:s17], [sflag:$0x1] =	stream.indirect.gather [hbm4b:s4+s16], $0x80, s24, s16, $0xb8;
	[tilespmem:$0x1E800] =	vst v63  }
0x6f: {  	p0 =	sne.s32 s23, $0x4C00;
	s23 =	sadd.s32 $0x80, s24  }
0x70: {  	[tilespmem:s18], [sflag:$0x2] =	stream.indirect.gather [hbm4b:s4+s16], $0x80, s23, s16, $0xb8;
	[tilespmem:$0x1E800] =	vst v63  }
0x71: {  	_ =	swait.ge [sflag:s19], $0x4000  }
0x72: {  	[sflag:s19] =	ssyncset.done $0x0  }
0x73: {  	s23 =	sadd.s32 $0x1400, s24;
	[sflag:s19] =	ssyncadd.s32 $0xFFFFC000  }
0x74: {  	[spmem:s2] =	stream.indirect.scatter.add.f32 [tilespmem:s17], [sflag:$0x3], $0x80, s23, s16, $0xb8;
	[tilespmem:$0x1E800] =	vst v63  }
0x75: {  	_ =	swait.ge [sflag:s14], $0x4000  }
0x76: {  	[sflag:s14] =	ssyncset.done $0x0  }
0x77: {  	[sflag:s14] =	ssyncadd.s32 $0xFFFFC000  }
0x78: {  	_ =	swait.ge [sflag:s20], $0x4000  }
.Ltmp1:
0x79: {  	[sflag:s20] =	ssyncset.done $0x0;
	(pc) =	sbr.rel @p0 .LBB2_4-.Ltmp1, $4  }
0x7a: {  	s23 =	sadd.s32 $0x1480, s24;
	[sflag:s20] =	ssyncadd.s32 $0xFFFFC000  }
0x7b: {  	[spmem:s2] =	stream.indirect.scatter.add.f32 [tilespmem:s18], [sflag:$0x3], $0x80, s23, s16, $0xb8;
	[tilespmem:$0x1E800] =	vst v63  }
0x7c: {  	_ =	swait.ge [sflag:s14], $0x4000  }
0x7d: {  	s23 =	smov.u32 s25;
	[sflag:s14] =	ssyncset.done $0x0  }
0x7e: {  	s22 =	sshra.s32 s22, $0x2;
	[sflag:s14] =	ssyncadd.s32 $0xFFFFC000  }
0x7f: {  	[tilespmem:s17], [sflag:$0x1] =	stream.indirect.gather [hbm4b:s4+s16], $0x80, s22, s16, $0xb8;
	[tilespmem:$0x1E800] =	vst v63  }
0x80: {  	s23 =	sadd.s32 $0x80, s22  }
0x81: {  	[tilespmem:s18], [sflag:$0x2] =	stream.indirect.gather [hbm4b:s4+s16], $0x80, s23, s16, $0xb8;
	[tilespmem:$0x1E800] =	vst v63  }
0x82: {  	_ =	swait.ge [sflag:s19], $0x4000  }
0x83: {  	[sflag:s19] =	ssyncset.done $0x0  }
0x84: {  	s31 =	sadd.s32 $0x1400, s22;
	[sflag:s19] =	ssyncadd.s32 $0xFFFFC000  }
0x85: {  	[spmem:s2] =	stream.indirect.scatter.add.f32 [tilespmem:s17], [sflag:$0x3], $0x80, s31, s16, $0xb8;
	[tilespmem:$0x1E800] =	vst v63  }
0x86: {  	_ =	swait.ge [sflag:s14], $0x4000  }
0x87: {  	[sflag:s14] =	ssyncset.done $0x0  }
0x88: {  	[sflag:s14] =	ssyncadd.s32 $0xFFFFC000  }
0x89: {  	_ =	swait.ge [sflag:s20], $0x4000  }
0x8a: {  	[sflag:s20] =	ssyncset.done $0x0  }
0x8b: {  	s22 =	sadd.s32 $0x1480, s22;
	[sflag:s20] =	ssyncadd.s32 $0xFFFFC000  }
0x8c: {  	[spmem:s2] =	stream.indirect.scatter.add.f32 [tilespmem:s18], [sflag:$0x3], $0x80, s22, s16, $0xb8;
	[tilespmem:$0x1E800] =	vst v63  }
0x8d: {  	_ =	swait.ge [sflag:s14], $0x4000  }
0x8e: {  	s21 =	sadd.s32 $0x1, s21;
	[sflag:s14] =	ssyncset.done $0x0  }
0x8f: {  	p0 =	sne.s32 s21, s12;
	[sflag:s14] =	ssyncadd.s32 $0xFFFFC000  }
.Ltmp2:
0x90: {  	[bflag:$0x0] =	sbarrier.arrive $0xFFFF;
	(pc) =	sbr.rel @p0 .LBB2_1-.Ltmp2, $4  }
0x91: {  	[hbm:s11], [sflag:s6] =	dma.local [spmem:s13], $0x2800  }
0x92: {  	_ =	swait.ge [sflag:s14], $0x2800  }
0x93: {  	[sflag:s14] =	ssyncset.done $0x0  }
0x94: {  	[sflag:s14] =	ssyncadd.s32 $0xFFFFD800  }
0x95: {  	_ =	sfence.sel $0x180000  }
0x96: {  	[bflag:$0x0] =	sbarrier.arrive $0xFFFF  }
0x97: {  	p0 =	sne.s32 s1, $0x0;
	_ =	strace $0x90000050  }
0x98: {  	s0 =	sadd.s32 @!p0 $0x100000, s0;
	[bflag:$0x2] =	sbarrier.arrive $0xFFFF  }
0x99: {  	[sflag:s0] =	ssyncadd.tile.s32 @!p0 $0x1;
	_ =	shalt  }
.Lfunc_end2:
_tile_overlayer_lowered:
.L_overlay_start_2:
0x9a: {  	(tag) =	ssettag $0x2  }
0x9b: {  	s0 =	rddreg [dreg:$0x0];
	s2 =	stileid.u32  }
0x9c: {  	s1 =	rddreg [dreg:$0x1];
	p0 =	sne.s32 s2, $0x0  }
0x9d: {  	s3 =	rddreg [dreg:$0x2];
	[bflag:$0x3] =	sbarrier.arrive $0xFFFF;
	s2 =	simm.s32 @!p0 $0x1C03  }
0x9e: {  	[timem:s3], [sflag:s2] =	dma.local @!p0 [hbm:s0], s1  }
0x9f: {  	s0 =	simm.s32 @!p0 $0x3  }
0xa0: {  	_ =	swait.ge @!p0 [sflag:s0], s1  }
0xa1: {  	s1 =	ssub.s32 @!p0 $0x0, s1;
	[sflag:s0] =	ssyncset.done @!p0 $0x0  }
0xa2: {  	[sflag:s0] =	ssyncadd.s32 @!p0 s1  }
0xa3: {  	[bflag:$0x3] =	sbarrier.arrive $0xFFFF  }
0xa4: {  	_ =	shalt  }

</sc_bundles>
